<compile_context>
chip_gen: v7x
topology: tpu7x:2x2x1
jax: 0.10.2.dev20260603
libtpu: 0.0.44.dev20260713+nightly
codegen_flags: <defaults>
</compile_context>

<pallas_src>
import math

import jax
import jax.numpy as jnp
import numpy as np
from jax import lax
from jax.experimental import pallas as pl
from jax.experimental.pallas import tpu as pltpu
from jax.experimental.pallas import tpu_sc as plsc

MAXLEN = 512
NUM_CORES = 2
NUM_SUBCORES = 16
NW = NUM_CORES * NUM_SUBCORES
LANES = 16


def _make_pe_np(emb: int) -> np.ndarray:
    pe = np.zeros((MAXLEN, emb), dtype=np.float32)
    position = np.arange(0, MAXLEN, dtype=np.float32)[:, None]
    div_term = np.exp(
        np.arange(0, emb, 2, dtype=np.float32) * -(math.log(10000.0) / emb)
    )
    pe[:, 0::2] = np.sin(position * div_term)
    pe[:, 1::2] = np.cos(position * div_term)
    return pe


def _mesh():
    return plsc.VectorSubcoreMesh(
        core_axis_name="c",
        subcore_axis_name="s",
        num_cores=NUM_CORES,
        num_subcores=NUM_SUBCORES,
    )


def _lookup(idx_t, w_flat, pe_arr, B, L, V, D):
    factor = math.sqrt(D)
    bpw = B // NW
    ng = bpw // LANES

    @pl.kernel(
        out_type=jax.ShapeDtypeStruct((L, D // 8, B // bpw, 8, bpw),
                                      jnp.float32),
        mesh=_mesh(),
        compiler_params=pltpu.CompilerParams(
            use_tc_tiling_on_sc=False, needs_layout_passes=False
        ),
        scratch_types=[
            pltpu.VMEM((L, bpw), jnp.int32),
            pltpu.VMEM((L * D,), jnp.float32),
            pltpu.VMEM((4, bpw, D), jnp.float32),
            pltpu.VMEM((4, D // 8, 8, bpw), jnp.float32),
            pltpu.SemaphoreType.DMA,
            pltpu.SemaphoreType.DMA,
            pltpu.SemaphoreType.DMA,
            pltpu.SemaphoreType.DMA,
            pltpu.SemaphoreType.DMA,
            pltpu.SemaphoreType.DMA,
            pltpu.SemaphoreType.DMA,
            pltpu.SemaphoreType.DMA,
        ],
    )
    def body(idx_hbm, w_hbm, pe_hbm, out_hbm, idx_v, pe_v, gb, sl,
             gsem0, gsem1, gsem2, gsem3, ssem0, ssem1, ssem2, ssem3):
        wid = lax.axis_index("s") * NUM_CORES + lax.axis_index("c")
        b0 = wid * bpw
        pltpu.sync_copy(idx_hbm.at[:, pl.ds(b0, bpw)], idx_v)
        pltpu.sync_copy(pe_hbm, pe_v)

        gsems = (gsem0, gsem1, gsem2, gsem3)
        ssems = (ssem0, ssem1, ssem2, ssem3)
        biotas = [lax.iota(jnp.int32, LANES) + k * LANES for k in range(ng)]

        def gather_start(l, par):
            pltpu.make_async_copy(
                w_hbm.at[idx_v.at[l]], gb.at[par], gsems[par]
            ).start()

        def gather_wait(l, par):
            pltpu.make_async_copy(
                w_hbm.at[idx_v.at[l]], gb.at[par], gsems[par]
            ).wait()

        def scatter_start(l, par):
            pltpu.make_async_copy(
                sl.at[par], out_hbm.at[l, :, wid], ssems[par]
            ).start()

        def scatter_wait(l, par):
            pltpu.make_async_copy(
                sl.at[par], out_hbm.at[l, :, wid], ssems[par]
            ).wait()

        for i in range(3):
            gather_start(i, i)

        def step(l, par):
            @pl.when(l + 3 < L)
            def _():
                gather_start(l + 3, (par + 3) % 4)

            gather_wait(l, par)

            @pl.when(l >= 4)
            def _():
                scatter_wait(l - 4, par)

            l64 = l * D
            gbp = gb.at[par]
            slp = sl.at[par]

            @plsc.parallel_loop(0, D, unroll=4)
            def _(e):
                pev = plsc.load_gather(
                    pe_v, [jnp.full((LANES,), l64 + e, jnp.int32)]
                )
                es = jnp.full((LANES,), e, jnp.int32)
                ehi = lax.shift_right_logical(e, 3)
                elo = lax.bitwise_and(e, 7)
                for k in range(ng):
                    v = plsc.load_gather(gbp, [biotas[k], es])
                    v = v * factor + pev
                    slp[ehi, elo, pl.ds(k * LANES, LANES)] = v

            scatter_start(l, par)

        def loop4(l4, _):
            for j in range(4):
                step(4 * l4 + j, j)
            return 0

        lax.fori_loop(0, L // 4, loop4, 0)
        for l in range(L - 4, L):
            scatter_wait(l, l % 4)

    return body(idx_t, w_flat, pe_arr)


def kernel(input, weight):
    B, L = input.shape
    V, D = weight.shape
    pe = jnp.asarray(_make_pe_np(D)[:L])
    @jax.jit
    def run(inp, w, pe_arr):
        out6 = _lookup(inp.T, w, pe_arr.reshape(-1), B, L, V, D)
        return out6.transpose(2, 4, 0, 1, 3).reshape(B, L, D)

    return run(input, weight, pe)

# --- scband reference (transcript-rebuilt; emitter-appended) ---
"""Pipeline reference for scband-positional-embedding-72851235275196 (READ-ONLY COPY).

The authoritative reference and input builder live on the scoring server;
editing this copy changes nothing except your own understanding.
"""

import jax, jax.numpy as jnp
import numpy as np
import math

VOCAB = 1000000
EMB = 64
MAXLEN = 512
BATCH = 4096
SEQ = 200
FACTOR = math.sqrt(EMB)


def make_pe():
    pe = np.zeros((MAXLEN, EMB), dtype=np.float32)
    position = np.arange(0, MAXLEN, dtype=np.float32)[:, None]
    div_term = np.exp(np.arange(0, EMB, 2, dtype=np.float32) * -(math.log(10000.0) / EMB))
    pe[:, 0::2] = np.sin(position * div_term)
    pe[:, 1::2] = np.cos(position * div_term)
    return jnp.asarray(pe)[None, :, :]  # [1, MAXLEN, EMB]


def setup_inputs(seed: int = 0) -> dict:
    key = jax.random.key(seed)
    k1, k2 = jax.random.split(key)
    inp = jax.random.randint(k1, (BATCH, SEQ), 0, VOCAB, dtype=jnp.int32)
    weight = jax.random.normal(k2, (VOCAB, EMB), dtype=jnp.float32)
    return {"input": inp, "weight": weight}


def reference(input, weight):
    # nn.Embedding lookup -> gather
    emb = jnp.take(weight, input, axis=0) * FACTOR  # [B, L, EMB]
    pe = make_pe()[:, : input.shape[1], :]  # position=None branch
    out = emb + pe
    # dropout p=0.0 -> identity
    return out

if __name__ == "__main__":
    import jax
    _d = setup_inputs()
    print(jax.jit(kernel)(*tuple(_d.values())))

</pallas_src>

<mosaic_0001>
#map = affine_map<(d0, d1) -> (0, 0)>
#map1 = affine_map<(d0, d1) -> (0)>
#map2 = affine_map<(d0, d1) -> (0, 0, 0, 0, 0)>
module attributes {stable_mosaic.version = 14 : i64} {
  func.func @body(%arg0: i32, %arg1: i32, %arg2: memref<200x4096xi32, #tpu.memory_space<hbm>>, %arg3: memref<1000000x64xf32, #tpu.memory_space<hbm>>, %arg4: memref<12800xf32, #tpu.memory_space<hbm>>, %arg5: memref<200x8x32x8x128xf32, #tpu.memory_space<hbm>>, %arg6: memref<200x128xi32, #tpu.memory_space<vmem>>, %arg7: memref<12800xf32, #tpu.memory_space<vmem>>, %arg8: memref<4x128x64xf32, #tpu.memory_space<vmem>>, %arg9: memref<4x8x8x128xf32, #tpu.memory_space<vmem>>, %arg10: memref<!tpu.dma_semaphore, #tpu.memory_space<semaphore_mem>>, %arg11: memref<!tpu.dma_semaphore, #tpu.memory_space<semaphore_mem>>, %arg12: memref<!tpu.dma_semaphore, #tpu.memory_space<semaphore_mem>>, %arg13: memref<!tpu.dma_semaphore, #tpu.memory_space<semaphore_mem>>, %arg14: memref<!tpu.dma_semaphore, #tpu.memory_space<semaphore_mem>>, %arg15: memref<!tpu.dma_semaphore, #tpu.memory_space<semaphore_mem>>, %arg16: memref<!tpu.dma_semaphore, #tpu.memory_space<semaphore_mem>>, %arg17: memref<!tpu.dma_semaphore, #tpu.memory_space<semaphore_mem>>) attributes {dimension_semantics = [#tpu.dimension_semantics<core_parallel>, #tpu.dimension_semantics<subcore_parallel>], iteration_bounds = array<i64: 2, 16>, scalar_prefetch = 0 : i64, scratch_operands = 12 : i64, tpu.core_type = #tpu.core_type<sc_vector_subcore>, window_params = [{transform_indices = #map}, {transform_indices = #map}, {transform_indices = #map1}, {transform_indices = #map2}]} {
    %mul3A = arith.constant 2 : i32
    %mul3A_0 = arith.muli %arg1, %mul3A : i32
    %add3A = arith.addi %mul3A_0, %arg0 : i32
    %mul3A_1 = arith.constant 128 : i32
    %mul3A_2 = arith.muli %add3A, %mul3A_1 : i32
    "tpu.region"() ({
      %run_scoped3A = tpu.sem_alloc : memref<!tpu.dma_semaphore, #tpu.memory_space<semaphore_mem>>
      %dma_start3A_162 = arith.constant 0 : i32
      %dma_start3A_163 = tpu.memref_slice %arg2[%dma_start3A_162, %mul3A_2] : memref<200x4096xi32, #tpu.memory_space<hbm>> -> memref<200x128xi32, #tpu.memory_space<hbm>>
      %dma_start3A_164 = arith.constant 0 : i32
      %dma_start3A_165 = tpu.memref_slice %arg2[%dma_start3A_164, %mul3A_2] : memref<200x4096xi32, #tpu.memory_space<hbm>> -> memref<200x128xi32, #tpu.memory_space<hbm>>
      tpu.enqueue_dma source(%dma_start3A_165 : memref<200x128xi32, #tpu.memory_space<hbm>>) target(%arg6 : memref<200x128xi32, #tpu.memory_space<vmem>>) target_semaphore(%run_scoped3A : memref<!tpu.dma_semaphore, #tpu.memory_space<semaphore_mem>>)
      %dma_wait3A_166 = arith.constant 0 : i32
      %dma_wait3A_167 = tpu.memref_slice %arg2[%dma_wait3A_166, %mul3A_2] : memref<200x4096xi32, #tpu.memory_space<hbm>> -> memref<200x128xi32, #tpu.memory_space<hbm>>
      %dma_wait3A_168 = arith.constant 0 : i32
      %dma_wait3A_169 = tpu.memref_slice %arg2[%dma_wait3A_168, %mul3A_2] : memref<200x4096xi32, #tpu.memory_space<hbm>> -> memref<200x128xi32, #tpu.memory_space<hbm>>
      tpu.wait_dma2 semaphore(%run_scoped3A : memref<!tpu.dma_semaphore, #tpu.memory_space<semaphore_mem>>) src(%dma_wait3A_169 : memref<200x128xi32, #tpu.memory_space<hbm>>) dst(%arg6 : memref<200x128xi32, #tpu.memory_space<vmem>>)
      tpu.yield
    }) : () -> ()
    "tpu.region"() ({
      %run_scoped3A = tpu.sem_alloc : memref<!tpu.dma_semaphore, #tpu.memory_space<semaphore_mem>>
      tpu.enqueue_dma source(%arg4 : memref<12800xf32, #tpu.memory_space<hbm>>) target(%arg7 : memref<12800xf32, #tpu.memory_space<vmem>>) target_semaphore(%run_scoped3A : memref<!tpu.dma_semaphore, #tpu.memory_space<semaphore_mem>>)
      tpu.wait_dma2 semaphore(%run_scoped3A : memref<!tpu.dma_semaphore, #tpu.memory_space<semaphore_mem>>) src(%arg4 : memref<12800xf32, #tpu.memory_space<hbm>>) dst(%arg7 : memref<12800xf32, #tpu.memory_space<vmem>>)
      tpu.yield
    }) : () -> ()
    %iota3A = tpu.iota {dimensions = array<i32: 0>} : vector<16xi32>
    %add3A_3 = arith.constant 0 : i32
    %add3A_4 = vector.broadcast %add3A_3 : i32 to vector<16xi32>
    %add3A_5 = arith.addi %iota3A, %add3A_4 : vector<16xi32>
    %iota3A_6 = tpu.iota {dimensions = array<i32: 0>} : vector<16xi32>
    %add3A_7 = arith.constant 16 : i32
    %add3A_8 = vector.broadcast %add3A_7 : i32 to vector<16xi32>
    %add3A_9 = arith.addi %iota3A_6, %add3A_8 : vector<16xi32>
    %iota3A_10 = tpu.iota {dimensions = array<i32: 0>} : vector<16xi32>
    %add3A_11 = arith.constant 32 : i32
    %add3A_12 = vector.broadcast %add3A_11 : i32 to vector<16xi32>
    %add3A_13 = arith.addi %iota3A_10, %add3A_12 : vector<16xi32>
    %iota3A_14 = tpu.iota {dimensions = array<i32: 0>} : vector<16xi32>
    %add3A_15 = arith.constant 48 : i32
    %add3A_16 = vector.broadcast %add3A_15 : i32 to vector<16xi32>
    %add3A_17 = arith.addi %iota3A_14, %add3A_16 : vector<16xi32>
    %iota3A_18 = tpu.iota {dimensions = array<i32: 0>} : vector<16xi32>
    %add3A_19 = arith.constant 64 : i32
    %add3A_20 = vector.broadcast %add3A_19 : i32 to vector<16xi32>
    %add3A_21 = arith.addi %iota3A_18, %add3A_20 : vector<16xi32>
    %iota3A_22 = tpu.iota {dimensions = array<i32: 0>} : vector<16xi32>
    %add3A_23 = arith.constant 80 : i32
    %add3A_24 = vector.broadcast %add3A_23 : i32 to vector<16xi32>
    %add3A_25 = arith.addi %iota3A_22, %add3A_24 : vector<16xi32>
    %iota3A_26 = tpu.iota {dimensions = array<i32: 0>} : vector<16xi32>
    %add3A_27 = arith.constant 96 : i32
    %add3A_28 = vector.broadcast %add3A_27 : i32 to vector<16xi32>
    %add3A_29 = arith.addi %iota3A_26, %add3A_28 : vector<16xi32>
    %iota3A_30 = tpu.iota {dimensions = array<i32: 0>} : vector<16xi32>
    %add3A_31 = arith.constant 112 : i32
    %add3A_32 = vector.broadcast %add3A_31 : i32 to vector<16xi32>
    %add3A_33 = arith.addi %iota3A_30, %add3A_32 : vector<16xi32>
    %dma_start3A = arith.constant 0 : i32
    %dma_start3A_34 = arith.constant 0 : i32
    %dma_start3A_35 = arith.constant 0 : i32
    %dma_start3A_36 = arith.constant 0 : i32
    %dma_start3A_37 = tpu.memref_slice %arg8[%dma_start3A_34, %dma_start3A_35, %dma_start3A_36] : memref<4x128x64xf32, #tpu.memory_space<vmem>> -> memref<1x128x64xf32, #tpu.memory_space<vmem>>
    %dma_start3A_38 = tpu.memref_squeeze %dma_start3A_37 : memref<1x128x64xf32, #tpu.memory_space<vmem>> -> memref<128x64xf32, #tpu.memory_space<vmem>>
    %dma_start3A_39 = arith.constant 0 : i32
    %dma_start3A_40 = tpu.memref_slice %arg6[%dma_start3A, %dma_start3A_39] : memref<200x128xi32, #tpu.memory_space<vmem>> -> memref<1x128xi32, #tpu.memory_space<vmem>>
    %dma_start3A_41 = tpu.memref_squeeze %dma_start3A_40 : memref<1x128xi32, #tpu.memory_space<vmem>> -> memref<128xi32, #tpu.memory_space<vmem>>
    %dma_start3A_42 = arith.constant 0 : i32
    %dma_start3A_43 = arith.constant 0 : i32
    %dma_start3A_44 = tpu.memref_slice %arg3[%dma_start3A_42, %dma_start3A_43] : memref<1000000x64xf32, #tpu.memory_space<hbm>> -> memref<1000000x64xf32, #tpu.memory_space<hbm>>
    tpu.enqueue_indirect_dma source(%dma_start3A_44 : memref<1000000x64xf32, #tpu.memory_space<hbm>>) target(%dma_start3A_38 : memref<128x64xf32, #tpu.memory_space<vmem>>) offsets(%dma_start3A_41 : memref<128xi32, #tpu.memory_space<vmem>>) semaphore(%arg10 : memref<!tpu.dma_semaphore, #tpu.memory_space<semaphore_mem>>)
    %dma_start3A_45 = arith.constant 1 : i32
    %dma_start3A_46 = arith.constant 1 : i32
    %dma_start3A_47 = arith.constant 0 : i32
    %dma_start3A_48 = arith.constant 0 : i32
    %dma_start3A_49 = tpu.memref_slice %arg8[%dma_start3A_46, %dma_start3A_47, %dma_start3A_48] : memref<4x128x64xf32, #tpu.memory_space<vmem>> -> memref<1x128x64xf32, #tpu.memory_space<vmem>>
    %dma_start3A_50 = tpu.memref_squeeze %dma_start3A_49 : memref<1x128x64xf32, #tpu.memory_space<vmem>> -> memref<128x64xf32, #tpu.memory_space<vmem>>
    %dma_start3A_51 = arith.constant 0 : i32
    %dma_start3A_52 = tpu.memref_slice %arg6[%dma_start3A_45, %dma_start3A_51] : memref<200x128xi32, #tpu.memory_space<vmem>> -> memref<1x128xi32, #tpu.memory_space<vmem>>
    %dma_start3A_53 = tpu.memref_squeeze %dma_start3A_52 : memref<1x128xi32, #tpu.memory_space<vmem>> -> memref<128xi32, #tpu.memory_space<vmem>>
    %dma_start3A_54 = arith.constant 0 : i32
    %dma_start3A_55 = arith.constant 0 : i32
    %dma_start3A_56 = tpu.memref_slice %arg3[%dma_start3A_54, %dma_start3A_55] : memref<1000000x64xf32, #tpu.memory_space<hbm>> -> memref<1000000x64xf32, #tpu.memory_space<hbm>>
    tpu.enqueue_indirect_dma source(%dma_start3A_56 : memref<1000000x64xf32, #tpu.memory_space<hbm>>) target(%dma_start3A_50 : memref<128x64xf32, #tpu.memory_space<vmem>>) offsets(%dma_start3A_53 : memref<128xi32, #tpu.memory_space<vmem>>) semaphore(%arg11 : memref<!tpu.dma_semaphore, #tpu.memory_space<semaphore_mem>>)
    %dma_start3A_57 = arith.constant 2 : i32
    %dma_start3A_58 = arith.constant 2 : i32
    %dma_start3A_59 = arith.constant 0 : i32
    %dma_start3A_60 = arith.constant 0 : i32
    %dma_start3A_61 = tpu.memref_slice %arg8[%dma_start3A_58, %dma_start3A_59, %dma_start3A_60] : memref<4x128x64xf32, #tpu.memory_space<vmem>> -> memref<1x128x64xf32, #tpu.memory_space<vmem>>
    %dma_start3A_62 = tpu.memref_squeeze %dma_start3A_61 : memref<1x128x64xf32, #tpu.memory_space<vmem>> -> memref<128x64xf32, #tpu.memory_space<vmem>>
    %dma_start3A_63 = arith.constant 0 : i32
    %dma_start3A_64 = tpu.memref_slice %arg6[%dma_start3A_57, %dma_start3A_63] : memref<200x128xi32, #tpu.memory_space<vmem>> -> memref<1x128xi32, #tpu.memory_space<vmem>>
    %dma_start3A_65 = tpu.memref_squeeze %dma_start3A_64 : memref<1x128xi32, #tpu.memory_space<vmem>> -> memref<128xi32, #tpu.memory_space<vmem>>
    %dma_start3A_66 = arith.constant 0 : i32
    %dma_start3A_67 = arith.constant 0 : i32
    %dma_start3A_68 = tpu.memref_slice %arg3[%dma_start3A_66, %dma_start3A_67] : memref<1000000x64xf32, #tpu.memory_space<hbm>> -> memref<1000000x64xf32, #tpu.memory_space<hbm>>
    tpu.enqueue_indirect_dma source(%dma_start3A_68 : memref<1000000x64xf32, #tpu.memory_space<hbm>>) target(%dma_start3A_62 : memref<128x64xf32, #tpu.memory_space<vmem>>) offsets(%dma_start3A_65 : memref<128xi32, #tpu.memory_space<vmem>>) semaphore(%arg12 : memref<!tpu.dma_semaphore, #tpu.memory_space<semaphore_mem>>)
    %scan3A = arith.constant 0 : i32
    %scan3A_69 = arith.constant 0 : i32
    %scan3A_70 = arith.constant 50 : i32
    %scan3A_71 = arith.addi %scan3A_69, %scan3A_70 : i32
    %scan3A_72 = arith.constant 1 : i32
    %scan3A_73 = scf.for %scan3A_162 = %scan3A_69 to %scan3A_71 step %scan3A_72 iter_args(%scan3A_163 = %scan3A) -> (i32)  : i32 {
      %mul3A_164 = arith.constant 4 : i32
      %mul3A_165 = arith.muli %mul3A_164, %scan3A_162 : i32
      %add3A_166 = arith.constant 0 : i32
      %add3A_167 = arith.addi %mul3A_165, %add3A_166 : i32
      %add3A_168 = arith.constant 3 : i32
      %add3A_169 = arith.addi %add3A_167, %add3A_168 : i32
      %lt3A = arith.constant 200 : i32
      %lt3A_170 = arith.cmpi slt, %add3A_169, %lt3A : i32
      %convert_element_type3A = arith.extui %lt3A_170 : i1 to i32
      %cond3A = arith.constant 0 : i32
      %cond3A_171 = arith.cmpi ne, %convert_element_type3A, %cond3A : i32
      scf.if %cond3A_171 {
        %add3A_380 = arith.constant 3 : i32
        %add3A_381 = arith.addi %add3A_167, %add3A_380 : i32
        %dma_start3A_382 = arith.constant 3 : i32
        %dma_start3A_383 = arith.constant 0 : i32
        %dma_start3A_384 = arith.constant 0 : i32
        %dma_start3A_385 = tpu.memref_slice %arg8[%dma_start3A_382, %dma_start3A_383, %dma_start3A_384] : memref<4x128x64xf32, #tpu.memory_space<vmem>> -> memref<1x128x64xf32, #tpu.memory_space<vmem>>
        %dma_start3A_386 = tpu.memref_squeeze %dma_start3A_385 : memref<1x128x64xf32, #tpu.memory_space<vmem>> -> memref<128x64xf32, #tpu.memory_space<vmem>>
        %dma_start3A_387 = arith.constant 0 : i32
        %dma_start3A_388 = tpu.memref_slice %arg6[%add3A_381, %dma_start3A_387] : memref<200x128xi32, #tpu.memory_space<vmem>> -> memref<1x128xi32, #tpu.memory_space<vmem>>
        %dma_start3A_389 = tpu.memref_squeeze %dma_start3A_388 : memref<1x128xi32, #tpu.memory_space<vmem>> -> memref<128xi32, #tpu.memory_space<vmem>>
        %dma_start3A_390 = arith.constant 0 : i32
        %dma_start3A_391 = arith.constant 0 : i32
        %dma_start3A_392 = tpu.memref_slice %arg3[%dma_start3A_390, %dma_start3A_391] : memref<1000000x64xf32, #tpu.memory_space<hbm>> -> memref<1000000x64xf32, #tpu.memory_space<hbm>>
        tpu.enqueue_indirect_dma source(%dma_start3A_392 : memref<1000000x64xf32, #tpu.memory_space<hbm>>) target(%dma_start3A_386 : memref<128x64xf32, #tpu.memory_space<vmem>>) offsets(%dma_start3A_389 : memref<128xi32, #tpu.memory_space<vmem>>) semaphore(%arg13 : memref<!tpu.dma_semaphore, #tpu.memory_space<semaphore_mem>>)
      } else {
      }
      %dma_wait3A_172 = arith.constant 0 : i32
      %dma_wait3A_173 = arith.constant 0 : i32
      %dma_wait3A_174 = arith.constant 0 : i32
      %dma_wait3A_175 = tpu.memref_slice %arg8[%dma_wait3A_172, %dma_wait3A_173, %dma_wait3A_174] : memref<4x128x64xf32, #tpu.memory_space<vmem>> -> memref<1x128x64xf32, #tpu.memory_space<vmem>>
      %dma_wait3A_176 = tpu.memref_squeeze %dma_wait3A_175 : memref<1x128x64xf32, #tpu.memory_space<vmem>> -> memref<128x64xf32, #tpu.memory_space<vmem>>
      %dma_wait3A_177 = arith.constant 0 : i32
      %dma_wait3A_178 = tpu.memref_slice %arg6[%add3A_167, %dma_wait3A_177] : memref<200x128xi32, #tpu.memory_space<vmem>> -> memref<1x128xi32, #tpu.memory_space<vmem>>
      %dma_wait3A_179 = tpu.memref_squeeze %dma_wait3A_178 : memref<1x128xi32, #tpu.memory_space<vmem>> -> memref<128xi32, #tpu.memory_space<vmem>>
      %dma_wait3A_180 = arith.constant 0 : i32
      %dma_wait3A_181 = arith.constant 0 : i32
      %dma_wait3A_182 = tpu.memref_slice %arg3[%dma_wait3A_180, %dma_wait3A_181] : memref<1000000x64xf32, #tpu.memory_space<hbm>> -> memref<1000000x64xf32, #tpu.memory_space<hbm>>
      tpu.wait_indirect_dma semaphore(%arg10 : memref<!tpu.dma_semaphore, #tpu.memory_space<semaphore_mem>>) src(%dma_wait3A_182 : memref<1000000x64xf32, #tpu.memory_space<hbm>>) dst(%dma_wait3A_176 : memref<128x64xf32, #tpu.memory_space<vmem>>)
      %ge3A = arith.constant 4 : i32
      %ge3A_183 = arith.cmpi sge, %add3A_167, %ge3A : i32
      %convert_element_type3A_184 = arith.extui %ge3A_183 : i1 to i32
      %cond3A_185 = arith.constant 0 : i32
      %cond3A_186 = arith.cmpi ne, %convert_element_type3A_184, %cond3A_185 : i32
      scf.if %cond3A_186 {
        %sub3A = arith.constant 4 : i32
        %sub3A_380 = arith.subi %add3A_167, %sub3A : i32
        %dma_wait3A_381 = arith.constant 0 : i32
        %dma_wait3A_382 = arith.constant 0 : i32
        %dma_wait3A_383 = arith.constant 0 : i32
        %dma_wait3A_384 = arith.constant 0 : i32
        %dma_wait3A_385 = tpu.memref_slice %arg9[%dma_wait3A_381, %dma_wait3A_382, %dma_wait3A_383, %dma_wait3A_384] : memref<4x8x8x128xf32, #tpu.memory_space<vmem>> -> memref<1x8x8x128xf32, #tpu.memory_space<vmem>>
        %dma_wait3A_386 = tpu.memref_squeeze %dma_wait3A_385 : memref<1x8x8x128xf32, #tpu.memory_space<vmem>> -> memref<8x8x128xf32, #tpu.memory_space<vmem>>
        %dma_wait3A_387 = arith.constant 0 : i32
        %dma_wait3A_388 = arith.constant 0 : i32
        %dma_wait3A_389 = arith.constant 0 : i32
        %dma_wait3A_390 = tpu.memref_slice %arg5[%sub3A_380, %dma_wait3A_387, %add3A, %dma_wait3A_388, %dma_wait3A_389] : memref<200x8x32x8x128xf32, #tpu.memory_space<hbm>> -> memref<1x8x1x8x128xf32, #tpu.memory_space<hbm>>
        %dma_wait3A_391 = tpu.memref_squeeze %dma_wait3A_390 : memref<1x8x1x8x128xf32, #tpu.memory_space<hbm>> -> memref<8x8x128xf32, #tpu.memory_space<hbm>>
        %dma_wait3A_392 = arith.constant 0 : i32
        %dma_wait3A_393 = arith.constant 0 : i32
        %dma_wait3A_394 = arith.constant 0 : i32
        %dma_wait3A_395 = tpu.memref_slice %arg5[%sub3A_380, %dma_wait3A_392, %add3A, %dma_wait3A_393, %dma_wait3A_394] : memref<200x8x32x8x128xf32, #tpu.memory_space<hbm>> -> memref<1x8x1x8x128xf32, #tpu.memory_space<hbm>>
        %dma_wait3A_396 = tpu.memref_squeeze %dma_wait3A_395 : memref<1x8x1x8x128xf32, #tpu.memory_space<hbm>> -> memref<8x8x128xf32, #tpu.memory_space<hbm>>
        %dma_wait3A_397 = arith.constant 0 : i32
        %dma_wait3A_398 = arith.constant 0 : i32
        %dma_wait3A_399 = arith.constant 0 : i32
        %dma_wait3A_400 = tpu.memref_slice %arg9[%dma_wait3A_381, %dma_wait3A_397, %dma_wait3A_398, %dma_wait3A_399] : memref<4x8x8x128xf32, #tpu.memory_space<vmem>> -> memref<1x8x8x128xf32, #tpu.memory_space<vmem>>
        %dma_wait3A_401 = tpu.memref_squeeze %dma_wait3A_400 : memref<1x8x8x128xf32, #tpu.memory_space<vmem>> -> memref<8x8x128xf32, #tpu.memory_space<vmem>>
        tpu.wait_dma2 semaphore(%arg14 : memref<!tpu.dma_semaphore, #tpu.memory_space<semaphore_mem>>) src(%dma_wait3A_401 : memref<8x8x128xf32, #tpu.memory_space<vmem>>) dst(%dma_wait3A_396 : memref<8x8x128xf32, #tpu.memory_space<hbm>>)
      } else {
      }
      %mul3A_187 = arith.constant 64 : i32
      %mul3A_188 = arith.muli %add3A_167, %mul3A_187 : i32
      %parallel_loop3A = arith.constant 0 : i32
      %parallel_loop3A_189 = arith.constant 64 : i32
      %parallel_loop3A_190 = arith.constant 1 : i32
      %parallel_loop3A_191 = arith.constant 0 : i32
      %parallel_loop3A_192 = arith.constant 0 : i32
      scf.for %parallel_loop3A_380 = %parallel_loop3A to %parallel_loop3A_189 step %parallel_loop3A_190  : i32 {
        %parallel_loop3A_381 = arith.addi %mul3A_188, %parallel_loop3A_380 : i32
        %parallel_loop3A_382 = vector.broadcast %parallel_loop3A_381 : i32 to vector<16xi32>
        %parallel_loop3A_383 = tpu.vector_load_idx %arg7[%parallel_loop3A_382] : memref<12800xf32, #tpu.memory_space<vmem>>[vector<16xi32>], vector<16xf32>,
        %parallel_loop3A_384 = vector.broadcast %parallel_loop3A_380 : i32 to vector<16xi32>
        %parallel_loop3A_385 = arith.constant 3 : i32
        %parallel_loop3A_386 = arith.shrui %parallel_loop3A_380, %parallel_loop3A_385 : i32
        %parallel_loop3A_387 = arith.constant 7 : i32
        %parallel_loop3A_388 = arith.andi %parallel_loop3A_380, %parallel_loop3A_387 : i32
        %parallel_loop3A_389 = arith.constant 0 : i32
        %parallel_loop3A_390 = arith.constant 0 : i32
        %parallel_loop3A_391 = tpu.memref_slice %arg8[%parallel_loop3A_191, %parallel_loop3A_389, %parallel_loop3A_390] : memref<4x128x64xf32, #tpu.memory_space<vmem>> -> memref<1x128x64xf32, #tpu.memory_space<vmem>>
        %parallel_loop3A_392 = tpu.memref_squeeze %parallel_loop3A_391 : memref<1x128x64xf32, #tpu.memory_space<vmem>> -> memref<128x64xf32, #tpu.memory_space<vmem>>
        %parallel_loop3A_393 = tpu.vector_load_idx %parallel_loop3A_392[%add3A_5, %parallel_loop3A_384] : memref<128x64xf32, #tpu.memory_space<vmem>>[vector<16xi32>, vector<16xi32>], vector<16xf32>,
        %parallel_loop3A_394 = arith.constant 8.000000e+00 : f32
        %parallel_loop3A_395 = vector.broadcast %parallel_loop3A_394 : f32 to vector<16xf32>
        %parallel_loop3A_396 = arith.mulf %parallel_loop3A_393, %parallel_loop3A_395 : vector<16xf32>
        %parallel_loop3A_397 = arith.addf %parallel_loop3A_396, %parallel_loop3A_383 : vector<16xf32>
        %parallel_loop3A_398 = arith.constant 0 : i32
        %parallel_loop3A_399 = arith.constant 0 : i32
        %parallel_loop3A_400 = arith.constant 0 : i32
        %parallel_loop3A_401 = tpu.memref_slice %arg9[%parallel_loop3A_192, %parallel_loop3A_398, %parallel_loop3A_399, %parallel_loop3A_400] : memref<4x8x8x128xf32, #tpu.memory_space<vmem>> -> memref<1x8x8x128xf32, #tpu.memory_space<vmem>>
        %parallel_loop3A_402 = tpu.memref_squeeze %parallel_loop3A_401 : memref<1x8x8x128xf32, #tpu.memory_space<vmem>> -> memref<8x8x128xf32, #tpu.memory_space<vmem>>
        %parallel_loop3A_403 = arith.index_cast %parallel_loop3A_386 : i32 to index
        %parallel_loop3A_404 = arith.index_cast %parallel_loop3A_388 : i32 to index
        %parallel_loop3A_405 = arith.constant 0 : index
        %parallel_loop3A_406 = tpu.vector_load %parallel_loop3A_402[%parallel_loop3A_403, %parallel_loop3A_404, %parallel_loop3A_405] {strides = array<i32>} : memref<8x8x128xf32, #tpu.memory_space<vmem>>, vector<16xf32>,
        tpu.vector_store %parallel_loop3A_402[%parallel_loop3A_403, %parallel_loop3A_404, %parallel_loop3A_405], %parallel_loop3A_397 {strides = array<i32>} : memref<8x8x128xf32, #tpu.memory_space<vmem>>, vector<16xf32>,
        %parallel_loop3A_407 = arith.constant 0 : i32
        %parallel_loop3A_408 = arith.constant 0 : i32
        %parallel_loop3A_409 = tpu.memref_slice %arg8[%parallel_loop3A_191, %parallel_loop3A_407, %parallel_loop3A_408] : memref<4x128x64xf32, #tpu.memory_space<vmem>> -> memref<1x128x64xf32, #tpu.memory_space<vmem>>
        %parallel_loop3A_410 = tpu.memref_squeeze %parallel_loop3A_409 : memref<1x128x64xf32, #tpu.memory_space<vmem>> -> memref<128x64xf32, #tpu.memory_space<vmem>>
        %parallel_loop3A_411 = tpu.vector_load_idx %parallel_loop3A_410[%add3A_9, %parallel_loop3A_384] : memref<128x64xf32, #tpu.memory_space<vmem>>[vector<16xi32>, vector<16xi32>], vector<16xf32>,
        %parallel_loop3A_412 = arith.constant 8.000000e+00 : f32
        %parallel_loop3A_413 = vector.broadcast %parallel_loop3A_412 : f32 to vector<16xf32>
        %parallel_loop3A_414 = arith.mulf %parallel_loop3A_411, %parallel_loop3A_413 : vector<16xf32>
        %parallel_loop3A_415 = arith.addf %parallel_loop3A_414, %parallel_loop3A_383 : vector<16xf32>
        %parallel_loop3A_416 = arith.constant 0 : i32
        %parallel_loop3A_417 = arith.constant 0 : i32
        %parallel_loop3A_418 = arith.constant 0 : i32
        %parallel_loop3A_419 = tpu.memref_slice %arg9[%parallel_loop3A_192, %parallel_loop3A_416, %parallel_loop3A_417, %parallel_loop3A_418] : memref<4x8x8x128xf32, #tpu.memory_space<vmem>> -> memref<1x8x8x128xf32, #tpu.memory_space<vmem>>
        %parallel_loop3A_420 = tpu.memref_squeeze %parallel_loop3A_419 : memref<1x8x8x128xf32, #tpu.memory_space<vmem>> -> memref<8x8x128xf32, #tpu.memory_space<vmem>>
        %parallel_loop3A_421 = arith.index_cast %parallel_loop3A_386 : i32 to index
        %parallel_loop3A_422 = arith.index_cast %parallel_loop3A_388 : i32 to index
        %parallel_loop3A_423 = arith.constant 16 : index
        %parallel_loop3A_424 = tpu.vector_load %parallel_loop3A_420[%parallel_loop3A_421, %parallel_loop3A_422, %parallel_loop3A_423] {strides = array<i32>} : memref<8x8x128xf32, #tpu.memory_space<vmem>>, vector<16xf32>,
        tpu.vector_store %parallel_loop3A_420[%parallel_loop3A_421, %parallel_loop3A_422, %parallel_loop3A_423], %parallel_loop3A_415 {strides = array<i32>} : memref<8x8x128xf32, #tpu.memory_space<vmem>>, vector<16xf32>,
        %parallel_loop3A_425 = arith.constant 0 : i32
        %parallel_loop3A_426 = arith.constant 0 : i32
        %parallel_loop3A_427 = tpu.memref_slice %arg8[%parallel_loop3A_191, %parallel_loop3A_425, %parallel_loop3A_426] : memref<4x128x64xf32, #tpu.memory_space<vmem>> -> memref<1x128x64xf32, #tpu.memory_space<vmem>>
        %parallel_loop3A_428 = tpu.memref_squeeze %parallel_loop3A_427 : memref<1x128x64xf32, #tpu.memory_space<vmem>> -> memref<128x64xf32, #tpu.memory_space<vmem>>
        %parallel_loop3A_429 = tpu.vector_load_idx %parallel_loop3A_428[%add3A_13, %parallel_loop3A_384] : memref<128x64xf32, #tpu.memory_space<vmem>>[vector<16xi32>, vector<16xi32>], vector<16xf32>,
        %parallel_loop3A_430 = arith.constant 8.000000e+00 : f32
        %parallel_loop3A_431 = vector.broadcast %parallel_loop3A_430 : f32 to vector<16xf32>
        %parallel_loop3A_432 = arith.mulf %parallel_loop3A_429, %parallel_loop3A_431 : vector<16xf32>
        %parallel_loop3A_433 = arith.addf %parallel_loop3A_432, %parallel_loop3A_383 : vector<16xf32>
        %parallel_loop3A_434 = arith.constant 0 : i32
        %parallel_loop3A_435 = arith.constant 0 : i32
        %parallel_loop3A_436 = arith.constant 0 : i32
        %parallel_loop3A_437 = tpu.memref_slice %arg9[%parallel_loop3A_192, %parallel_loop3A_434, %parallel_loop3A_435, %parallel_loop3A_436] : memref<4x8x8x128xf32, #tpu.memory_space<vmem>> -> memref<1x8x8x128xf32, #tpu.memory_space<vmem>>
        %parallel_loop3A_438 = tpu.memref_squeeze %parallel_loop3A_437 : memref<1x8x8x128xf32, #tpu.memory_space<vmem>> -> memref<8x8x128xf32, #tpu.memory_space<vmem>>
        %parallel_loop3A_439 = arith.index_cast %parallel_loop3A_386 : i32 to index
        %parallel_loop3A_440 = arith.index_cast %parallel_loop3A_388 : i32 to index
        %parallel_loop3A_441 = arith.constant 32 : index
        %parallel_loop3A_442 = tpu.vector_load %parallel_loop3A_438[%parallel_loop3A_439, %parallel_loop3A_440, %parallel_loop3A_441] {strides = array<i32>} : memref<8x8x128xf32, #tpu.memory_space<vmem>>, vector<16xf32>,
        tpu.vector_store %parallel_loop3A_438[%parallel_loop3A_439, %parallel_loop3A_440, %parallel_loop3A_441], %parallel_loop3A_433 {strides = array<i32>} : memref<8x8x128xf32, #tpu.memory_space<vmem>>, vector<16xf32>,
        %parallel_loop3A_443 = arith.constant 0 : i32
        %parallel_loop3A_444 = arith.constant 0 : i32
        %parallel_loop3A_445 = tpu.memref_slice %arg8[%parallel_loop3A_191, %parallel_loop3A_443, %parallel_loop3A_444] : memref<4x128x64xf32, #tpu.memory_space<vmem>> -> memref<1x128x64xf32, #tpu.memory_space<vmem>>
        %parallel_loop3A_446 = tpu.memref_squeeze %parallel_loop3A_445 : memref<1x128x64xf32, #tpu.memory_space<vmem>> -> memref<128x64xf32, #tpu.memory_space<vmem>>
        %parallel_loop3A_447 = tpu.vector_load_idx %parallel_loop3A_446[%add3A_17, %parallel_loop3A_384] : memref<128x64xf32, #tpu.memory_space<vmem>>[vector<16xi32>, vector<16xi32>], vector<16xf32>,
        %parallel_loop3A_448 = arith.constant 8.000000e+00 : f32
        %parallel_loop3A_449 = vector.broadcast %parallel_loop3A_448 : f32 to vector<16xf32>
        %parallel_loop3A_450 = arith.mulf %parallel_loop3A_447, %parallel_loop3A_449 : vector<16xf32>
        %parallel_loop3A_451 = arith.addf %parallel_loop3A_450, %parallel_loop3A_383 : vector<16xf32>
        %parallel_loop3A_452 = arith.constant 0 : i32
        %parallel_loop3A_453 = arith.constant 0 : i32
        %parallel_loop3A_454 = arith.constant 0 : i32
        %parallel_loop3A_455 = tpu.memref_slice %arg9[%parallel_loop3A_192, %parallel_loop3A_452, %parallel_loop3A_453, %parallel_loop3A_454] : memref<4x8x8x128xf32, #tpu.memory_space<vmem>> -> memref<1x8x8x128xf32, #tpu.memory_space<vmem>>
        %parallel_loop3A_456 = tpu.memref_squeeze %parallel_loop3A_455 : memref<1x8x8x128xf32, #tpu.memory_space<vmem>> -> memref<8x8x128xf32, #tpu.memory_space<vmem>>
        %parallel_loop3A_457 = arith.index_cast %parallel_loop3A_386 : i32 to index
        %parallel_loop3A_458 = arith.index_cast %parallel_loop3A_388 : i32 to index
        %parallel_loop3A_459 = arith.constant 48 : index
        %parallel_loop3A_460 = tpu.vector_load %parallel_loop3A_456[%parallel_loop3A_457, %parallel_loop3A_458, %parallel_loop3A_459] {strides = array<i32>} : memref<8x8x128xf32, #tpu.memory_space<vmem>>, vector<16xf32>,
        tpu.vector_store %parallel_loop3A_456[%parallel_loop3A_457, %parallel_loop3A_458, %parallel_loop3A_459], %parallel_loop3A_451 {strides = array<i32>} : memref<8x8x128xf32, #tpu.memory_space<vmem>>, vector<16xf32>,
        %parallel_loop3A_461 = arith.constant 0 : i32
        %parallel_loop3A_462 = arith.constant 0 : i32
        %parallel_loop3A_463 = tpu.memref_slice %arg8[%parallel_loop3A_191, %parallel_loop3A_461, %parallel_loop3A_462] : memref<4x128x64xf32, #tpu.memory_space<vmem>> -> memref<1x128x64xf32, #tpu.memory_space<vmem>>
        %parallel_loop3A_464 = tpu.memref_squeeze %parallel_loop3A_463 : memref<1x128x64xf32, #tpu.memory_space<vmem>> -> memref<128x64xf32, #tpu.memory_space<vmem>>
        %parallel_loop3A_465 = tpu.vector_load_idx %parallel_loop3A_464[%add3A_21, %parallel_loop3A_384] : memref<128x64xf32, #tpu.memory_space<vmem>>[vector<16xi32>, vector<16xi32>], vector<16xf32>,
        %parallel_loop3A_466 = arith.constant 8.000000e+00 : f32
        %parallel_loop3A_467 = vector.broadcast %parallel_loop3A_466 : f32 to vector<16xf32>
        %parallel_loop3A_468 = arith.mulf %parallel_loop3A_465, %parallel_loop3A_467 : vector<16xf32>
        %parallel_loop3A_469 = arith.addf %parallel_loop3A_468, %parallel_loop3A_383 : vector<16xf32>
        %parallel_loop3A_470 = arith.constant 0 : i32
        %parallel_loop3A_471 = arith.constant 0 : i32
        %parallel_loop3A_472 = arith.constant 0 : i32
        %parallel_loop3A_473 = tpu.memref_slice %arg9[%parallel_loop3A_192, %parallel_loop3A_470, %parallel_loop3A_471, %parallel_loop3A_472] : memref<4x8x8x128xf32, #tpu.memory_space<vmem>> -> memref<1x8x8x128xf32, #tpu.memory_space<vmem>>
        %parallel_loop3A_474 = tpu.memref_squeeze %parallel_loop3A_473 : memref<1x8x8x128xf32, #tpu.memory_space<vmem>> -> memref<8x8x128xf32, #tpu.memory_space<vmem>>
        %parallel_loop3A_475 = arith.index_cast %parallel_loop3A_386 : i32 to index
        %parallel_loop3A_476 = arith.index_cast %parallel_loop3A_388 : i32 to index
        %parallel_loop3A_477 = arith.constant 64 : index
        %parallel_loop3A_478 = tpu.vector_load %parallel_loop3A_474[%parallel_loop3A_475, %parallel_loop3A_476, %parallel_loop3A_477] {strides = array<i32>} : memref<8x8x128xf32, #tpu.memory_space<vmem>>, vector<16xf32>,
        tpu.vector_store %parallel_loop3A_474[%parallel_loop3A_475, %parallel_loop3A_476, %parallel_loop3A_477], %parallel_loop3A_469 {strides = array<i32>} : memref<8x8x128xf32, #tpu.memory_space<vmem>>, vector<16xf32>,
        %parallel_loop3A_479 = arith.constant 0 : i32
        %parallel_loop3A_480 = arith.constant 0 : i32
        %parallel_loop3A_481 = tpu.memref_slice %arg8[%parallel_loop3A_191, %parallel_loop3A_479, %parallel_loop3A_480] : memref<4x128x64xf32, #tpu.memory_space<vmem>> -> memref<1x128x64xf32, #tpu.memory_space<vmem>>
        %parallel_loop3A_482 = tpu.memref_squeeze %parallel_loop3A_481 : memref<1x128x64xf32, #tpu.memory_space<vmem>> -> memref<128x64xf32, #tpu.memory_space<vmem>>
        %parallel_loop3A_483 = tpu.vector_load_idx %parallel_loop3A_482[%add3A_25, %parallel_loop3A_384] : memref<128x64xf32, #tpu.memory_space<vmem>>[vector<16xi32>, vector<16xi32>], vector<16xf32>,
        %parallel_loop3A_484 = arith.constant 8.000000e+00 : f32
        %parallel_loop3A_485 = vector.broadcast %parallel_loop3A_484 : f32 to vector<16xf32>
        %parallel_loop3A_486 = arith.mulf %parallel_loop3A_483, %parallel_loop3A_485 : vector<16xf32>
        %parallel_loop3A_487 = arith.addf %parallel_loop3A_486, %parallel_loop3A_383 : vector<16xf32>
        %parallel_loop3A_488 = arith.constant 0 : i32
        %parallel_loop3A_489 = arith.constant 0 : i32
        %parallel_loop3A_490 = arith.constant 0 : i32
        %parallel_loop3A_491 = tpu.memref_slice %arg9[%parallel_loop3A_192, %parallel_loop3A_488, %parallel_loop3A_489, %parallel_loop3A_490] : memref<4x8x8x128xf32, #tpu.memory_space<vmem>> -> memref<1x8x8x128xf32, #tpu.memory_space<vmem>>
        %parallel_loop3A_492 = tpu.memref_squeeze %parallel_loop3A_491 : memref<1x8x8x128xf32, #tpu.memory_space<vmem>> -> memref<8x8x128xf32, #tpu.memory_space<vmem>>
        %parallel_loop3A_493 = arith.index_cast %parallel_loop3A_386 : i32 to index
        %parallel_loop3A_494 = arith.index_cast %parallel_loop3A_388 : i32 to index
        %parallel_loop3A_495 = arith.constant 80 : index
        %parallel_loop3A_496 = tpu.vector_load %parallel_loop3A_492[%parallel_loop3A_493, %parallel_loop3A_494, %parallel_loop3A_495] {strides = array<i32>} : memref<8x8x128xf32, #tpu.memory_space<vmem>>, vector<16xf32>,
        tpu.vector_store %parallel_loop3A_492[%parallel_loop3A_493, %parallel_loop3A_494, %parallel_loop3A_495], %parallel_loop3A_487 {strides = array<i32>} : memref<8x8x128xf32, #tpu.memory_space<vmem>>, vector<16xf32>,
        %parallel_loop3A_497 = arith.constant 0 : i32
        %parallel_loop3A_498 = arith.constant 0 : i32
        %parallel_loop3A_499 = tpu.memref_slice %arg8[%parallel_loop3A_191, %parallel_loop3A_497, %parallel_loop3A_498] : memref<4x128x64xf32, #tpu.memory_space<vmem>> -> memref<1x128x64xf32, #tpu.memory_space<vmem>>
        %parallel_loop3A_500 = tpu.memref_squeeze %parallel_loop3A_499 : memref<1x128x64xf32, #tpu.memory_space<vmem>> -> memref<128x64xf32, #tpu.memory_space<vmem>>
        %parallel_loop3A_501 = tpu.vector_load_idx %parallel_loop3A_500[%add3A_29, %parallel_loop3A_384] : memref<128x64xf32, #tpu.memory_space<vmem>>[vector<16xi32>, vector<16xi32>], vector<16xf32>,
        %parallel_loop3A_502 = arith.constant 8.000000e+00 : f32
        %parallel_loop3A_503 = vector.broadcast %parallel_loop3A_502 : f32 to vector<16xf32>
        %parallel_loop3A_504 = arith.mulf %parallel_loop3A_501, %parallel_loop3A_503 : vector<16xf32>
        %parallel_loop3A_505 = arith.addf %parallel_loop3A_504, %parallel_loop3A_383 : vector<16xf32>
        %parallel_loop3A_506 = arith.constant 0 : i32
        %parallel_loop3A_507 = arith.constant 0 : i32
        %parallel_loop3A_508 = arith.constant 0 : i32
        %parallel_loop3A_509 = tpu.memref_slice %arg9[%parallel_loop3A_192, %parallel_loop3A_506, %parallel_loop3A_507, %parallel_loop3A_508] : memref<4x8x8x128xf32, #tpu.memory_space<vmem>> -> memref<1x8x8x128xf32, #tpu.memory_space<vmem>>
        %parallel_loop3A_510 = tpu.memref_squeeze %parallel_loop3A_509 : memref<1x8x8x128xf32, #tpu.memory_space<vmem>> -> memref<8x8x128xf32, #tpu.memory_space<vmem>>
        %parallel_loop3A_511 = arith.index_cast %parallel_loop3A_386 : i32 to index
        %parallel_loop3A_512 = arith.index_cast %parallel_loop3A_388 : i32 to index
        %parallel_loop3A_513 = arith.constant 96 : index
        %parallel_loop3A_514 = tpu.vector_load %parallel_loop3A_510[%parallel_loop3A_511, %parallel_loop3A_512, %parallel_loop3A_513] {strides = array<i32>} : memref<8x8x128xf32, #tpu.memory_space<vmem>>, vector<16xf32>,
        tpu.vector_store %parallel_loop3A_510[%parallel_loop3A_511, %parallel_loop3A_512, %parallel_loop3A_513], %parallel_loop3A_505 {strides = array<i32>} : memref<8x8x128xf32, #tpu.memory_space<vmem>>, vector<16xf32>,
        %parallel_loop3A_515 = arith.constant 0 : i32
        %parallel_loop3A_516 = arith.constant 0 : i32
        %parallel_loop3A_517 = tpu.memref_slice %arg8[%parallel_loop3A_191, %parallel_loop3A_515, %parallel_loop3A_516] : memref<4x128x64xf32, #tpu.memory_space<vmem>> -> memref<1x128x64xf32, #tpu.memory_space<vmem>>
        %parallel_loop3A_518 = tpu.memref_squeeze %parallel_loop3A_517 : memref<1x128x64xf32, #tpu.memory_space<vmem>> -> memref<128x64xf32, #tpu.memory_space<vmem>>
        %parallel_loop3A_519 = tpu.vector_load_idx %parallel_loop3A_518[%add3A_33, %parallel_loop3A_384] : memref<128x64xf32, #tpu.memory_space<vmem>>[vector<16xi32>, vector<16xi32>], vector<16xf32>,
        %parallel_loop3A_520 = arith.constant 8.000000e+00 : f32
        %parallel_loop3A_521 = vector.broadcast %parallel_loop3A_520 : f32 to vector<16xf32>
        %parallel_loop3A_522 = arith.mulf %parallel_loop3A_519, %parallel_loop3A_521 : vector<16xf32>
        %parallel_loop3A_523 = arith.addf %parallel_loop3A_522, %parallel_loop3A_383 : vector<16xf32>
        %parallel_loop3A_524 = arith.constant 0 : i32
        %parallel_loop3A_525 = arith.constant 0 : i32
        %parallel_loop3A_526 = arith.constant 0 : i32
        %parallel_loop3A_527 = tpu.memref_slice %arg9[%parallel_loop3A_192, %parallel_loop3A_524, %parallel_loop3A_525, %parallel_loop3A_526] : memref<4x8x8x128xf32, #tpu.memory_space<vmem>> -> memref<1x8x8x128xf32, #tpu.memory_space<vmem>>
        %parallel_loop3A_528 = tpu.memref_squeeze %parallel_loop3A_527 : memref<1x8x8x128xf32, #tpu.memory_space<vmem>> -> memref<8x8x128xf32, #tpu.memory_space<vmem>>
        %parallel_loop3A_529 = arith.index_cast %parallel_loop3A_386 : i32 to index
        %parallel_loop3A_530 = arith.index_cast %parallel_loop3A_388 : i32 to index
        %parallel_loop3A_531 = arith.constant 112 : index
        %parallel_loop3A_532 = tpu.vector_load %parallel_loop3A_528[%parallel_loop3A_529, %parallel_loop3A_530, %parallel_loop3A_531] {strides = array<i32>} : memref<8x8x128xf32, #tpu.memory_space<vmem>>, vector<16xf32>,
        tpu.vector_store %parallel_loop3A_528[%parallel_loop3A_529, %parallel_loop3A_530, %parallel_loop3A_531], %parallel_loop3A_523 {strides = array<i32>} : memref<8x8x128xf32, #tpu.memory_space<vmem>>, vector<16xf32>,
      } {sc.loop_unroll_factor = 4 : i64, sc.parallel_access}
      %dma_start3A_193 = arith.constant 0 : i32
      %dma_start3A_194 = arith.constant 0 : i32
      %dma_start3A_195 = arith.constant 0 : i32
      %dma_start3A_196 = arith.constant 0 : i32
      %dma_start3A_197 = tpu.memref_slice %arg9[%dma_start3A_193, %dma_start3A_194, %dma_start3A_195, %dma_start3A_196] : memref<4x8x8x128xf32, #tpu.memory_space<vmem>> -> memref<1x8x8x128xf32, #tpu.memory_space<vmem>>
      %dma_start3A_198 = tpu.memref_squeeze %dma_start3A_197 : memref<1x8x8x128xf32, #tpu.memory_space<vmem>> -> memref<8x8x128xf32, #tpu.memory_space<vmem>>
      %dma_start3A_199 = arith.constant 0 : i32
      %dma_start3A_200 = arith.constant 0 : i32
      %dma_start3A_201 = arith.constant 0 : i32
      %dma_start3A_202 = tpu.memref_slice %arg5[%add3A_167, %dma_start3A_199, %add3A, %dma_start3A_200, %dma_start3A_201] : memref<200x8x32x8x128xf32, #tpu.memory_space<hbm>> -> memref<1x8x1x8x128xf32, #tpu.memory_space<hbm>>
      %dma_start3A_203 = tpu.memref_squeeze %dma_start3A_202 : memref<1x8x1x8x128xf32, #tpu.memory_space<hbm>> -> memref<8x8x128xf32, #tpu.memory_space<hbm>>
      %dma_start3A_204 = arith.constant 0 : i32
      %dma_start3A_205 = arith.constant 0 : i32
      %dma_start3A_206 = arith.constant 0 : i32
      %dma_start3A_207 = tpu.memref_slice %arg5[%add3A_167, %dma_start3A_204, %add3A, %dma_start3A_205, %dma_start3A_206] : memref<200x8x32x8x128xf32, #tpu.memory_space<hbm>> -> memref<1x8x1x8x128xf32, #tpu.memory_space<hbm>>
      %dma_start3A_208 = tpu.memref_squeeze %dma_start3A_207 : memref<1x8x1x8x128xf32, #tpu.memory_space<hbm>> -> memref<8x8x128xf32, #tpu.memory_space<hbm>>
      %dma_start3A_209 = arith.constant 0 : i32
      %dma_start3A_210 = arith.constant 0 : i32
      %dma_start3A_211 = arith.constant 0 : i32
      %dma_start3A_212 = tpu.memref_slice %arg9[%dma_start3A_193, %dma_start3A_209, %dma_start3A_210, %dma_start3A_211] : memref<4x8x8x128xf32, #tpu.memory_space<vmem>> -> memref<1x8x8x128xf32, #tpu.memory_space<vmem>>
      %dma_start3A_213 = tpu.memref_squeeze %dma_start3A_212 : memref<1x8x8x128xf32, #tpu.memory_space<vmem>> -> memref<8x8x128xf32, #tpu.memory_space<vmem>>
      tpu.enqueue_dma source(%dma_start3A_213 : memref<8x8x128xf32, #tpu.memory_space<vmem>>) target(%dma_start3A_208 : memref<8x8x128xf32, #tpu.memory_space<hbm>>) target_semaphore(%arg14 : memref<!tpu.dma_semaphore, #tpu.memory_space<semaphore_mem>>)
      %mul3A_214 = arith.constant 4 : i32
      %mul3A_215 = arith.muli %mul3A_214, %scan3A_162 : i32
      %add3A_216 = arith.constant 1 : i32
      %add3A_217 = arith.addi %mul3A_215, %add3A_216 : i32
      %add3A_218 = arith.constant 3 : i32
      %add3A_219 = arith.addi %add3A_217, %add3A_218 : i32
      %lt3A_220 = arith.constant 200 : i32
      %lt3A_221 = arith.cmpi slt, %add3A_219, %lt3A_220 : i32
      %convert_element_type3A_222 = arith.extui %lt3A_221 : i1 to i32
      %cond3A_223 = arith.constant 0 : i32
      %cond3A_224 = arith.cmpi ne, %convert_element_type3A_222, %cond3A_223 : i32
      scf.if %cond3A_224 {
        %add3A_380 = arith.constant 3 : i32
        %add3A_381 = arith.addi %add3A_217, %add3A_380 : i32
        %dma_start3A_382 = arith.constant 0 : i32
        %dma_start3A_383 = arith.constant 0 : i32
        %dma_start3A_384 = arith.constant 0 : i32
        %dma_start3A_385 = tpu.memref_slice %arg8[%dma_start3A_382, %dma_start3A_383, %dma_start3A_384] : memref<4x128x64xf32, #tpu.memory_space<vmem>> -> memref<1x128x64xf32, #tpu.memory_space<vmem>>
        %dma_start3A_386 = tpu.memref_squeeze %dma_start3A_385 : memref<1x128x64xf32, #tpu.memory_space<vmem>> -> memref<128x64xf32, #tpu.memory_space<vmem>>
        %dma_start3A_387 = arith.constant 0 : i32
        %dma_start3A_388 = tpu.memref_slice %arg6[%add3A_381, %dma_start3A_387] : memref<200x128xi32, #tpu.memory_space<vmem>> -> memref<1x128xi32, #tpu.memory_space<vmem>>
        %dma_start3A_389 = tpu.memref_squeeze %dma_start3A_388 : memref<1x128xi32, #tpu.memory_space<vmem>> -> memref<128xi32, #tpu.memory_space<vmem>>
        %dma_start3A_390 = arith.constant 0 : i32
        %dma_start3A_391 = arith.constant 0 : i32
        %dma_start3A_392 = tpu.memref_slice %arg3[%dma_start3A_390, %dma_start3A_391] : memref<1000000x64xf32, #tpu.memory_space<hbm>> -> memref<1000000x64xf32, #tpu.memory_space<hbm>>
        tpu.enqueue_indirect_dma source(%dma_start3A_392 : memref<1000000x64xf32, #tpu.memory_space<hbm>>) target(%dma_start3A_386 : memref<128x64xf32, #tpu.memory_space<vmem>>) offsets(%dma_start3A_389 : memref<128xi32, #tpu.memory_space<vmem>>) semaphore(%arg10 : memref<!tpu.dma_semaphore, #tpu.memory_space<semaphore_mem>>)
      } else {
      }
      %dma_wait3A_225 = arith.constant 1 : i32
      %dma_wait3A_226 = arith.constant 0 : i32
      %dma_wait3A_227 = arith.constant 0 : i32
      %dma_wait3A_228 = tpu.memref_slice %arg8[%dma_wait3A_225, %dma_wait3A_226, %dma_wait3A_227] : memref<4x128x64xf32, #tpu.memory_space<vmem>> -> memref<1x128x64xf32, #tpu.memory_space<vmem>>
      %dma_wait3A_229 = tpu.memref_squeeze %dma_wait3A_228 : memref<1x128x64xf32, #tpu.memory_space<vmem>> -> memref<128x64xf32, #tpu.memory_space<vmem>>
      %dma_wait3A_230 = arith.constant 0 : i32
      %dma_wait3A_231 = tpu.memref_slice %arg6[%add3A_217, %dma_wait3A_230] : memref<200x128xi32, #tpu.memory_space<vmem>> -> memref<1x128xi32, #tpu.memory_space<vmem>>
      %dma_wait3A_232 = tpu.memref_squeeze %dma_wait3A_231 : memref<1x128xi32, #tpu.memory_space<vmem>> -> memref<128xi32, #tpu.memory_space<vmem>>
      %dma_wait3A_233 = arith.constant 0 : i32
      %dma_wait3A_234 = arith.constant 0 : i32
      %dma_wait3A_235 = tpu.memref_slice %arg3[%dma_wait3A_233, %dma_wait3A_234] : memref<1000000x64xf32, #tpu.memory_space<hbm>> -> memref<1000000x64xf32, #tpu.memory_space<hbm>>
      tpu.wait_indirect_dma semaphore(%arg11 : memref<!tpu.dma_semaphore, #tpu.memory_space<semaphore_mem>>) src(%dma_wait3A_235 : memref<1000000x64xf32, #tpu.memory_space<hbm>>) dst(%dma_wait3A_229 : memref<128x64xf32, #tpu.memory_space<vmem>>)
      %ge3A_236 = arith.constant 4 : i32
      %ge3A_237 = arith.cmpi sge, %add3A_217, %ge3A_236 : i32
      %convert_element_type3A_238 = arith.extui %ge3A_237 : i1 to i32
      %cond3A_239 = arith.constant 0 : i32
      %cond3A_240 = arith.cmpi ne, %convert_element_type3A_238, %cond3A_239 : i32
      scf.if %cond3A_240 {
        %sub3A = arith.constant 4 : i32
        %sub3A_380 = arith.subi %add3A_217, %sub3A : i32
        %dma_wait3A_381 = arith.constant 1 : i32
        %dma_wait3A_382 = arith.constant 0 : i32
        %dma_wait3A_383 = arith.constant 0 : i32
        %dma_wait3A_384 = arith.constant 0 : i32
        %dma_wait3A_385 = tpu.memref_slice %arg9[%dma_wait3A_381, %dma_wait3A_382, %dma_wait3A_383, %dma_wait3A_384] : memref<4x8x8x128xf32, #tpu.memory_space<vmem>> -> memref<1x8x8x128xf32, #tpu.memory_space<vmem>>
        %dma_wait3A_386 = tpu.memref_squeeze %dma_wait3A_385 : memref<1x8x8x128xf32, #tpu.memory_space<vmem>> -> memref<8x8x128xf32, #tpu.memory_space<vmem>>
        %dma_wait3A_387 = arith.constant 0 : i32
        %dma_wait3A_388 = arith.constant 0 : i32
        %dma_wait3A_389 = arith.constant 0 : i32
        %dma_wait3A_390 = tpu.memref_slice %arg5[%sub3A_380, %dma_wait3A_387, %add3A, %dma_wait3A_388, %dma_wait3A_389] : memref<200x8x32x8x128xf32, #tpu.memory_space<hbm>> -> memref<1x8x1x8x128xf32, #tpu.memory_space<hbm>>
        %dma_wait3A_391 = tpu.memref_squeeze %dma_wait3A_390 : memref<1x8x1x8x128xf32, #tpu.memory_space<hbm>> -> memref<8x8x128xf32, #tpu.memory_space<hbm>>
        %dma_wait3A_392 = arith.constant 0 : i32
        %dma_wait3A_393 = arith.constant 0 : i32
        %dma_wait3A_394 = arith.constant 0 : i32
        %dma_wait3A_395 = tpu.memref_slice %arg5[%sub3A_380, %dma_wait3A_392, %add3A, %dma_wait3A_393, %dma_wait3A_394] : memref<200x8x32x8x128xf32, #tpu.memory_space<hbm>> -> memref<1x8x1x8x128xf32, #tpu.memory_space<hbm>>
        %dma_wait3A_396 = tpu.memref_squeeze %dma_wait3A_395 : memref<1x8x1x8x128xf32, #tpu.memory_space<hbm>> -> memref<8x8x128xf32, #tpu.memory_space<hbm>>
        %dma_wait3A_397 = arith.constant 0 : i32
        %dma_wait3A_398 = arith.constant 0 : i32
        %dma_wait3A_399 = arith.constant 0 : i32
        %dma_wait3A_400 = tpu.memref_slice %arg9[%dma_wait3A_381, %dma_wait3A_397, %dma_wait3A_398, %dma_wait3A_399] : memref<4x8x8x128xf32, #tpu.memory_space<vmem>> -> memref<1x8x8x128xf32, #tpu.memory_space<vmem>>
        %dma_wait3A_401 = tpu.memref_squeeze %dma_wait3A_400 : memref<1x8x8x128xf32, #tpu.memory_space<vmem>> -> memref<8x8x128xf32, #tpu.memory_space<vmem>>
        tpu.wait_dma2 semaphore(%arg15 : memref<!tpu.dma_semaphore, #tpu.memory_space<semaphore_mem>>) src(%dma_wait3A_401 : memref<8x8x128xf32, #tpu.memory_space<vmem>>) dst(%dma_wait3A_396 : memref<8x8x128xf32, #tpu.memory_space<hbm>>)
      } else {
      }
      %mul3A_241 = arith.constant 64 : i32
      %mul3A_242 = arith.muli %add3A_217, %mul3A_241 : i32
      %parallel_loop3A_243 = arith.constant 0 : i32
      %parallel_loop3A_244 = arith.constant 64 : i32
      %parallel_loop3A_245 = arith.constant 1 : i32
      %parallel_loop3A_246 = arith.constant 1 : i32
      %parallel_loop3A_247 = arith.constant 1 : i32
      scf.for %parallel_loop3A_380 = %parallel_loop3A_243 to %parallel_loop3A_244 step %parallel_loop3A_245  : i32 {
        %parallel_loop3A_381 = arith.addi %mul3A_242, %parallel_loop3A_380 : i32
        %parallel_loop3A_382 = vector.broadcast %parallel_loop3A_381 : i32 to vector<16xi32>
        %parallel_loop3A_383 = tpu.vector_load_idx %arg7[%parallel_loop3A_382] : memref<12800xf32, #tpu.memory_space<vmem>>[vector<16xi32>], vector<16xf32>,
        %parallel_loop3A_384 = vector.broadcast %parallel_loop3A_380 : i32 to vector<16xi32>
        %parallel_loop3A_385 = arith.constant 3 : i32
        %parallel_loop3A_386 = arith.shrui %parallel_loop3A_380, %parallel_loop3A_385 : i32
        %parallel_loop3A_387 = arith.constant 7 : i32
        %parallel_loop3A_388 = arith.andi %parallel_loop3A_380, %parallel_loop3A_387 : i32
        %parallel_loop3A_389 = arith.constant 0 : i32
        %parallel_loop3A_390 = arith.constant 0 : i32
        %parallel_loop3A_391 = tpu.memref_slice %arg8[%parallel_loop3A_246, %parallel_loop3A_389, %parallel_loop3A_390] : memref<4x128x64xf32, #tpu.memory_space<vmem>> -> memref<1x128x64xf32, #tpu.memory_space<vmem>>
        %parallel_loop3A_392 = tpu.memref_squeeze %parallel_loop3A_391 : memref<1x128x64xf32, #tpu.memory_space<vmem>> -> memref<128x64xf32, #tpu.memory_space<vmem>>
        %parallel_loop3A_393 = tpu.vector_load_idx %parallel_loop3A_392[%add3A_5, %parallel_loop3A_384] : memref<128x64xf32, #tpu.memory_space<vmem>>[vector<16xi32>, vector<16xi32>], vector<16xf32>,
        %parallel_loop3A_394 = arith.constant 8.000000e+00 : f32
        %parallel_loop3A_395 = vector.broadcast %parallel_loop3A_394 : f32 to vector<16xf32>
        %parallel_loop3A_396 = arith.mulf %parallel_loop3A_393, %parallel_loop3A_395 : vector<16xf32>
        %parallel_loop3A_397 = arith.addf %parallel_loop3A_396, %parallel_loop3A_383 : vector<16xf32>
        %parallel_loop3A_398 = arith.constant 0 : i32
        %parallel_loop3A_399 = arith.constant 0 : i32
        %parallel_loop3A_400 = arith.constant 0 : i32
        %parallel_loop3A_401 = tpu.memref_slice %arg9[%parallel_loop3A_247, %parallel_loop3A_398, %parallel_loop3A_399, %parallel_loop3A_400] : memref<4x8x8x128xf32, #tpu.memory_space<vmem>> -> memref<1x8x8x128xf32, #tpu.memory_space<vmem>>
        %parallel_loop3A_402 = tpu.memref_squeeze %parallel_loop3A_401 : memref<1x8x8x128xf32, #tpu.memory_space<vmem>> -> memref<8x8x128xf32, #tpu.memory_space<vmem>>
        %parallel_loop3A_403 = arith.index_cast %parallel_loop3A_386 : i32 to index
        %parallel_loop3A_404 = arith.index_cast %parallel_loop3A_388 : i32 to index
        %parallel_loop3A_405 = arith.constant 0 : index
        %parallel_loop3A_406 = tpu.vector_load %parallel_loop3A_402[%parallel_loop3A_403, %parallel_loop3A_404, %parallel_loop3A_405] {strides = array<i32>} : memref<8x8x128xf32, #tpu.memory_space<vmem>>, vector<16xf32>,
        tpu.vector_store %parallel_loop3A_402[%parallel_loop3A_403, %parallel_loop3A_404, %parallel_loop3A_405], %parallel_loop3A_397 {strides = array<i32>} : memref<8x8x128xf32, #tpu.memory_space<vmem>>, vector<16xf32>,
        %parallel_loop3A_407 = arith.constant 0 : i32
        %parallel_loop3A_408 = arith.constant 0 : i32
        %parallel_loop3A_409 = tpu.memref_slice %arg8[%parallel_loop3A_246, %parallel_loop3A_407, %parallel_loop3A_408] : memref<4x128x64xf32, #tpu.memory_space<vmem>> -> memref<1x128x64xf32, #tpu.memory_space<vmem>>
        %parallel_loop3A_410 = tpu.memref_squeeze %parallel_loop3A_409 : memref<1x128x64xf32, #tpu.memory_space<vmem>> -> memref<128x64xf32, #tpu.memory_space<vmem>>
        %parallel_loop3A_411 = tpu.vector_load_idx %parallel_loop3A_410[%add3A_9, %parallel_loop3A_384] : memref<128x64xf32, #tpu.memory_space<vmem>>[vector<16xi32>, vector<16xi32>], vector<16xf32>,
        %parallel_loop3A_412 = arith.constant 8.000000e+00 : f32
        %parallel_loop3A_413 = vector.broadcast %parallel_loop3A_412 : f32 to vector<16xf32>
        %parallel_loop3A_414 = arith.mulf %parallel_loop3A_411, %parallel_loop3A_413 : vector<16xf32>
        %parallel_loop3A_415 = arith.addf %parallel_loop3A_414, %parallel_loop3A_383 : vector<16xf32>
        %parallel_loop3A_416 = arith.constant 0 : i32
        %parallel_loop3A_417 = arith.constant 0 : i32
        %parallel_loop3A_418 = arith.constant 0 : i32
        %parallel_loop3A_419 = tpu.memref_slice %arg9[%parallel_loop3A_247, %parallel_loop3A_416, %parallel_loop3A_417, %parallel_loop3A_418] : memref<4x8x8x128xf32, #tpu.memory_space<vmem>> -> memref<1x8x8x128xf32, #tpu.memory_space<vmem>>
        %parallel_loop3A_420 = tpu.memref_squeeze %parallel_loop3A_419 : memref<1x8x8x128xf32, #tpu.memory_space<vmem>> -> memref<8x8x128xf32, #tpu.memory_space<vmem>>
        %parallel_loop3A_421 = arith.index_cast %parallel_loop3A_386 : i32 to index
        %parallel_loop3A_422 = arith.index_cast %parallel_loop3A_388 : i32 to index
        %parallel_loop3A_423 = arith.constant 16 : index
        %parallel_loop3A_424 = tpu.vector_load %parallel_loop3A_420[%parallel_loop3A_421, %parallel_loop3A_422, %parallel_loop3A_423] {strides = array<i32>} : memref<8x8x128xf32, #tpu.memory_space<vmem>>, vector<16xf32>,
        tpu.vector_store %parallel_loop3A_420[%parallel_loop3A_421, %parallel_loop3A_422, %parallel_loop3A_423], %parallel_loop3A_415 {strides = array<i32>} : memref<8x8x128xf32, #tpu.memory_space<vmem>>, vector<16xf32>,
        %parallel_loop3A_425 = arith.constant 0 : i32
        %parallel_loop3A_426 = arith.constant 0 : i32
        %parallel_loop3A_427 = tpu.memref_slice %arg8[%parallel_loop3A_246, %parallel_loop3A_425, %parallel_loop3A_426] : memref<4x128x64xf32, #tpu.memory_space<vmem>> -> memref<1x128x64xf32, #tpu.memory_space<vmem>>
        %parallel_loop3A_428 = tpu.memref_squeeze %parallel_loop3A_427 : memref<1x128x64xf32, #tpu.memory_space<vmem>> -> memref<128x64xf32, #tpu.memory_space<vmem>>
        %parallel_loop3A_429 = tpu.vector_load_idx %parallel_loop3A_428[%add3A_13, %parallel_loop3A_384] : memref<128x64xf32, #tpu.memory_space<vmem>>[vector<16xi32>, vector<16xi32>], vector<16xf32>,
        %parallel_loop3A_430 = arith.constant 8.000000e+00 : f32
        %parallel_loop3A_431 = vector.broadcast %parallel_loop3A_430 : f32 to vector<16xf32>
        %parallel_loop3A_432 = arith.mulf %parallel_loop3A_429, %parallel_loop3A_431 : vector<16xf32>
        %parallel_loop3A_433 = arith.addf %parallel_loop3A_432, %parallel_loop3A_383 : vector<16xf32>
        %parallel_loop3A_434 = arith.constant 0 : i32
        %parallel_loop3A_435 = arith.constant 0 : i32
        %parallel_loop3A_436 = arith.constant 0 : i32
        %parallel_loop3A_437 = tpu.memref_slice %arg9[%parallel_loop3A_247, %parallel_loop3A_434, %parallel_loop3A_435, %parallel_loop3A_436] : memref<4x8x8x128xf32, #tpu.memory_space<vmem>> -> memref<1x8x8x128xf32, #tpu.memory_space<vmem>>
        %parallel_loop3A_438 = tpu.memref_squeeze %parallel_loop3A_437 : memref<1x8x8x128xf32, #tpu.memory_space<vmem>> -> memref<8x8x128xf32, #tpu.memory_space<vmem>>
        %parallel_loop3A_439 = arith.index_cast %parallel_loop3A_386 : i32 to index
        %parallel_loop3A_440 = arith.index_cast %parallel_loop3A_388 : i32 to index
        %parallel_loop3A_441 = arith.constant 32 : index
        %parallel_loop3A_442 = tpu.vector_load %parallel_loop3A_438[%parallel_loop3A_439, %parallel_loop3A_440, %parallel_loop3A_441] {strides = array<i32>} : memref<8x8x128xf32, #tpu.memory_space<vmem>>, vector<16xf32>,
        tpu.vector_store %parallel_loop3A_438[%parallel_loop3A_439, %parallel_loop3A_440, %parallel_loop3A_441], %parallel_loop3A_433 {strides = array<i32>} : memref<8x8x128xf32, #tpu.memory_space<vmem>>, vector<16xf32>,
        %parallel_loop3A_443 = arith.constant 0 : i32
        %parallel_loop3A_444 = arith.constant 0 : i32
        %parallel_loop3A_445 = tpu.memref_slice %arg8[%parallel_loop3A_246, %parallel_loop3A_443, %parallel_loop3A_444] : memref<4x128x64xf32, #tpu.memory_space<vmem>> -> memref<1x128x64xf32, #tpu.memory_space<vmem>>
        %parallel_loop3A_446 = tpu.memref_squeeze %parallel_loop3A_445 : memref<1x128x64xf32, #tpu.memory_space<vmem>> -> memref<128x64xf32, #tpu.memory_space<vmem>>
        %parallel_loop3A_447 = tpu.vector_load_idx %parallel_loop3A_446[%add3A_17, %parallel_loop3A_384] : memref<128x64xf32, #tpu.memory_space<vmem>>[vector<16xi32>, vector<16xi32>], vector<16xf32>,
        %parallel_loop3A_448 = arith.constant 8.000000e+00 : f32
        %parallel_loop3A_449 = vector.broadcast %parallel_loop3A_448 : f32 to vector<16xf32>
        %parallel_loop3A_450 = arith.mulf %parallel_loop3A_447, %parallel_loop3A_449 : vector<16xf32>
        %parallel_loop3A_451 = arith.addf %parallel_loop3A_450, %parallel_loop3A_383 : vector<16xf32>
        %parallel_loop3A_452 = arith.constant 0 : i32
        %parallel_loop3A_453 = arith.constant 0 : i32
        %parallel_loop3A_454 = arith.constant 0 : i32
        %parallel_loop3A_455 = tpu.memref_slice %arg9[%parallel_loop3A_247, %parallel_loop3A_452, %parallel_loop3A_453, %parallel_loop3A_454] : memref<4x8x8x128xf32, #tpu.memory_space<vmem>> -> memref<1x8x8x128xf32, #tpu.memory_space<vmem>>
        %parallel_loop3A_456 = tpu.memref_squeeze %parallel_loop3A_455 : memref<1x8x8x128xf32, #tpu.memory_space<vmem>> -> memref<8x8x128xf32, #tpu.memory_space<vmem>>
        %parallel_loop3A_457 = arith.index_cast %parallel_loop3A_386 : i32 to index
        %parallel_loop3A_458 = arith.index_cast %parallel_loop3A_388 : i32 to index
        %parallel_loop3A_459 = arith.constant 48 : index
        %parallel_loop3A_460 = tpu.vector_load %parallel_loop3A_456[%parallel_loop3A_457, %parallel_loop3A_458, %parallel_loop3A_459] {strides = array<i32>} : memref<8x8x128xf32, #tpu.memory_space<vmem>>, vector<16xf32>,
        tpu.vector_store %parallel_loop3A_456[%parallel_loop3A_457, %parallel_loop3A_458, %parallel_loop3A_459], %parallel_loop3A_451 {strides = array<i32>} : memref<8x8x128xf32, #tpu.memory_space<vmem>>, vector<16xf32>,
        %parallel_loop3A_461 = arith.constant 0 : i32
        %parallel_loop3A_462 = arith.constant 0 : i32
        %parallel_loop3A_463 = tpu.memref_slice %arg8[%parallel_loop3A_246, %parallel_loop3A_461, %parallel_loop3A_462] : memref<4x128x64xf32, #tpu.memory_space<vmem>> -> memref<1x128x64xf32, #tpu.memory_space<vmem>>
        %parallel_loop3A_464 = tpu.memref_squeeze %parallel_loop3A_463 : memref<1x128x64xf32, #tpu.memory_space<vmem>> -> memref<128x64xf32, #tpu.memory_space<vmem>>
        %parallel_loop3A_465 = tpu.vector_load_idx %parallel_loop3A_464[%add3A_21, %parallel_loop3A_384] : memref<128x64xf32, #tpu.memory_space<vmem>>[vector<16xi32>, vector<16xi32>], vector<16xf32>,
        %parallel_loop3A_466 = arith.constant 8.000000e+00 : f32
        %parallel_loop3A_467 = vector.broadcast %parallel_loop3A_466 : f32 to vector<16xf32>
        %parallel_loop3A_468 = arith.mulf %parallel_loop3A_465, %parallel_loop3A_467 : vector<16xf32>
        %parallel_loop3A_469 = arith.addf %parallel_loop3A_468, %parallel_loop3A_383 : vector<16xf32>
        %parallel_loop3A_470 = arith.constant 0 : i32
        %parallel_loop3A_471 = arith.constant 0 : i32
        %parallel_loop3A_472 = arith.constant 0 : i32
        %parallel_loop3A_473 = tpu.memref_slice %arg9[%parallel_loop3A_247, %parallel_loop3A_470, %parallel_loop3A_471, %parallel_loop3A_472] : memref<4x8x8x128xf32, #tpu.memory_space<vmem>> -> memref<1x8x8x128xf32, #tpu.memory_space<vmem>>
        %parallel_loop3A_474 = tpu.memref_squeeze %parallel_loop3A_473 : memref<1x8x8x128xf32, #tpu.memory_space<vmem>> -> memref<8x8x128xf32, #tpu.memory_space<vmem>>
        %parallel_loop3A_475 = arith.index_cast %parallel_loop3A_386 : i32 to index
        %parallel_loop3A_476 = arith.index_cast %parallel_loop3A_388 : i32 to index
        %parallel_loop3A_477 = arith.constant 64 : index
        %parallel_loop3A_478 = tpu.vector_load %parallel_loop3A_474[%parallel_loop3A_475, %parallel_loop3A_476, %parallel_loop3A_477] {strides = array<i32>} : memref<8x8x128xf32, #tpu.memory_space<vmem>>, vector<16xf32>,
        tpu.vector_store %parallel_loop3A_474[%parallel_loop3A_475, %parallel_loop3A_476, %parallel_loop3A_477], %parallel_loop3A_469 {strides = array<i32>} : memref<8x8x128xf32, #tpu.memory_space<vmem>>, vector<16xf32>,
        %parallel_loop3A_479 = arith.constant 0 : i32
        %parallel_loop3A_480 = arith.constant 0 : i32
        %parallel_loop3A_481 = tpu.memref_slice %arg8[%parallel_loop3A_246, %parallel_loop3A_479, %parallel_loop3A_480] : memref<4x128x64xf32, #tpu.memory_space<vmem>> -> memref<1x128x64xf32, #tpu.memory_space<vmem>>
        %parallel_loop3A_482 = tpu.memref_squeeze %parallel_loop3A_481 : memref<1x128x64xf32, #tpu.memory_space<vmem>> -> memref<128x64xf32, #tpu.memory_space<vmem>>
        %parallel_loop3A_483 = tpu.vector_load_idx %parallel_loop3A_482[%add3A_25, %parallel_loop3A_384] : memref<128x64xf32, #tpu.memory_space<vmem>>[vector<16xi32>, vector<16xi32>], vector<16xf32>,
        %parallel_loop3A_484 = arith.constant 8.000000e+00 : f32
        %parallel_loop3A_485 = vector.broadcast %parallel_loop3A_484 : f32 to vector<16xf32>
        %parallel_loop3A_486 = arith.mulf %parallel_loop3A_483, %parallel_loop3A_485 : vector<16xf32>
        %parallel_loop3A_487 = arith.addf %parallel_loop3A_486, %parallel_loop3A_383 : vector<16xf32>
        %parallel_loop3A_488 = arith.constant 0 : i32
        %parallel_loop3A_489 = arith.constant 0 : i32
        %parallel_loop3A_490 = arith.constant 0 : i32
        %parallel_loop3A_491 = tpu.memref_slice %arg9[%parallel_loop3A_247, %parallel_loop3A_488, %parallel_loop3A_489, %parallel_loop3A_490] : memref<4x8x8x128xf32, #tpu.memory_space<vmem>> -> memref<1x8x8x128xf32, #tpu.memory_space<vmem>>
        %parallel_loop3A_492 = tpu.memref_squeeze %parallel_loop3A_491 : memref<1x8x8x128xf32, #tpu.memory_space<vmem>> -> memref<8x8x128xf32, #tpu.memory_space<vmem>>
        %parallel_loop3A_493 = arith.index_cast %parallel_loop3A_386 : i32 to index
        %parallel_loop3A_494 = arith.index_cast %parallel_loop3A_388 : i32 to index
        %parallel_loop3A_495 = arith.constant 80 : index
        %parallel_loop3A_496 = tpu.vector_load %parallel_loop3A_492[%parallel_loop3A_493, %parallel_loop3A_494, %parallel_loop3A_495] {strides = array<i32>} : memref<8x8x128xf32, #tpu.memory_space<vmem>>, vector<16xf32>,
        tpu.vector_store %parallel_loop3A_492[%parallel_loop3A_493, %parallel_loop3A_494, %parallel_loop3A_495], %parallel_loop3A_487 {strides = array<i32>} : memref<8x8x128xf32, #tpu.memory_space<vmem>>, vector<16xf32>,
        %parallel_loop3A_497 = arith.constant 0 : i32
        %parallel_loop3A_498 = arith.constant 0 : i32
        %parallel_loop3A_499 = tpu.memref_slice %arg8[%parallel_loop3A_246, %parallel_loop3A_497, %parallel_loop3A_498] : memref<4x128x64xf32, #tpu.memory_space<vmem>> -> memref<1x128x64xf32, #tpu.memory_space<vmem>>
        %parallel_loop3A_500 = tpu.memref_squeeze %parallel_loop3A_499 : memref<1x128x64xf32, #tpu.memory_space<vmem>> -> memref<128x64xf32, #tpu.memory_space<vmem>>
        %parallel_loop3A_501 = tpu.vector_load_idx %parallel_loop3A_500[%add3A_29, %parallel_loop3A_384] : memref<128x64xf32, #tpu.memory_space<vmem>>[vector<16xi32>, vector<16xi32>], vector<16xf32>,
        %parallel_loop3A_502 = arith.constant 8.000000e+00 : f32
        %parallel_loop3A_503 = vector.broadcast %parallel_loop3A_502 : f32 to vector<16xf32>
        %parallel_loop3A_504 = arith.mulf %parallel_loop3A_501, %parallel_loop3A_503 : vector<16xf32>
        %parallel_loop3A_505 = arith.addf %parallel_loop3A_504, %parallel_loop3A_383 : vector<16xf32>
        %parallel_loop3A_506 = arith.constant 0 : i32
        %parallel_loop3A_507 = arith.constant 0 : i32
        %parallel_loop3A_508 = arith.constant 0 : i32
        %parallel_loop3A_509 = tpu.memref_slice %arg9[%parallel_loop3A_247, %parallel_loop3A_506, %parallel_loop3A_507, %parallel_loop3A_508] : memref<4x8x8x128xf32, #tpu.memory_space<vmem>> -> memref<1x8x8x128xf32, #tpu.memory_space<vmem>>
        %parallel_loop3A_510 = tpu.memref_squeeze %parallel_loop3A_509 : memref<1x8x8x128xf32, #tpu.memory_space<vmem>> -> memref<8x8x128xf32, #tpu.memory_space<vmem>>
        %parallel_loop3A_511 = arith.index_cast %parallel_loop3A_386 : i32 to index
        %parallel_loop3A_512 = arith.index_cast %parallel_loop3A_388 : i32 to index
        %parallel_loop3A_513 = arith.constant 96 : index
        %parallel_loop3A_514 = tpu.vector_load %parallel_loop3A_510[%parallel_loop3A_511, %parallel_loop3A_512, %parallel_loop3A_513] {strides = array<i32>} : memref<8x8x128xf32, #tpu.memory_space<vmem>>, vector<16xf32>,
        tpu.vector_store %parallel_loop3A_510[%parallel_loop3A_511, %parallel_loop3A_512, %parallel_loop3A_513], %parallel_loop3A_505 {strides = array<i32>} : memref<8x8x128xf32, #tpu.memory_space<vmem>>, vector<16xf32>,
        %parallel_loop3A_515 = arith.constant 0 : i32
        %parallel_loop3A_516 = arith.constant 0 : i32
        %parallel_loop3A_517 = tpu.memref_slice %arg8[%parallel_loop3A_246, %parallel_loop3A_515, %parallel_loop3A_516] : memref<4x128x64xf32, #tpu.memory_space<vmem>> -> memref<1x128x64xf32, #tpu.memory_space<vmem>>
        %parallel_loop3A_518 = tpu.memref_squeeze %parallel_loop3A_517 : memref<1x128x64xf32, #tpu.memory_space<vmem>> -> memref<128x64xf32, #tpu.memory_space<vmem>>
        %parallel_loop3A_519 = tpu.vector_load_idx %parallel_loop3A_518[%add3A_33, %parallel_loop3A_384] : memref<128x64xf32, #tpu.memory_space<vmem>>[vector<16xi32>, vector<16xi32>], vector<16xf32>,
        %parallel_loop3A_520 = arith.constant 8.000000e+00 : f32
        %parallel_loop3A_521 = vector.broadcast %parallel_loop3A_520 : f32 to vector<16xf32>
        %parallel_loop3A_522 = arith.mulf %parallel_loop3A_519, %parallel_loop3A_521 : vector<16xf32>
        %parallel_loop3A_523 = arith.addf %parallel_loop3A_522, %parallel_loop3A_383 : vector<16xf32>
        %parallel_loop3A_524 = arith.constant 0 : i32
        %parallel_loop3A_525 = arith.constant 0 : i32
        %parallel_loop3A_526 = arith.constant 0 : i32
        %parallel_loop3A_527 = tpu.memref_slice %arg9[%parallel_loop3A_247, %parallel_loop3A_524, %parallel_loop3A_525, %parallel_loop3A_526] : memref<4x8x8x128xf32, #tpu.memory_space<vmem>> -> memref<1x8x8x128xf32, #tpu.memory_space<vmem>>
        %parallel_loop3A_528 = tpu.memref_squeeze %parallel_loop3A_527 : memref<1x8x8x128xf32, #tpu.memory_space<vmem>> -> memref<8x8x128xf32, #tpu.memory_space<vmem>>
        %parallel_loop3A_529 = arith.index_cast %parallel_loop3A_386 : i32 to index
        %parallel_loop3A_530 = arith.index_cast %parallel_loop3A_388 : i32 to index
        %parallel_loop3A_531 = arith.constant 112 : index
        %parallel_loop3A_532 = tpu.vector_load %parallel_loop3A_528[%parallel_loop3A_529, %parallel_loop3A_530, %parallel_loop3A_531] {strides = array<i32>} : memref<8x8x128xf32, #tpu.memory_space<vmem>>, vector<16xf32>,
        tpu.vector_store %parallel_loop3A_528[%parallel_loop3A_529, %parallel_loop3A_530, %parallel_loop3A_531], %parallel_loop3A_523 {strides = array<i32>} : memref<8x8x128xf32, #tpu.memory_space<vmem>>, vector<16xf32>,
      } {sc.loop_unroll_factor = 4 : i64, sc.parallel_access}
      %dma_start3A_248 = arith.constant 1 : i32
      %dma_start3A_249 = arith.constant 0 : i32
      %dma_start3A_250 = arith.constant 0 : i32
      %dma_start3A_251 = arith.constant 0 : i32
      %dma_start3A_252 = tpu.memref_slice %arg9[%dma_start3A_248, %dma_start3A_249, %dma_start3A_250, %dma_start3A_251] : memref<4x8x8x128xf32, #tpu.memory_space<vmem>> -> memref<1x8x8x128xf32, #tpu.memory_space<vmem>>
      %dma_start3A_253 = tpu.memref_squeeze %dma_start3A_252 : memref<1x8x8x128xf32, #tpu.memory_space<vmem>> -> memref<8x8x128xf32, #tpu.memory_space<vmem>>
      %dma_start3A_254 = arith.constant 0 : i32
      %dma_start3A_255 = arith.constant 0 : i32
      %dma_start3A_256 = arith.constant 0 : i32
      %dma_start3A_257 = tpu.memref_slice %arg5[%add3A_217, %dma_start3A_254, %add3A, %dma_start3A_255, %dma_start3A_256] : memref<200x8x32x8x128xf32, #tpu.memory_space<hbm>> -> memref<1x8x1x8x128xf32, #tpu.memory_space<hbm>>
      %dma_start3A_258 = tpu.memref_squeeze %dma_start3A_257 : memref<1x8x1x8x128xf32, #tpu.memory_space<hbm>> -> memref<8x8x128xf32, #tpu.memory_space<hbm>>
      %dma_start3A_259 = arith.constant 0 : i32
      %dma_start3A_260 = arith.constant 0 : i32
      %dma_start3A_261 = arith.constant 0 : i32
      %dma_start3A_262 = tpu.memref_slice %arg5[%add3A_217, %dma_start3A_259, %add3A, %dma_start3A_260, %dma_start3A_261] : memref<200x8x32x8x128xf32, #tpu.memory_space<hbm>> -> memref<1x8x1x8x128xf32, #tpu.memory_space<hbm>>
      %dma_start3A_263 = tpu.memref_squeeze %dma_start3A_262 : memref<1x8x1x8x128xf32, #tpu.memory_space<hbm>> -> memref<8x8x128xf32, #tpu.memory_space<hbm>>
      %dma_start3A_264 = arith.constant 0 : i32
      %dma_start3A_265 = arith.constant 0 : i32
      %dma_start3A_266 = arith.constant 0 : i32
      %dma_start3A_267 = tpu.memref_slice %arg9[%dma_start3A_248, %dma_start3A_264, %dma_start3A_265, %dma_start3A_266] : memref<4x8x8x128xf32, #tpu.memory_space<vmem>> -> memref<1x8x8x128xf32, #tpu.memory_space<vmem>>
      %dma_start3A_268 = tpu.memref_squeeze %dma_start3A_267 : memref<1x8x8x128xf32, #tpu.memory_space<vmem>> -> memref<8x8x128xf32, #tpu.memory_space<vmem>>
      tpu.enqueue_dma source(%dma_start3A_268 : memref<8x8x128xf32, #tpu.memory_space<vmem>>) target(%dma_start3A_263 : memref<8x8x128xf32, #tpu.memory_space<hbm>>) target_semaphore(%arg15 : memref<!tpu.dma_semaphore, #tpu.memory_space<semaphore_mem>>)
      %mul3A_269 = arith.constant 4 : i32
      %mul3A_270 = arith.muli %mul3A_269, %scan3A_162 : i32
      %add3A_271 = arith.constant 2 : i32
      %add3A_272 = arith.addi %mul3A_270, %add3A_271 : i32
      %add3A_273 = arith.constant 3 : i32
      %add3A_274 = arith.addi %add3A_272, %add3A_273 : i32
      %lt3A_275 = arith.constant 200 : i32
      %lt3A_276 = arith.cmpi slt, %add3A_274, %lt3A_275 : i32
      %convert_element_type3A_277 = arith.extui %lt3A_276 : i1 to i32
      %cond3A_278 = arith.constant 0 : i32
      %cond3A_279 = arith.cmpi ne, %convert_element_type3A_277, %cond3A_278 : i32
      scf.if %cond3A_279 {
        %add3A_380 = arith.constant 3 : i32
        %add3A_381 = arith.addi %add3A_272, %add3A_380 : i32
        %dma_start3A_382 = arith.constant 1 : i32
        %dma_start3A_383 = arith.constant 0 : i32
        %dma_start3A_384 = arith.constant 0 : i32
        %dma_start3A_385 = tpu.memref_slice %arg8[%dma_start3A_382, %dma_start3A_383, %dma_start3A_384] : memref<4x128x64xf32, #tpu.memory_space<vmem>> -> memref<1x128x64xf32, #tpu.memory_space<vmem>>
        %dma_start3A_386 = tpu.memref_squeeze %dma_start3A_385 : memref<1x128x64xf32, #tpu.memory_space<vmem>> -> memref<128x64xf32, #tpu.memory_space<vmem>>
        %dma_start3A_387 = arith.constant 0 : i32
        %dma_start3A_388 = tpu.memref_slice %arg6[%add3A_381, %dma_start3A_387] : memref<200x128xi32, #tpu.memory_space<vmem>> -> memref<1x128xi32, #tpu.memory_space<vmem>>
        %dma_start3A_389 = tpu.memref_squeeze %dma_start3A_388 : memref<1x128xi32, #tpu.memory_space<vmem>> -> memref<128xi32, #tpu.memory_space<vmem>>
        %dma_start3A_390 = arith.constant 0 : i32
        %dma_start3A_391 = arith.constant 0 : i32
        %dma_start3A_392 = tpu.memref_slice %arg3[%dma_start3A_390, %dma_start3A_391] : memref<1000000x64xf32, #tpu.memory_space<hbm>> -> memref<1000000x64xf32, #tpu.memory_space<hbm>>
        tpu.enqueue_indirect_dma source(%dma_start3A_392 : memref<1000000x64xf32, #tpu.memory_space<hbm>>) target(%dma_start3A_386 : memref<128x64xf32, #tpu.memory_space<vmem>>) offsets(%dma_start3A_389 : memref<128xi32, #tpu.memory_space<vmem>>) semaphore(%arg11 : memref<!tpu.dma_semaphore, #tpu.memory_space<semaphore_mem>>)
      } else {
      }
      %dma_wait3A_280 = arith.constant 2 : i32
      %dma_wait3A_281 = arith.constant 0 : i32
      %dma_wait3A_282 = arith.constant 0 : i32
      %dma_wait3A_283 = tpu.memref_slice %arg8[%dma_wait3A_280, %dma_wait3A_281, %dma_wait3A_282] : memref<4x128x64xf32, #tpu.memory_space<vmem>> -> memref<1x128x64xf32, #tpu.memory_space<vmem>>
      %dma_wait3A_284 = tpu.memref_squeeze %dma_wait3A_283 : memref<1x128x64xf32, #tpu.memory_space<vmem>> -> memref<128x64xf32, #tpu.memory_space<vmem>>
      %dma_wait3A_285 = arith.constant 0 : i32
      %dma_wait3A_286 = tpu.memref_slice %arg6[%add3A_272, %dma_wait3A_285] : memref<200x128xi32, #tpu.memory_space<vmem>> -> memref<1x128xi32, #tpu.memory_space<vmem>>
      %dma_wait3A_287 = tpu.memref_squeeze %dma_wait3A_286 : memref<1x128xi32, #tpu.memory_space<vmem>> -> memref<128xi32, #tpu.memory_space<vmem>>
      %dma_wait3A_288 = arith.constant 0 : i32
      %dma_wait3A_289 = arith.constant 0 : i32
      %dma_wait3A_290 = tpu.memref_slice %arg3[%dma_wait3A_288, %dma_wait3A_289] : memref<1000000x64xf32, #tpu.memory_space<hbm>> -> memref<1000000x64xf32, #tpu.memory_space<hbm>>
      tpu.wait_indirect_dma semaphore(%arg12 : memref<!tpu.dma_semaphore, #tpu.memory_space<semaphore_mem>>) src(%dma_wait3A_290 : memref<1000000x64xf32, #tpu.memory_space<hbm>>) dst(%dma_wait3A_284 : memref<128x64xf32, #tpu.memory_space<vmem>>)
      %ge3A_291 = arith.constant 4 : i32
      %ge3A_292 = arith.cmpi sge, %add3A_272, %ge3A_291 : i32
      %convert_element_type3A_293 = arith.extui %ge3A_292 : i1 to i32
      %cond3A_294 = arith.constant 0 : i32
      %cond3A_295 = arith.cmpi ne, %convert_element_type3A_293, %cond3A_294 : i32
      scf.if %cond3A_295 {
        %sub3A = arith.constant 4 : i32
        %sub3A_380 = arith.subi %add3A_272, %sub3A : i32
        %dma_wait3A_381 = arith.constant 2 : i32
        %dma_wait3A_382 = arith.constant 0 : i32
        %dma_wait3A_383 = arith.constant 0 : i32
        %dma_wait3A_384 = arith.constant 0 : i32
        %dma_wait3A_385 = tpu.memref_slice %arg9[%dma_wait3A_381, %dma_wait3A_382, %dma_wait3A_383, %dma_wait3A_384] : memref<4x8x8x128xf32, #tpu.memory_space<vmem>> -> memref<1x8x8x128xf32, #tpu.memory_space<vmem>>
        %dma_wait3A_386 = tpu.memref_squeeze %dma_wait3A_385 : memref<1x8x8x128xf32, #tpu.memory_space<vmem>> -> memref<8x8x128xf32, #tpu.memory_space<vmem>>
        %dma_wait3A_387 = arith.constant 0 : i32
        %dma_wait3A_388 = arith.constant 0 : i32
        %dma_wait3A_389 = arith.constant 0 : i32
        %dma_wait3A_390 = tpu.memref_slice %arg5[%sub3A_380, %dma_wait3A_387, %add3A, %dma_wait3A_388, %dma_wait3A_389] : memref<200x8x32x8x128xf32, #tpu.memory_space<hbm>> -> memref<1x8x1x8x128xf32, #tpu.memory_space<hbm>>
        %dma_wait3A_391 = tpu.memref_squeeze %dma_wait3A_390 : memref<1x8x1x8x128xf32, #tpu.memory_space<hbm>> -> memref<8x8x128xf32, #tpu.memory_space<hbm>>
        %dma_wait3A_392 = arith.constant 0 : i32
        %dma_wait3A_393 = arith.constant 0 : i32
        %dma_wait3A_394 = arith.constant 0 : i32
        %dma_wait3A_395 = tpu.memref_slice %arg5[%sub3A_380, %dma_wait3A_392, %add3A, %dma_wait3A_393, %dma_wait3A_394] : memref<200x8x32x8x128xf32, #tpu.memory_space<hbm>> -> memref<1x8x1x8x128xf32, #tpu.memory_space<hbm>>
        %dma_wait3A_396 = tpu.memref_squeeze %dma_wait3A_395 : memref<1x8x1x8x128xf32, #tpu.memory_space<hbm>> -> memref<8x8x128xf32, #tpu.memory_space<hbm>>
        %dma_wait3A_397 = arith.constant 0 : i32
        %dma_wait3A_398 = arith.constant 0 : i32
        %dma_wait3A_399 = arith.constant 0 : i32
        %dma_wait3A_400 = tpu.memref_slice %arg9[%dma_wait3A_381, %dma_wait3A_397, %dma_wait3A_398, %dma_wait3A_399] : memref<4x8x8x128xf32, #tpu.memory_space<vmem>> -> memref<1x8x8x128xf32, #tpu.memory_space<vmem>>
        %dma_wait3A_401 = tpu.memref_squeeze %dma_wait3A_400 : memref<1x8x8x128xf32, #tpu.memory_space<vmem>> -> memref<8x8x128xf32, #tpu.memory_space<vmem>>
        tpu.wait_dma2 semaphore(%arg16 : memref<!tpu.dma_semaphore, #tpu.memory_space<semaphore_mem>>) src(%dma_wait3A_401 : memref<8x8x128xf32, #tpu.memory_space<vmem>>) dst(%dma_wait3A_396 : memref<8x8x128xf32, #tpu.memory_space<hbm>>)
      } else {
      }
      %mul3A_296 = arith.constant 64 : i32
      %mul3A_297 = arith.muli %add3A_272, %mul3A_296 : i32
      %parallel_loop3A_298 = arith.constant 0 : i32
      %parallel_loop3A_299 = arith.constant 64 : i32
      %parallel_loop3A_300 = arith.constant 1 : i32
      %parallel_loop3A_301 = arith.constant 2 : i32
      %parallel_loop3A_302 = arith.constant 2 : i32
      scf.for %parallel_loop3A_380 = %parallel_loop3A_298 to %parallel_loop3A_299 step %parallel_loop3A_300  : i32 {
        %parallel_loop3A_381 = arith.addi %mul3A_297, %parallel_loop3A_380 : i32
        %parallel_loop3A_382 = vector.broadcast %parallel_loop3A_381 : i32 to vector<16xi32>
        %parallel_loop3A_383 = tpu.vector_load_idx %arg7[%parallel_loop3A_382] : memref<12800xf32, #tpu.memory_space<vmem>>[vector<16xi32>], vector<16xf32>,
        %parallel_loop3A_384 = vector.broadcast %parallel_loop3A_380 : i32 to vector<16xi32>
        %parallel_loop3A_385 = arith.constant 3 : i32
        %parallel_loop3A_386 = arith.shrui %parallel_loop3A_380, %parallel_loop3A_385 : i32
        %parallel_loop3A_387 = arith.constant 7 : i32
        %parallel_loop3A_388 = arith.andi %parallel_loop3A_380, %parallel_loop3A_387 : i32
        %parallel_loop3A_389 = arith.constant 0 : i32
        %parallel_loop3A_390 = arith.constant 0 : i32
        %parallel_loop3A_391 = tpu.memref_slice %arg8[%parallel_loop3A_301, %parallel_loop3A_389, %parallel_loop3A_390] : memref<4x128x64xf32, #tpu.memory_space<vmem>> -> memref<1x128x64xf32, #tpu.memory_space<vmem>>
        %parallel_loop3A_392 = tpu.memref_squeeze %parallel_loop3A_391 : memref<1x128x64xf32, #tpu.memory_space<vmem>> -> memref<128x64xf32, #tpu.memory_space<vmem>>
        %parallel_loop3A_393 = tpu.vector_load_idx %parallel_loop3A_392[%add3A_5, %parallel_loop3A_384] : memref<128x64xf32, #tpu.memory_space<vmem>>[vector<16xi32>, vector<16xi32>], vector<16xf32>,
        %parallel_loop3A_394 = arith.constant 8.000000e+00 : f32
        %parallel_loop3A_395 = vector.broadcast %parallel_loop3A_394 : f32 to vector<16xf32>
        %parallel_loop3A_396 = arith.mulf %parallel_loop3A_393, %parallel_loop3A_395 : vector<16xf32>
        %parallel_loop3A_397 = arith.addf %parallel_loop3A_396, %parallel_loop3A_383 : vector<16xf32>
        %parallel_loop3A_398 = arith.constant 0 : i32
        %parallel_loop3A_399 = arith.constant 0 : i32
        %parallel_loop3A_400 = arith.constant 0 : i32
        %parallel_loop3A_401 = tpu.memref_slice %arg9[%parallel_loop3A_302, %parallel_loop3A_398, %parallel_loop3A_399, %parallel_loop3A_400] : memref<4x8x8x128xf32, #tpu.memory_space<vmem>> -> memref<1x8x8x128xf32, #tpu.memory_space<vmem>>
        %parallel_loop3A_402 = tpu.memref_squeeze %parallel_loop3A_401 : memref<1x8x8x128xf32, #tpu.memory_space<vmem>> -> memref<8x8x128xf32, #tpu.memory_space<vmem>>
        %parallel_loop3A_403 = arith.index_cast %parallel_loop3A_386 : i32 to index
        %parallel_loop3A_404 = arith.index_cast %parallel_loop3A_388 : i32 to index
        %parallel_loop3A_405 = arith.constant 0 : index
        %parallel_loop3A_406 = tpu.vector_load %parallel_loop3A_402[%parallel_loop3A_403, %parallel_loop3A_404, %parallel_loop3A_405] {strides = array<i32>} : memref<8x8x128xf32, #tpu.memory_space<vmem>>, vector<16xf32>,
        tpu.vector_store %parallel_loop3A_402[%parallel_loop3A_403, %parallel_loop3A_404, %parallel_loop3A_405], %parallel_loop3A_397 {strides = array<i32>} : memref<8x8x128xf32, #tpu.memory_space<vmem>>, vector<16xf32>,
        %parallel_loop3A_407 = arith.constant 0 : i32
        %parallel_loop3A_408 = arith.constant 0 : i32
        %parallel_loop3A_409 = tpu.memref_slice %arg8[%parallel_loop3A_301, %parallel_loop3A_407, %parallel_loop3A_408] : memref<4x128x64xf32, #tpu.memory_space<vmem>> -> memref<1x128x64xf32, #tpu.memory_space<vmem>>
        %parallel_loop3A_410 = tpu.memref_squeeze %parallel_loop3A_409 : memref<1x128x64xf32, #tpu.memory_space<vmem>> -> memref<128x64xf32, #tpu.memory_space<vmem>>
        %parallel_loop3A_411 = tpu.vector_load_idx %parallel_loop3A_410[%add3A_9, %parallel_loop3A_384] : memref<128x64xf32, #tpu.memory_space<vmem>>[vector<16xi32>, vector<16xi32>], vector<16xf32>,
        %parallel_loop3A_412 = arith.constant 8.000000e+00 : f32
        %parallel_loop3A_413 = vector.broadcast %parallel_loop3A_412 : f32 to vector<16xf32>
        %parallel_loop3A_414 = arith.mulf %parallel_loop3A_411, %parallel_loop3A_413 : vector<16xf32>
        %parallel_loop3A_415 = arith.addf %parallel_loop3A_414, %parallel_loop3A_383 : vector<16xf32>
        %parallel_loop3A_416 = arith.constant 0 : i32
        %parallel_loop3A_417 = arith.constant 0 : i32
        %parallel_loop3A_418 = arith.constant 0 : i32
        %parallel_loop3A_419 = tpu.memref_slice %arg9[%parallel_loop3A_302, %parallel_loop3A_416, %parallel_loop3A_417, %parallel_loop3A_418] : memref<4x8x8x128xf32, #tpu.memory_space<vmem>> -> memref<1x8x8x128xf32, #tpu.memory_space<vmem>>
        %parallel_loop3A_420 = tpu.memref_squeeze %parallel_loop3A_419 : memref<1x8x8x128xf32, #tpu.memory_space<vmem>> -> memref<8x8x128xf32, #tpu.memory_space<vmem>>
        %parallel_loop3A_421 = arith.index_cast %parallel_loop3A_386 : i32 to index
        %parallel_loop3A_422 = arith.index_cast %parallel_loop3A_388 : i32 to index
        %parallel_loop3A_423 = arith.constant 16 : index
        %parallel_loop3A_424 = tpu.vector_load %parallel_loop3A_420[%parallel_loop3A_421, %parallel_loop3A_422, %parallel_loop3A_423] {strides = array<i32>} : memref<8x8x128xf32, #tpu.memory_space<vmem>>, vector<16xf32>,
        tpu.vector_store %parallel_loop3A_420[%parallel_loop3A_421, %parallel_loop3A_422, %parallel_loop3A_423], %parallel_loop3A_415 {strides = array<i32>} : memref<8x8x128xf32, #tpu.memory_space<vmem>>, vector<16xf32>,
        %parallel_loop3A_425 = arith.constant 0 : i32
        %parallel_loop3A_426 = arith.constant 0 : i32
        %parallel_loop3A_427 = tpu.memref_slice %arg8[%parallel_loop3A_301, %parallel_loop3A_425, %parallel_loop3A_426] : memref<4x128x64xf32, #tpu.memory_space<vmem>> -> memref<1x128x64xf32, #tpu.memory_space<vmem>>
        %parallel_loop3A_428 = tpu.memref_squeeze %parallel_loop3A_427 : memref<1x128x64xf32, #tpu.memory_space<vmem>> -> memref<128x64xf32, #tpu.memory_space<vmem>>
        %parallel_loop3A_429 = tpu.vector_load_idx %parallel_loop3A_428[%add3A_13, %parallel_loop3A_384] : memref<128x64xf32, #tpu.memory_space<vmem>>[vector<16xi32>, vector<16xi32>], vector<16xf32>,
        %parallel_loop3A_430 = arith.constant 8.000000e+00 : f32
        %parallel_loop3A_431 = vector.broadcast %parallel_loop3A_430 : f32 to vector<16xf32>
        %parallel_loop3A_432 = arith.mulf %parallel_loop3A_429, %parallel_loop3A_431 : vector<16xf32>
        %parallel_loop3A_433 = arith.addf %parallel_loop3A_432, %parallel_loop3A_383 : vector<16xf32>
        %parallel_loop3A_434 = arith.constant 0 : i32
        %parallel_loop3A_435 = arith.constant 0 : i32
        %parallel_loop3A_436 = arith.constant 0 : i32
        %parallel_loop3A_437 = tpu.memref_slice %arg9[%parallel_loop3A_302, %parallel_loop3A_434, %parallel_loop3A_435, %parallel_loop3A_436] : memref<4x8x8x128xf32, #tpu.memory_space<vmem>> -> memref<1x8x8x128xf32, #tpu.memory_space<vmem>>
        %parallel_loop3A_438 = tpu.memref_squeeze %parallel_loop3A_437 : memref<1x8x8x128xf32, #tpu.memory_space<vmem>> -> memref<8x8x128xf32, #tpu.memory_space<vmem>>
        %parallel_loop3A_439 = arith.index_cast %parallel_loop3A_386 : i32 to index
        %parallel_loop3A_440 = arith.index_cast %parallel_loop3A_388 : i32 to index
        %parallel_loop3A_441 = arith.constant 32 : index
        %parallel_loop3A_442 = tpu.vector_load %parallel_loop3A_438[%parallel_loop3A_439, %parallel_loop3A_440, %parallel_loop3A_441] {strides = array<i32>} : memref<8x8x128xf32, #tpu.memory_space<vmem>>, vector<16xf32>,
        tpu.vector_store %parallel_loop3A_438[%parallel_loop3A_439, %parallel_loop3A_440, %parallel_loop3A_441], %parallel_loop3A_433 {strides = array<i32>} : memref<8x8x128xf32, #tpu.memory_space<vmem>>, vector<16xf32>,
        %parallel_loop3A_443 = arith.constant 0 : i32
        %parallel_loop3A_444 = arith.constant 0 : i32
        %parallel_loop3A_445 = tpu.memref_slice %arg8[%parallel_loop3A_301, %parallel_loop3A_443, %parallel_loop3A_444] : memref<4x128x64xf32, #tpu.memory_space<vmem>> -> memref<1x128x64xf32, #tpu.memory_space<vmem>>
        %parallel_loop3A_446 = tpu.memref_squeeze %parallel_loop3A_445 : memref<1x128x64xf32, #tpu.memory_space<vmem>> -> memref<128x64xf32, #tpu.memory_space<vmem>>
        %parallel_loop3A_447 = tpu.vector_load_idx %parallel_loop3A_446[%add3A_17, %parallel_loop3A_384] : memref<128x64xf32, #tpu.memory_space<vmem>>[vector<16xi32>, vector<16xi32>], vector<16xf32>,
        %parallel_loop3A_448 = arith.constant 8.000000e+00 : f32
        %parallel_loop3A_449 = vector.broadcast %parallel_loop3A_448 : f32 to vector<16xf32>
        %parallel_loop3A_450 = arith.mulf %parallel_loop3A_447, %parallel_loop3A_449 : vector<16xf32>
        %parallel_loop3A_451 = arith.addf %parallel_loop3A_450, %parallel_loop3A_383 : vector<16xf32>
        %parallel_loop3A_452 = arith.constant 0 : i32
        %parallel_loop3A_453 = arith.constant 0 : i32
        %parallel_loop3A_454 = arith.constant 0 : i32
        %parallel_loop3A_455 = tpu.memref_slice %arg9[%parallel_loop3A_302, %parallel_loop3A_452, %parallel_loop3A_453, %parallel_loop3A_454] : memref<4x8x8x128xf32, #tpu.memory_space<vmem>> -> memref<1x8x8x128xf32, #tpu.memory_space<vmem>>
        %parallel_loop3A_456 = tpu.memref_squeeze %parallel_loop3A_455 : memref<1x8x8x128xf32, #tpu.memory_space<vmem>> -> memref<8x8x128xf32, #tpu.memory_space<vmem>>
        %parallel_loop3A_457 = arith.index_cast %parallel_loop3A_386 : i32 to index
        %parallel_loop3A_458 = arith.index_cast %parallel_loop3A_388 : i32 to index
        %parallel_loop3A_459 = arith.constant 48 : index
        %parallel_loop3A_460 = tpu.vector_load %parallel_loop3A_456[%parallel_loop3A_457, %parallel_loop3A_458, %parallel_loop3A_459] {strides = array<i32>} : memref<8x8x128xf32, #tpu.memory_space<vmem>>, vector<16xf32>,
        tpu.vector_store %parallel_loop3A_456[%parallel_loop3A_457, %parallel_loop3A_458, %parallel_loop3A_459], %parallel_loop3A_451 {strides = array<i32>} : memref<8x8x128xf32, #tpu.memory_space<vmem>>, vector<16xf32>,
        %parallel_loop3A_461 = arith.constant 0 : i32
        %parallel_loop3A_462 = arith.constant 0 : i32
        %parallel_loop3A_463 = tpu.memref_slice %arg8[%parallel_loop3A_301, %parallel_loop3A_461, %parallel_loop3A_462] : memref<4x128x64xf32, #tpu.memory_space<vmem>> -> memref<1x128x64xf32, #tpu.memory_space<vmem>>
        %parallel_loop3A_464 = tpu.memref_squeeze %parallel_loop3A_463 : memref<1x128x64xf32, #tpu.memory_space<vmem>> -> memref<128x64xf32, #tpu.memory_space<vmem>>
        %parallel_loop3A_465 = tpu.vector_load_idx %parallel_loop3A_464[%add3A_21, %parallel_loop3A_384] : memref<128x64xf32, #tpu.memory_space<vmem>>[vector<16xi32>, vector<16xi32>], vector<16xf32>,
        %parallel_loop3A_466 = arith.constant 8.000000e+00 : f32
        %parallel_loop3A_467 = vector.broadcast %parallel_loop3A_466 : f32 to vector<16xf32>
        %parallel_loop3A_468 = arith.mulf %parallel_loop3A_465, %parallel_loop3A_467 : vector<16xf32>
        %parallel_loop3A_469 = arith.addf %parallel_loop3A_468, %parallel_loop3A_383 : vector<16xf32>
        %parallel_loop3A_470 = arith.constant 0 : i32
        %parallel_loop3A_471 = arith.constant 0 : i32
        %parallel_loop3A_472 = arith.constant 0 : i32
        %parallel_loop3A_473 = tpu.memref_slice %arg9[%parallel_loop3A_302, %parallel_loop3A_470, %parallel_loop3A_471, %parallel_loop3A_472] : memref<4x8x8x128xf32, #tpu.memory_space<vmem>> -> memref<1x8x8x128xf32, #tpu.memory_space<vmem>>
        %parallel_loop3A_474 = tpu.memref_squeeze %parallel_loop3A_473 : memref<1x8x8x128xf32, #tpu.memory_space<vmem>> -> memref<8x8x128xf32, #tpu.memory_space<vmem>>
        %parallel_loop3A_475 = arith.index_cast %parallel_loop3A_386 : i32 to index
        %parallel_loop3A_476 = arith.index_cast %parallel_loop3A_388 : i32 to index
        %parallel_loop3A_477 = arith.constant 64 : index
        %parallel_loop3A_478 = tpu.vector_load %parallel_loop3A_474[%parallel_loop3A_475, %parallel_loop3A_476, %parallel_loop3A_477] {strides = array<i32>} : memref<8x8x128xf32, #tpu.memory_space<vmem>>, vector<16xf32>,
        tpu.vector_store %parallel_loop3A_474[%parallel_loop3A_475, %parallel_loop3A_476, %parallel_loop3A_477], %parallel_loop3A_469 {strides = array<i32>} : memref<8x8x128xf32, #tpu.memory_space<vmem>>, vector<16xf32>,
        %parallel_loop3A_479 = arith.constant 0 : i32
        %parallel_loop3A_480 = arith.constant 0 : i32
        %parallel_loop3A_481 = tpu.memref_slice %arg8[%parallel_loop3A_301, %parallel_loop3A_479, %parallel_loop3A_480] : memref<4x128x64xf32, #tpu.memory_space<vmem>> -> memref<1x128x64xf32, #tpu.memory_space<vmem>>
        %parallel_loop3A_482 = tpu.memref_squeeze %parallel_loop3A_481 : memref<1x128x64xf32, #tpu.memory_space<vmem>> -> memref<128x64xf32, #tpu.memory_space<vmem>>
        %parallel_loop3A_483 = tpu.vector_load_idx %parallel_loop3A_482[%add3A_25, %parallel_loop3A_384] : memref<128x64xf32, #tpu.memory_space<vmem>>[vector<16xi32>, vector<16xi32>], vector<16xf32>,
        %parallel_loop3A_484 = arith.constant 8.000000e+00 : f32
        %parallel_loop3A_485 = vector.broadcast %parallel_loop3A_484 : f32 to vector<16xf32>
        %parallel_loop3A_486 = arith.mulf %parallel_loop3A_483, %parallel_loop3A_485 : vector<16xf32>
        %parallel_loop3A_487 = arith.addf %parallel_loop3A_486, %parallel_loop3A_383 : vector<16xf32>
        %parallel_loop3A_488 = arith.constant 0 : i32
        %parallel_loop3A_489 = arith.constant 0 : i32
        %parallel_loop3A_490 = arith.constant 0 : i32
        %parallel_loop3A_491 = tpu.memref_slice %arg9[%parallel_loop3A_302, %parallel_loop3A_488, %parallel_loop3A_489, %parallel_loop3A_490] : memref<4x8x8x128xf32, #tpu.memory_space<vmem>> -> memref<1x8x8x128xf32, #tpu.memory_space<vmem>>
        %parallel_loop3A_492 = tpu.memref_squeeze %parallel_loop3A_491 : memref<1x8x8x128xf32, #tpu.memory_space<vmem>> -> memref<8x8x128xf32, #tpu.memory_space<vmem>>
        %parallel_loop3A_493 = arith.index_cast %parallel_loop3A_386 : i32 to index
        %parallel_loop3A_494 = arith.index_cast %parallel_loop3A_388 : i32 to index
        %parallel_loop3A_495 = arith.constant 80 : index
        %parallel_loop3A_496 = tpu.vector_load %parallel_loop3A_492[%parallel_loop3A_493, %parallel_loop3A_494, %parallel_loop3A_495] {strides = array<i32>} : memref<8x8x128xf32, #tpu.memory_space<vmem>>, vector<16xf32>,
        tpu.vector_store %parallel_loop3A_492[%parallel_loop3A_493, %parallel_loop3A_494, %parallel_loop3A_495], %parallel_loop3A_487 {strides = array<i32>} : memref<8x8x128xf32, #tpu.memory_space<vmem>>, vector<16xf32>,
        %parallel_loop3A_497 = arith.constant 0 : i32
        %parallel_loop3A_498 = arith.constant 0 : i32
        %parallel_loop3A_499 = tpu.memref_slice %arg8[%parallel_loop3A_301, %parallel_loop3A_497, %parallel_loop3A_498] : memref<4x128x64xf32, #tpu.memory_space<vmem>> -> memref<1x128x64xf32, #tpu.memory_space<vmem>>
        %parallel_loop3A_500 = tpu.memref_squeeze %parallel_loop3A_499 : memref<1x128x64xf32, #tpu.memory_space<vmem>> -> memref<128x64xf32, #tpu.memory_space<vmem>>
        %parallel_loop3A_501 = tpu.vector_load_idx %parallel_loop3A_500[%add3A_29, %parallel_loop3A_384] : memref<128x64xf32, #tpu.memory_space<vmem>>[vector<16xi32>, vector<16xi32>], vector<16xf32>,
        %parallel_loop3A_502 = arith.constant 8.000000e+00 : f32
        %parallel_loop3A_503 = vector.broadcast %parallel_loop3A_502 : f32 to vector<16xf32>
        %parallel_loop3A_504 = arith.mulf %parallel_loop3A_501, %parallel_loop3A_503 : vector<16xf32>
        %parallel_loop3A_505 = arith.addf %parallel_loop3A_504, %parallel_loop3A_383 : vector<16xf32>
        %parallel_loop3A_506 = arith.constant 0 : i32
        %parallel_loop3A_507 = arith.constant 0 : i32
        %parallel_loop3A_508 = arith.constant 0 : i32
        %parallel_loop3A_509 = tpu.memref_slice %arg9[%parallel_loop3A_302, %parallel_loop3A_506, %parallel_loop3A_507, %parallel_loop3A_508] : memref<4x8x8x128xf32, #tpu.memory_space<vmem>> -> memref<1x8x8x128xf32, #tpu.memory_space<vmem>>
        %parallel_loop3A_510 = tpu.memref_squeeze %parallel_loop3A_509 : memref<1x8x8x128xf32, #tpu.memory_space<vmem>> -> memref<8x8x128xf32, #tpu.memory_space<vmem>>
        %parallel_loop3A_511 = arith.index_cast %parallel_loop3A_386 : i32 to index
        %parallel_loop3A_512 = arith.index_cast %parallel_loop3A_388 : i32 to index
        %parallel_loop3A_513 = arith.constant 96 : index
        %parallel_loop3A_514 = tpu.vector_load %parallel_loop3A_510[%parallel_loop3A_511, %parallel_loop3A_512, %parallel_loop3A_513] {strides = array<i32>} : memref<8x8x128xf32, #tpu.memory_space<vmem>>, vector<16xf32>,
        tpu.vector_store %parallel_loop3A_510[%parallel_loop3A_511, %parallel_loop3A_512, %parallel_loop3A_513], %parallel_loop3A_505 {strides = array<i32>} : memref<8x8x128xf32, #tpu.memory_space<vmem>>, vector<16xf32>,
        %parallel_loop3A_515 = arith.constant 0 : i32
        %parallel_loop3A_516 = arith.constant 0 : i32
        %parallel_loop3A_517 = tpu.memref_slice %arg8[%parallel_loop3A_301, %parallel_loop3A_515, %parallel_loop3A_516] : memref<4x128x64xf32, #tpu.memory_space<vmem>> -> memref<1x128x64xf32, #tpu.memory_space<vmem>>
        %parallel_loop3A_518 = tpu.memref_squeeze %parallel_loop3A_517 : memref<1x128x64xf32, #tpu.memory_space<vmem>> -> memref<128x64xf32, #tpu.memory_space<vmem>>
        %parallel_loop3A_519 = tpu.vector_load_idx %parallel_loop3A_518[%add3A_33, %parallel_loop3A_384] : memref<128x64xf32, #tpu.memory_space<vmem>>[vector<16xi32>, vector<16xi32>], vector<16xf32>,
        %parallel_loop3A_520 = arith.constant 8.000000e+00 : f32
        %parallel_loop3A_521 = vector.broadcast %parallel_loop3A_520 : f32 to vector<16xf32>
        %parallel_loop3A_522 = arith.mulf %parallel_loop3A_519, %parallel_loop3A_521 : vector<16xf32>
        %parallel_loop3A_523 = arith.addf %parallel_loop3A_522, %parallel_loop3A_383 : vector<16xf32>
        %parallel_loop3A_524 = arith.constant 0 : i32
        %parallel_loop3A_525 = arith.constant 0 : i32
        %parallel_loop3A_526 = arith.constant 0 : i32
        %parallel_loop3A_527 = tpu.memref_slice %arg9[%parallel_loop3A_302, %parallel_loop3A_524, %parallel_loop3A_525, %parallel_loop3A_526] : memref<4x8x8x128xf32, #tpu.memory_space<vmem>> -> memref<1x8x8x128xf32, #tpu.memory_space<vmem>>
        %parallel_loop3A_528 = tpu.memref_squeeze %parallel_loop3A_527 : memref<1x8x8x128xf32, #tpu.memory_space<vmem>> -> memref<8x8x128xf32, #tpu.memory_space<vmem>>
        %parallel_loop3A_529 = arith.index_cast %parallel_loop3A_386 : i32 to index
        %parallel_loop3A_530 = arith.index_cast %parallel_loop3A_388 : i32 to index
        %parallel_loop3A_531 = arith.constant 112 : index
        %parallel_loop3A_532 = tpu.vector_load %parallel_loop3A_528[%parallel_loop3A_529, %parallel_loop3A_530, %parallel_loop3A_531] {strides = array<i32>} : memref<8x8x128xf32, #tpu.memory_space<vmem>>, vector<16xf32>,
        tpu.vector_store %parallel_loop3A_528[%parallel_loop3A_529, %parallel_loop3A_530, %parallel_loop3A_531], %parallel_loop3A_523 {strides = array<i32>} : memref<8x8x128xf32, #tpu.memory_space<vmem>>, vector<16xf32>,
      } {sc.loop_unroll_factor = 4 : i64, sc.parallel_access}
      %dma_start3A_303 = arith.constant 2 : i32
      %dma_start3A_304 = arith.constant 0 : i32
      %dma_start3A_305 = arith.constant 0 : i32
      %dma_start3A_306 = arith.constant 0 : i32
      %dma_start3A_307 = tpu.memref_slice %arg9[%dma_start3A_303, %dma_start3A_304, %dma_start3A_305, %dma_start3A_306] : memref<4x8x8x128xf32, #tpu.memory_space<vmem>> -> memref<1x8x8x128xf32, #tpu.memory_space<vmem>>
      %dma_start3A_308 = tpu.memref_squeeze %dma_start3A_307 : memref<1x8x8x128xf32, #tpu.memory_space<vmem>> -> memref<8x8x128xf32, #tpu.memory_space<vmem>>
      %dma_start3A_309 = arith.constant 0 : i32
      %dma_start3A_310 = arith.constant 0 : i32
      %dma_start3A_311 = arith.constant 0 : i32
      %dma_start3A_312 = tpu.memref_slice %arg5[%add3A_272, %dma_start3A_309, %add3A, %dma_start3A_310, %dma_start3A_311] : memref<200x8x32x8x128xf32, #tpu.memory_space<hbm>> -> memref<1x8x1x8x128xf32, #tpu.memory_space<hbm>>
      %dma_start3A_313 = tpu.memref_squeeze %dma_start3A_312 : memref<1x8x1x8x128xf32, #tpu.memory_space<hbm>> -> memref<8x8x128xf32, #tpu.memory_space<hbm>>
      %dma_start3A_314 = arith.constant 0 : i32
      %dma_start3A_315 = arith.constant 0 : i32
      %dma_start3A_316 = arith.constant 0 : i32
      %dma_start3A_317 = tpu.memref_slice %arg5[%add3A_272, %dma_start3A_314, %add3A, %dma_start3A_315, %dma_start3A_316] : memref<200x8x32x8x128xf32, #tpu.memory_space<hbm>> -> memref<1x8x1x8x128xf32, #tpu.memory_space<hbm>>
      %dma_start3A_318 = tpu.memref_squeeze %dma_start3A_317 : memref<1x8x1x8x128xf32, #tpu.memory_space<hbm>> -> memref<8x8x128xf32, #tpu.memory_space<hbm>>
      %dma_start3A_319 = arith.constant 0 : i32
      %dma_start3A_320 = arith.constant 0 : i32
      %dma_start3A_321 = arith.constant 0 : i32
      %dma_start3A_322 = tpu.memref_slice %arg9[%dma_start3A_303, %dma_start3A_319, %dma_start3A_320, %dma_start3A_321] : memref<4x8x8x128xf32, #tpu.memory_space<vmem>> -> memref<1x8x8x128xf32, #tpu.memory_space<vmem>>
      %dma_start3A_323 = tpu.memref_squeeze %dma_start3A_322 : memref<1x8x8x128xf32, #tpu.memory_space<vmem>> -> memref<8x8x128xf32, #tpu.memory_space<vmem>>
      tpu.enqueue_dma source(%dma_start3A_323 : memref<8x8x128xf32, #tpu.memory_space<vmem>>) target(%dma_start3A_318 : memref<8x8x128xf32, #tpu.memory_space<hbm>>) target_semaphore(%arg16 : memref<!tpu.dma_semaphore, #tpu.memory_space<semaphore_mem>>)
      %mul3A_324 = arith.constant 4 : i32
      %mul3A_325 = arith.muli %mul3A_324, %scan3A_162 : i32
      %add3A_326 = arith.constant 3 : i32
      %add3A_327 = arith.addi %mul3A_325, %add3A_326 : i32
      %add3A_328 = arith.constant 3 : i32
      %add3A_329 = arith.addi %add3A_327, %add3A_328 : i32
      %lt3A_330 = arith.constant 200 : i32
      %lt3A_331 = arith.cmpi slt, %add3A_329, %lt3A_330 : i32
      %convert_element_type3A_332 = arith.extui %lt3A_331 : i1 to i32
      %cond3A_333 = arith.constant 0 : i32
      %cond3A_334 = arith.cmpi ne, %convert_element_type3A_332, %cond3A_333 : i32
      scf.if %cond3A_334 {
        %add3A_380 = arith.constant 3 : i32
        %add3A_381 = arith.addi %add3A_327, %add3A_380 : i32
        %dma_start3A_382 = arith.constant 2 : i32
        %dma_start3A_383 = arith.constant 0 : i32
        %dma_start3A_384 = arith.constant 0 : i32
        %dma_start3A_385 = tpu.memref_slice %arg8[%dma_start3A_382, %dma_start3A_383, %dma_start3A_384] : memref<4x128x64xf32, #tpu.memory_space<vmem>> -> memref<1x128x64xf32, #tpu.memory_space<vmem>>
        %dma_start3A_386 = tpu.memref_squeeze %dma_start3A_385 : memref<1x128x64xf32, #tpu.memory_space<vmem>> -> memref<128x64xf32, #tpu.memory_space<vmem>>
        %dma_start3A_387 = arith.constant 0 : i32
        %dma_start3A_388 = tpu.memref_slice %arg6[%add3A_381, %dma_start3A_387] : memref<200x128xi32, #tpu.memory_space<vmem>> -> memref<1x128xi32, #tpu.memory_space<vmem>>
        %dma_start3A_389 = tpu.memref_squeeze %dma_start3A_388 : memref<1x128xi32, #tpu.memory_space<vmem>> -> memref<128xi32, #tpu.memory_space<vmem>>
        %dma_start3A_390 = arith.constant 0 : i32
        %dma_start3A_391 = arith.constant 0 : i32
        %dma_start3A_392 = tpu.memref_slice %arg3[%dma_start3A_390, %dma_start3A_391] : memref<1000000x64xf32, #tpu.memory_space<hbm>> -> memref<1000000x64xf32, #tpu.memory_space<hbm>>
        tpu.enqueue_indirect_dma source(%dma_start3A_392 : memref<1000000x64xf32, #tpu.memory_space<hbm>>) target(%dma_start3A_386 : memref<128x64xf32, #tpu.memory_space<vmem>>) offsets(%dma_start3A_389 : memref<128xi32, #tpu.memory_space<vmem>>) semaphore(%arg12 : memref<!tpu.dma_semaphore, #tpu.memory_space<semaphore_mem>>)
      } else {
      }
      %dma_wait3A_335 = arith.constant 3 : i32
      %dma_wait3A_336 = arith.constant 0 : i32
      %dma_wait3A_337 = arith.constant 0 : i32
      %dma_wait3A_338 = tpu.memref_slice %arg8[%dma_wait3A_335, %dma_wait3A_336, %dma_wait3A_337] : memref<4x128x64xf32, #tpu.memory_space<vmem>> -> memref<1x128x64xf32, #tpu.memory_space<vmem>>
      %dma_wait3A_339 = tpu.memref_squeeze %dma_wait3A_338 : memref<1x128x64xf32, #tpu.memory_space<vmem>> -> memref<128x64xf32, #tpu.memory_space<vmem>>
      %dma_wait3A_340 = arith.constant 0 : i32
      %dma_wait3A_341 = tpu.memref_slice %arg6[%add3A_327, %dma_wait3A_340] : memref<200x128xi32, #tpu.memory_space<vmem>> -> memref<1x128xi32, #tpu.memory_space<vmem>>
      %dma_wait3A_342 = tpu.memref_squeeze %dma_wait3A_341 : memref<1x128xi32, #tpu.memory_space<vmem>> -> memref<128xi32, #tpu.memory_space<vmem>>
      %dma_wait3A_343 = arith.constant 0 : i32
      %dma_wait3A_344 = arith.constant 0 : i32
      %dma_wait3A_345 = tpu.memref_slice %arg3[%dma_wait3A_343, %dma_wait3A_344] : memref<1000000x64xf32, #tpu.memory_space<hbm>> -> memref<1000000x64xf32, #tpu.memory_space<hbm>>
      tpu.wait_indirect_dma semaphore(%arg13 : memref<!tpu.dma_semaphore, #tpu.memory_space<semaphore_mem>>) src(%dma_wait3A_345 : memref<1000000x64xf32, #tpu.memory_space<hbm>>) dst(%dma_wait3A_339 : memref<128x64xf32, #tpu.memory_space<vmem>>)
      %ge3A_346 = arith.constant 4 : i32
      %ge3A_347 = arith.cmpi sge, %add3A_327, %ge3A_346 : i32
      %convert_element_type3A_348 = arith.extui %ge3A_347 : i1 to i32
      %cond3A_349 = arith.constant 0 : i32
      %cond3A_350 = arith.cmpi ne, %convert_element_type3A_348, %cond3A_349 : i32
      scf.if %cond3A_350 {
        %sub3A = arith.constant 4 : i32
        %sub3A_380 = arith.subi %add3A_327, %sub3A : i32
        %dma_wait3A_381 = arith.constant 3 : i32
        %dma_wait3A_382 = arith.constant 0 : i32
        %dma_wait3A_383 = arith.constant 0 : i32
        %dma_wait3A_384 = arith.constant 0 : i32
        %dma_wait3A_385 = tpu.memref_slice %arg9[%dma_wait3A_381, %dma_wait3A_382, %dma_wait3A_383, %dma_wait3A_384] : memref<4x8x8x128xf32, #tpu.memory_space<vmem>> -> memref<1x8x8x128xf32, #tpu.memory_space<vmem>>
        %dma_wait3A_386 = tpu.memref_squeeze %dma_wait3A_385 : memref<1x8x8x128xf32, #tpu.memory_space<vmem>> -> memref<8x8x128xf32, #tpu.memory_space<vmem>>
        %dma_wait3A_387 = arith.constant 0 : i32
        %dma_wait3A_388 = arith.constant 0 : i32
        %dma_wait3A_389 = arith.constant 0 : i32
        %dma_wait3A_390 = tpu.memref_slice %arg5[%sub3A_380, %dma_wait3A_387, %add3A, %dma_wait3A_388, %dma_wait3A_389] : memref<200x8x32x8x128xf32, #tpu.memory_space<hbm>> -> memref<1x8x1x8x128xf32, #tpu.memory_space<hbm>>
        %dma_wait3A_391 = tpu.memref_squeeze %dma_wait3A_390 : memref<1x8x1x8x128xf32, #tpu.memory_space<hbm>> -> memref<8x8x128xf32, #tpu.memory_space<hbm>>
        %dma_wait3A_392 = arith.constant 0 : i32
        %dma_wait3A_393 = arith.constant 0 : i32
        %dma_wait3A_394 = arith.constant 0 : i32
        %dma_wait3A_395 = tpu.memref_slice %arg5[%sub3A_380, %dma_wait3A_392, %add3A, %dma_wait3A_393, %dma_wait3A_394] : memref<200x8x32x8x128xf32, #tpu.memory_space<hbm>> -> memref<1x8x1x8x128xf32, #tpu.memory_space<hbm>>
        %dma_wait3A_396 = tpu.memref_squeeze %dma_wait3A_395 : memref<1x8x1x8x128xf32, #tpu.memory_space<hbm>> -> memref<8x8x128xf32, #tpu.memory_space<hbm>>
        %dma_wait3A_397 = arith.constant 0 : i32
        %dma_wait3A_398 = arith.constant 0 : i32
        %dma_wait3A_399 = arith.constant 0 : i32
        %dma_wait3A_400 = tpu.memref_slice %arg9[%dma_wait3A_381, %dma_wait3A_397, %dma_wait3A_398, %dma_wait3A_399] : memref<4x8x8x128xf32, #tpu.memory_space<vmem>> -> memref<1x8x8x128xf32, #tpu.memory_space<vmem>>
        %dma_wait3A_401 = tpu.memref_squeeze %dma_wait3A_400 : memref<1x8x8x128xf32, #tpu.memory_space<vmem>> -> memref<8x8x128xf32, #tpu.memory_space<vmem>>
        tpu.wait_dma2 semaphore(%arg17 : memref<!tpu.dma_semaphore, #tpu.memory_space<semaphore_mem>>) src(%dma_wait3A_401 : memref<8x8x128xf32, #tpu.memory_space<vmem>>) dst(%dma_wait3A_396 : memref<8x8x128xf32, #tpu.memory_space<hbm>>)
      } else {
      }
      %mul3A_351 = arith.constant 64 : i32
      %mul3A_352 = arith.muli %add3A_327, %mul3A_351 : i32
      %parallel_loop3A_353 = arith.constant 0 : i32
      %parallel_loop3A_354 = arith.constant 64 : i32
      %parallel_loop3A_355 = arith.constant 1 : i32
      %parallel_loop3A_356 = arith.constant 3 : i32
      %parallel_loop3A_357 = arith.constant 3 : i32
      scf.for %parallel_loop3A_380 = %parallel_loop3A_353 to %parallel_loop3A_354 step %parallel_loop3A_355  : i32 {
        %parallel_loop3A_381 = arith.addi %mul3A_352, %parallel_loop3A_380 : i32
        %parallel_loop3A_382 = vector.broadcast %parallel_loop3A_381 : i32 to vector<16xi32>
        %parallel_loop3A_383 = tpu.vector_load_idx %arg7[%parallel_loop3A_382] : memref<12800xf32, #tpu.memory_space<vmem>>[vector<16xi32>], vector<16xf32>,
        %parallel_loop3A_384 = vector.broadcast %parallel_loop3A_380 : i32 to vector<16xi32>
        %parallel_loop3A_385 = arith.constant 3 : i32
        %parallel_loop3A_386 = arith.shrui %parallel_loop3A_380, %parallel_loop3A_385 : i32
        %parallel_loop3A_387 = arith.constant 7 : i32
        %parallel_loop3A_388 = arith.andi %parallel_loop3A_380, %parallel_loop3A_387 : i32
        %parallel_loop3A_389 = arith.constant 0 : i32
        %parallel_loop3A_390 = arith.constant 0 : i32
        %parallel_loop3A_391 = tpu.memref_slice %arg8[%parallel_loop3A_356, %parallel_loop3A_389, %parallel_loop3A_390] : memref<4x128x64xf32, #tpu.memory_space<vmem>> -> memref<1x128x64xf32, #tpu.memory_space<vmem>>
        %parallel_loop3A_392 = tpu.memref_squeeze %parallel_loop3A_391 : memref<1x128x64xf32, #tpu.memory_space<vmem>> -> memref<128x64xf32, #tpu.memory_space<vmem>>
        %parallel_loop3A_393 = tpu.vector_load_idx %parallel_loop3A_392[%add3A_5, %parallel_loop3A_384] : memref<128x64xf32, #tpu.memory_space<vmem>>[vector<16xi32>, vector<16xi32>], vector<16xf32>,
        %parallel_loop3A_394 = arith.constant 8.000000e+00 : f32
        %parallel_loop3A_395 = vector.broadcast %parallel_loop3A_394 : f32 to vector<16xf32>
        %parallel_loop3A_396 = arith.mulf %parallel_loop3A_393, %parallel_loop3A_395 : vector<16xf32>
        %parallel_loop3A_397 = arith.addf %parallel_loop3A_396, %parallel_loop3A_383 : vector<16xf32>
        %parallel_loop3A_398 = arith.constant 0 : i32
        %parallel_loop3A_399 = arith.constant 0 : i32
        %parallel_loop3A_400 = arith.constant 0 : i32
        %parallel_loop3A_401 = tpu.memref_slice %arg9[%parallel_loop3A_357, %parallel_loop3A_398, %parallel_loop3A_399, %parallel_loop3A_400] : memref<4x8x8x128xf32, #tpu.memory_space<vmem>> -> memref<1x8x8x128xf32, #tpu.memory_space<vmem>>
        %parallel_loop3A_402 = tpu.memref_squeeze %parallel_loop3A_401 : memref<1x8x8x128xf32, #tpu.memory_space<vmem>> -> memref<8x8x128xf32, #tpu.memory_space<vmem>>
        %parallel_loop3A_403 = arith.index_cast %parallel_loop3A_386 : i32 to index
        %parallel_loop3A_404 = arith.index_cast %parallel_loop3A_388 : i32 to index
        %parallel_loop3A_405 = arith.constant 0 : index
        %parallel_loop3A_406 = tpu.vector_load %parallel_loop3A_402[%parallel_loop3A_403, %parallel_loop3A_404, %parallel_loop3A_405] {strides = array<i32>} : memref<8x8x128xf32, #tpu.memory_space<vmem>>, vector<16xf32>,
        tpu.vector_store %parallel_loop3A_402[%parallel_loop3A_403, %parallel_loop3A_404, %parallel_loop3A_405], %parallel_loop3A_397 {strides = array<i32>} : memref<8x8x128xf32, #tpu.memory_space<vmem>>, vector<16xf32>,
        %parallel_loop3A_407 = arith.constant 0 : i32
        %parallel_loop3A_408 = arith.constant 0 : i32
        %parallel_loop3A_409 = tpu.memref_slice %arg8[%parallel_loop3A_356, %parallel_loop3A_407, %parallel_loop3A_408] : memref<4x128x64xf32, #tpu.memory_space<vmem>> -> memref<1x128x64xf32, #tpu.memory_space<vmem>>
        %parallel_loop3A_410 = tpu.memref_squeeze %parallel_loop3A_409 : memref<1x128x64xf32, #tpu.memory_space<vmem>> -> memref<128x64xf32, #tpu.memory_space<vmem>>
        %parallel_loop3A_411 = tpu.vector_load_idx %parallel_loop3A_410[%add3A_9, %parallel_loop3A_384] : memref<128x64xf32, #tpu.memory_space<vmem>>[vector<16xi32>, vector<16xi32>], vector<16xf32>,
        %parallel_loop3A_412 = arith.constant 8.000000e+00 : f32
        %parallel_loop3A_413 = vector.broadcast %parallel_loop3A_412 : f32 to vector<16xf32>
        %parallel_loop3A_414 = arith.mulf %parallel_loop3A_411, %parallel_loop3A_413 : vector<16xf32>
        %parallel_loop3A_415 = arith.addf %parallel_loop3A_414, %parallel_loop3A_383 : vector<16xf32>
        %parallel_loop3A_416 = arith.constant 0 : i32
        %parallel_loop3A_417 = arith.constant 0 : i32
        %parallel_loop3A_418 = arith.constant 0 : i32
        %parallel_loop3A_419 = tpu.memref_slice %arg9[%parallel_loop3A_357, %parallel_loop3A_416, %parallel_loop3A_417, %parallel_loop3A_418] : memref<4x8x8x128xf32, #tpu.memory_space<vmem>> -> memref<1x8x8x128xf32, #tpu.memory_space<vmem>>
        %parallel_loop3A_420 = tpu.memref_squeeze %parallel_loop3A_419 : memref<1x8x8x128xf32, #tpu.memory_space<vmem>> -> memref<8x8x128xf32, #tpu.memory_space<vmem>>
        %parallel_loop3A_421 = arith.index_cast %parallel_loop3A_386 : i32 to index
        %parallel_loop3A_422 = arith.index_cast %parallel_loop3A_388 : i32 to index
        %parallel_loop3A_423 = arith.constant 16 : index
        %parallel_loop3A_424 = tpu.vector_load %parallel_loop3A_420[%parallel_loop3A_421, %parallel_loop3A_422, %parallel_loop3A_423] {strides = array<i32>} : memref<8x8x128xf32, #tpu.memory_space<vmem>>, vector<16xf32>,
        tpu.vector_store %parallel_loop3A_420[%parallel_loop3A_421, %parallel_loop3A_422, %parallel_loop3A_423], %parallel_loop3A_415 {strides = array<i32>} : memref<8x8x128xf32, #tpu.memory_space<vmem>>, vector<16xf32>,
        %parallel_loop3A_425 = arith.constant 0 : i32
        %parallel_loop3A_426 = arith.constant 0 : i32
        %parallel_loop3A_427 = tpu.memref_slice %arg8[%parallel_loop3A_356, %parallel_loop3A_425, %parallel_loop3A_426] : memref<4x128x64xf32, #tpu.memory_space<vmem>> -> memref<1x128x64xf32, #tpu.memory_space<vmem>>
        %parallel_loop3A_428 = tpu.memref_squeeze %parallel_loop3A_427 : memref<1x128x64xf32, #tpu.memory_space<vmem>> -> memref<128x64xf32, #tpu.memory_space<vmem>>
        %parallel_loop3A_429 = tpu.vector_load_idx %parallel_loop3A_428[%add3A_13, %parallel_loop3A_384] : memref<128x64xf32, #tpu.memory_space<vmem>>[vector<16xi32>, vector<16xi32>], vector<16xf32>,
        %parallel_loop3A_430 = arith.constant 8.000000e+00 : f32
        %parallel_loop3A_431 = vector.broadcast %parallel_loop3A_430 : f32 to vector<16xf32>
        %parallel_loop3A_432 = arith.mulf %parallel_loop3A_429, %parallel_loop3A_431 : vector<16xf32>
        %parallel_loop3A_433 = arith.addf %parallel_loop3A_432, %parallel_loop3A_383 : vector<16xf32>
        %parallel_loop3A_434 = arith.constant 0 : i32
        %parallel_loop3A_435 = arith.constant 0 : i32
        %parallel_loop3A_436 = arith.constant 0 : i32
        %parallel_loop3A_437 = tpu.memref_slice %arg9[%parallel_loop3A_357, %parallel_loop3A_434, %parallel_loop3A_435, %parallel_loop3A_436] : memref<4x8x8x128xf32, #tpu.memory_space<vmem>> -> memref<1x8x8x128xf32, #tpu.memory_space<vmem>>
        %parallel_loop3A_438 = tpu.memref_squeeze %parallel_loop3A_437 : memref<1x8x8x128xf32, #tpu.memory_space<vmem>> -> memref<8x8x128xf32, #tpu.memory_space<vmem>>
        %parallel_loop3A_439 = arith.index_cast %parallel_loop3A_386 : i32 to index
        %parallel_loop3A_440 = arith.index_cast %parallel_loop3A_388 : i32 to index
        %parallel_loop3A_441 = arith.constant 32 : index
        %parallel_loop3A_442 = tpu.vector_load %parallel_loop3A_438[%parallel_loop3A_439, %parallel_loop3A_440, %parallel_loop3A_441] {strides = array<i32>} : memref<8x8x128xf32, #tpu.memory_space<vmem>>, vector<16xf32>,
        tpu.vector_store %parallel_loop3A_438[%parallel_loop3A_439, %parallel_loop3A_440, %parallel_loop3A_441], %parallel_loop3A_433 {strides = array<i32>} : memref<8x8x128xf32, #tpu.memory_space<vmem>>, vector<16xf32>,
        %parallel_loop3A_443 = arith.constant 0 : i32
        %parallel_loop3A_444 = arith.constant 0 : i32
        %parallel_loop3A_445 = tpu.memref_slice %arg8[%parallel_loop3A_356, %parallel_loop3A_443, %parallel_loop3A_444] : memref<4x128x64xf32, #tpu.memory_space<vmem>> -> memref<1x128x64xf32, #tpu.memory_space<vmem>>
        %parallel_loop3A_446 = tpu.memref_squeeze %parallel_loop3A_445 : memref<1x128x64xf32, #tpu.memory_space<vmem>> -> memref<128x64xf32, #tpu.memory_space<vmem>>
        %parallel_loop3A_447 = tpu.vector_load_idx %parallel_loop3A_446[%add3A_17, %parallel_loop3A_384] : memref<128x64xf32, #tpu.memory_space<vmem>>[vector<16xi32>, vector<16xi32>], vector<16xf32>,
        %parallel_loop3A_448 = arith.constant 8.000000e+00 : f32
        %parallel_loop3A_449 = vector.broadcast %parallel_loop3A_448 : f32 to vector<16xf32>
        %parallel_loop3A_450 = arith.mulf %parallel_loop3A_447, %parallel_loop3A_449 : vector<16xf32>
        %parallel_loop3A_451 = arith.addf %parallel_loop3A_450, %parallel_loop3A_383 : vector<16xf32>
        %parallel_loop3A_452 = arith.constant 0 : i32
        %parallel_loop3A_453 = arith.constant 0 : i32
        %parallel_loop3A_454 = arith.constant 0 : i32
        %parallel_loop3A_455 = tpu.memref_slice %arg9[%parallel_loop3A_357, %parallel_loop3A_452, %parallel_loop3A_453, %parallel_loop3A_454] : memref<4x8x8x128xf32, #tpu.memory_space<vmem>> -> memref<1x8x8x128xf32, #tpu.memory_space<vmem>>
        %parallel_loop3A_456 = tpu.memref_squeeze %parallel_loop3A_455 : memref<1x8x8x128xf32, #tpu.memory_space<vmem>> -> memref<8x8x128xf32, #tpu.memory_space<vmem>>
        %parallel_loop3A_457 = arith.index_cast %parallel_loop3A_386 : i32 to index
        %parallel_loop3A_458 = arith.index_cast %parallel_loop3A_388 : i32 to index
        %parallel_loop3A_459 = arith.constant 48 : index
        %parallel_loop3A_460 = tpu.vector_load %parallel_loop3A_456[%parallel_loop3A_457, %parallel_loop3A_458, %parallel_loop3A_459] {strides = array<i32>} : memref<8x8x128xf32, #tpu.memory_space<vmem>>, vector<16xf32>,
        tpu.vector_store %parallel_loop3A_456[%parallel_loop3A_457, %parallel_loop3A_458, %parallel_loop3A_459], %parallel_loop3A_451 {strides = array<i32>} : memref<8x8x128xf32, #tpu.memory_space<vmem>>, vector<16xf32>,
        %parallel_loop3A_461 = arith.constant 0 : i32
        %parallel_loop3A_462 = arith.constant 0 : i32
        %parallel_loop3A_463 = tpu.memref_slice %arg8[%parallel_loop3A_356, %parallel_loop3A_461, %parallel_loop3A_462] : memref<4x128x64xf32, #tpu.memory_space<vmem>> -> memref<1x128x64xf32, #tpu.memory_space<vmem>>
        %parallel_loop3A_464 = tpu.memref_squeeze %parallel_loop3A_463 : memref<1x128x64xf32, #tpu.memory_space<vmem>> -> memref<128x64xf32, #tpu.memory_space<vmem>>
        %parallel_loop3A_465 = tpu.vector_load_idx %parallel_loop3A_464[%add3A_21, %parallel_loop3A_384] : memref<128x64xf32, #tpu.memory_space<vmem>>[vector<16xi32>, vector<16xi32>], vector<16xf32>,
        %parallel_loop3A_466 = arith.constant 8.000000e+00 : f32
        %parallel_loop3A_467 = vector.broadcast %parallel_loop3A_466 : f32 to vector<16xf32>
        %parallel_loop3A_468 = arith.mulf %parallel_loop3A_465, %parallel_loop3A_467 : vector<16xf32>
        %parallel_loop3A_469 = arith.addf %parallel_loop3A_468, %parallel_loop3A_383 : vector<16xf32>
        %parallel_loop3A_470 = arith.constant 0 : i32
        %parallel_loop3A_471 = arith.constant 0 : i32
        %parallel_loop3A_472 = arith.constant 0 : i32
        %parallel_loop3A_473 = tpu.memref_slice %arg9[%parallel_loop3A_357, %parallel_loop3A_470, %parallel_loop3A_471, %parallel_loop3A_472] : memref<4x8x8x128xf32, #tpu.memory_space<vmem>> -> memref<1x8x8x128xf32, #tpu.memory_space<vmem>>
        %parallel_loop3A_474 = tpu.memref_squeeze %parallel_loop3A_473 : memref<1x8x8x128xf32, #tpu.memory_space<vmem>> -> memref<8x8x128xf32, #tpu.memory_space<vmem>>
        %parallel_loop3A_475 = arith.index_cast %parallel_loop3A_386 : i32 to index
        %parallel_loop3A_476 = arith.index_cast %parallel_loop3A_388 : i32 to index
        %parallel_loop3A_477 = arith.constant 64 : index
        %parallel_loop3A_478 = tpu.vector_load %parallel_loop3A_474[%parallel_loop3A_475, %parallel_loop3A_476, %parallel_loop3A_477] {strides = array<i32>} : memref<8x8x128xf32, #tpu.memory_space<vmem>>, vector<16xf32>,
        tpu.vector_store %parallel_loop3A_474[%parallel_loop3A_475, %parallel_loop3A_476, %parallel_loop3A_477], %parallel_loop3A_469 {strides = array<i32>} : memref<8x8x128xf32, #tpu.memory_space<vmem>>, vector<16xf32>,
        %parallel_loop3A_479 = arith.constant 0 : i32
        %parallel_loop3A_480 = arith.constant 0 : i32
        %parallel_loop3A_481 = tpu.memref_slice %arg8[%parallel_loop3A_356, %parallel_loop3A_479, %parallel_loop3A_480] : memref<4x128x64xf32, #tpu.memory_space<vmem>> -> memref<1x128x64xf32, #tpu.memory_space<vmem>>
        %parallel_loop3A_482 = tpu.memref_squeeze %parallel_loop3A_481 : memref<1x128x64xf32, #tpu.memory_space<vmem>> -> memref<128x64xf32, #tpu.memory_space<vmem>>
        %parallel_loop3A_483 = tpu.vector_load_idx %parallel_loop3A_482[%add3A_25, %parallel_loop3A_384] : memref<128x64xf32, #tpu.memory_space<vmem>>[vector<16xi32>, vector<16xi32>], vector<16xf32>,
        %parallel_loop3A_484 = arith.constant 8.000000e+00 : f32
        %parallel_loop3A_485 = vector.broadcast %parallel_loop3A_484 : f32 to vector<16xf32>
        %parallel_loop3A_486 = arith.mulf %parallel_loop3A_483, %parallel_loop3A_485 : vector<16xf32>
        %parallel_loop3A_487 = arith.addf %parallel_loop3A_486, %parallel_loop3A_383 : vector<16xf32>
        %parallel_loop3A_488 = arith.constant 0 : i32
        %parallel_loop3A_489 = arith.constant 0 : i32
        %parallel_loop3A_490 = arith.constant 0 : i32
        %parallel_loop3A_491 = tpu.memref_slice %arg9[%parallel_loop3A_357, %parallel_loop3A_488, %parallel_loop3A_489, %parallel_loop3A_490] : memref<4x8x8x128xf32, #tpu.memory_space<vmem>> -> memref<1x8x8x128xf32, #tpu.memory_space<vmem>>
        %parallel_loop3A_492 = tpu.memref_squeeze %parallel_loop3A_491 : memref<1x8x8x128xf32, #tpu.memory_space<vmem>> -> memref<8x8x128xf32, #tpu.memory_space<vmem>>
        %parallel_loop3A_493 = arith.index_cast %parallel_loop3A_386 : i32 to index
        %parallel_loop3A_494 = arith.index_cast %parallel_loop3A_388 : i32 to index
        %parallel_loop3A_495 = arith.constant 80 : index
        %parallel_loop3A_496 = tpu.vector_load %parallel_loop3A_492[%parallel_loop3A_493, %parallel_loop3A_494, %parallel_loop3A_495] {strides = array<i32>} : memref<8x8x128xf32, #tpu.memory_space<vmem>>, vector<16xf32>,
        tpu.vector_store %parallel_loop3A_492[%parallel_loop3A_493, %parallel_loop3A_494, %parallel_loop3A_495], %parallel_loop3A_487 {strides = array<i32>} : memref<8x8x128xf32, #tpu.memory_space<vmem>>, vector<16xf32>,
        %parallel_loop3A_497 = arith.constant 0 : i32
        %parallel_loop3A_498 = arith.constant 0 : i32
        %parallel_loop3A_499 = tpu.memref_slice %arg8[%parallel_loop3A_356, %parallel_loop3A_497, %parallel_loop3A_498] : memref<4x128x64xf32, #tpu.memory_space<vmem>> -> memref<1x128x64xf32, #tpu.memory_space<vmem>>
        %parallel_loop3A_500 = tpu.memref_squeeze %parallel_loop3A_499 : memref<1x128x64xf32, #tpu.memory_space<vmem>> -> memref<128x64xf32, #tpu.memory_space<vmem>>
        %parallel_loop3A_501 = tpu.vector_load_idx %parallel_loop3A_500[%add3A_29, %parallel_loop3A_384] : memref<128x64xf32, #tpu.memory_space<vmem>>[vector<16xi32>, vector<16xi32>], vector<16xf32>,
        %parallel_loop3A_502 = arith.constant 8.000000e+00 : f32
        %parallel_loop3A_503 = vector.broadcast %parallel_loop3A_502 : f32 to vector<16xf32>
        %parallel_loop3A_504 = arith.mulf %parallel_loop3A_501, %parallel_loop3A_503 : vector<16xf32>
        %parallel_loop3A_505 = arith.addf %parallel_loop3A_504, %parallel_loop3A_383 : vector<16xf32>
        %parallel_loop3A_506 = arith.constant 0 : i32
        %parallel_loop3A_507 = arith.constant 0 : i32
        %parallel_loop3A_508 = arith.constant 0 : i32
        %parallel_loop3A_509 = tpu.memref_slice %arg9[%parallel_loop3A_357, %parallel_loop3A_506, %parallel_loop3A_507, %parallel_loop3A_508] : memref<4x8x8x128xf32, #tpu.memory_space<vmem>> -> memref<1x8x8x128xf32, #tpu.memory_space<vmem>>
        %parallel_loop3A_510 = tpu.memref_squeeze %parallel_loop3A_509 : memref<1x8x8x128xf32, #tpu.memory_space<vmem>> -> memref<8x8x128xf32, #tpu.memory_space<vmem>>
        %parallel_loop3A_511 = arith.index_cast %parallel_loop3A_386 : i32 to index
        %parallel_loop3A_512 = arith.index_cast %parallel_loop3A_388 : i32 to index
        %parallel_loop3A_513 = arith.constant 96 : index
        %parallel_loop3A_514 = tpu.vector_load %parallel_loop3A_510[%parallel_loop3A_511, %parallel_loop3A_512, %parallel_loop3A_513] {strides = array<i32>} : memref<8x8x128xf32, #tpu.memory_space<vmem>>, vector<16xf32>,
        tpu.vector_store %parallel_loop3A_510[%parallel_loop3A_511, %parallel_loop3A_512, %parallel_loop3A_513], %parallel_loop3A_505 {strides = array<i32>} : memref<8x8x128xf32, #tpu.memory_space<vmem>>, vector<16xf32>,
        %parallel_loop3A_515 = arith.constant 0 : i32
        %parallel_loop3A_516 = arith.constant 0 : i32
        %parallel_loop3A_517 = tpu.memref_slice %arg8[%parallel_loop3A_356, %parallel_loop3A_515, %parallel_loop3A_516] : memref<4x128x64xf32, #tpu.memory_space<vmem>> -> memref<1x128x64xf32, #tpu.memory_space<vmem>>
        %parallel_loop3A_518 = tpu.memref_squeeze %parallel_loop3A_517 : memref<1x128x64xf32, #tpu.memory_space<vmem>> -> memref<128x64xf32, #tpu.memory_space<vmem>>
        %parallel_loop3A_519 = tpu.vector_load_idx %parallel_loop3A_518[%add3A_33, %parallel_loop3A_384] : memref<128x64xf32, #tpu.memory_space<vmem>>[vector<16xi32>, vector<16xi32>], vector<16xf32>,
        %parallel_loop3A_520 = arith.constant 8.000000e+00 : f32
        %parallel_loop3A_521 = vector.broadcast %parallel_loop3A_520 : f32 to vector<16xf32>
        %parallel_loop3A_522 = arith.mulf %parallel_loop3A_519, %parallel_loop3A_521 : vector<16xf32>
        %parallel_loop3A_523 = arith.addf %parallel_loop3A_522, %parallel_loop3A_383 : vector<16xf32>
        %parallel_loop3A_524 = arith.constant 0 : i32
        %parallel_loop3A_525 = arith.constant 0 : i32
        %parallel_loop3A_526 = arith.constant 0 : i32
        %parallel_loop3A_527 = tpu.memref_slice %arg9[%parallel_loop3A_357, %parallel_loop3A_524, %parallel_loop3A_525, %parallel_loop3A_526] : memref<4x8x8x128xf32, #tpu.memory_space<vmem>> -> memref<1x8x8x128xf32, #tpu.memory_space<vmem>>
        %parallel_loop3A_528 = tpu.memref_squeeze %parallel_loop3A_527 : memref<1x8x8x128xf32, #tpu.memory_space<vmem>> -> memref<8x8x128xf32, #tpu.memory_space<vmem>>
        %parallel_loop3A_529 = arith.index_cast %parallel_loop3A_386 : i32 to index
        %parallel_loop3A_530 = arith.index_cast %parallel_loop3A_388 : i32 to index
        %parallel_loop3A_531 = arith.constant 112 : index
        %parallel_loop3A_532 = tpu.vector_load %parallel_loop3A_528[%parallel_loop3A_529, %parallel_loop3A_530, %parallel_loop3A_531] {strides = array<i32>} : memref<8x8x128xf32, #tpu.memory_space<vmem>>, vector<16xf32>,
        tpu.vector_store %parallel_loop3A_528[%parallel_loop3A_529, %parallel_loop3A_530, %parallel_loop3A_531], %parallel_loop3A_523 {strides = array<i32>} : memref<8x8x128xf32, #tpu.memory_space<vmem>>, vector<16xf32>,
      } {sc.loop_unroll_factor = 4 : i64, sc.parallel_access}
      %dma_start3A_358 = arith.constant 3 : i32
      %dma_start3A_359 = arith.constant 0 : i32
      %dma_start3A_360 = arith.constant 0 : i32
      %dma_start3A_361 = arith.constant 0 : i32
      %dma_start3A_362 = tpu.memref_slice %arg9[%dma_start3A_358, %dma_start3A_359, %dma_start3A_360, %dma_start3A_361] : memref<4x8x8x128xf32, #tpu.memory_space<vmem>> -> memref<1x8x8x128xf32, #tpu.memory_space<vmem>>
      %dma_start3A_363 = tpu.memref_squeeze %dma_start3A_362 : memref<1x8x8x128xf32, #tpu.memory_space<vmem>> -> memref<8x8x128xf32, #tpu.memory_space<vmem>>
      %dma_start3A_364 = arith.constant 0 : i32
      %dma_start3A_365 = arith.constant 0 : i32
      %dma_start3A_366 = arith.constant 0 : i32
      %dma_start3A_367 = tpu.memref_slice %arg5[%add3A_327, %dma_start3A_364, %add3A, %dma_start3A_365, %dma_start3A_366] : memref<200x8x32x8x128xf32, #tpu.memory_space<hbm>> -> memref<1x8x1x8x128xf32, #tpu.memory_space<hbm>>
      %dma_start3A_368 = tpu.memref_squeeze %dma_start3A_367 : memref<1x8x1x8x128xf32, #tpu.memory_space<hbm>> -> memref<8x8x128xf32, #tpu.memory_space<hbm>>
      %dma_start3A_369 = arith.constant 0 : i32
      %dma_start3A_370 = arith.constant 0 : i32
      %dma_start3A_371 = arith.constant 0 : i32
      %dma_start3A_372 = tpu.memref_slice %arg5[%add3A_327, %dma_start3A_369, %add3A, %dma_start3A_370, %dma_start3A_371] : memref<200x8x32x8x128xf32, #tpu.memory_space<hbm>> -> memref<1x8x1x8x128xf32, #tpu.memory_space<hbm>>
      %dma_start3A_373 = tpu.memref_squeeze %dma_start3A_372 : memref<1x8x1x8x128xf32, #tpu.memory_space<hbm>> -> memref<8x8x128xf32, #tpu.memory_space<hbm>>
      %dma_start3A_374 = arith.constant 0 : i32
      %dma_start3A_375 = arith.constant 0 : i32
      %dma_start3A_376 = arith.constant 0 : i32
      %dma_start3A_377 = tpu.memref_slice %arg9[%dma_start3A_358, %dma_start3A_374, %dma_start3A_375, %dma_start3A_376] : memref<4x8x8x128xf32, #tpu.memory_space<vmem>> -> memref<1x8x8x128xf32, #tpu.memory_space<vmem>>
      %dma_start3A_378 = tpu.memref_squeeze %dma_start3A_377 : memref<1x8x8x128xf32, #tpu.memory_space<vmem>> -> memref<8x8x128xf32, #tpu.memory_space<vmem>>
      tpu.enqueue_dma source(%dma_start3A_378 : memref<8x8x128xf32, #tpu.memory_space<vmem>>) target(%dma_start3A_373 : memref<8x8x128xf32, #tpu.memory_space<hbm>>) target_semaphore(%arg17 : memref<!tpu.dma_semaphore, #tpu.memory_space<semaphore_mem>>)
      %scan3A_379 = arith.constant 0 : i32
      scf.yield %scan3A_379 : i32
    }
    %scan3A_74 = arith.constant 50 : i32
    %dma_wait3A = arith.constant 0 : i32
    %dma_wait3A_75 = arith.constant 196 : i32
    %dma_wait3A_76 = arith.constant 0 : i32
    %dma_wait3A_77 = arith.constant 0 : i32
    %dma_wait3A_78 = arith.constant 0 : i32
    %dma_wait3A_79 = tpu.memref_slice %arg9[%dma_wait3A, %dma_wait3A_76, %dma_wait3A_77, %dma_wait3A_78] : memref<4x8x8x128xf32, #tpu.memory_space<vmem>> -> memref<1x8x8x128xf32, #tpu.memory_space<vmem>>
    %dma_wait3A_80 = tpu.memref_squeeze %dma_wait3A_79 : memref<1x8x8x128xf32, #tpu.memory_space<vmem>> -> memref<8x8x128xf32, #tpu.memory_space<vmem>>
    %dma_wait3A_81 = arith.constant 0 : i32
    %dma_wait3A_82 = arith.constant 0 : i32
    %dma_wait3A_83 = arith.constant 0 : i32
    %dma_wait3A_84 = tpu.memref_slice %arg5[%dma_wait3A_75, %dma_wait3A_81, %add3A, %dma_wait3A_82, %dma_wait3A_83] : memref<200x8x32x8x128xf32, #tpu.memory_space<hbm>> -> memref<1x8x1x8x128xf32, #tpu.memory_space<hbm>>
    %dma_wait3A_85 = tpu.memref_squeeze %dma_wait3A_84 : memref<1x8x1x8x128xf32, #tpu.memory_space<hbm>> -> memref<8x8x128xf32, #tpu.memory_space<hbm>>
    %dma_wait3A_86 = arith.constant 0 : i32
    %dma_wait3A_87 = arith.constant 0 : i32
    %dma_wait3A_88 = arith.constant 0 : i32
    %dma_wait3A_89 = tpu.memref_slice %arg5[%dma_wait3A_75, %dma_wait3A_86, %add3A, %dma_wait3A_87, %dma_wait3A_88] : memref<200x8x32x8x128xf32, #tpu.memory_space<hbm>> -> memref<1x8x1x8x128xf32, #tpu.memory_space<hbm>>
    %dma_wait3A_90 = tpu.memref_squeeze %dma_wait3A_89 : memref<1x8x1x8x128xf32, #tpu.memory_space<hbm>> -> memref<8x8x128xf32, #tpu.memory_space<hbm>>
    %dma_wait3A_91 = arith.constant 0 : i32
    %dma_wait3A_92 = arith.constant 0 : i32
    %dma_wait3A_93 = arith.constant 0 : i32
    %dma_wait3A_94 = tpu.memref_slice %arg9[%dma_wait3A, %dma_wait3A_91, %dma_wait3A_92, %dma_wait3A_93] : memref<4x8x8x128xf32, #tpu.memory_space<vmem>> -> memref<1x8x8x128xf32, #tpu.memory_space<vmem>>
    %dma_wait3A_95 = tpu.memref_squeeze %dma_wait3A_94 : memref<1x8x8x128xf32, #tpu.memory_space<vmem>> -> memref<8x8x128xf32, #tpu.memory_space<vmem>>
    tpu.wait_dma2 semaphore(%arg14 : memref<!tpu.dma_semaphore, #tpu.memory_space<semaphore_mem>>) src(%dma_wait3A_95 : memref<8x8x128xf32, #tpu.memory_space<vmem>>) dst(%dma_wait3A_90 : memref<8x8x128xf32, #tpu.memory_space<hbm>>)
    %dma_wait3A_96 = arith.constant 1 : i32
    %dma_wait3A_97 = arith.constant 197 : i32
    %dma_wait3A_98 = arith.constant 0 : i32
    %dma_wait3A_99 = arith.constant 0 : i32
    %dma_wait3A_100 = arith.constant 0 : i32
    %dma_wait3A_101 = tpu.memref_slice %arg9[%dma_wait3A_96, %dma_wait3A_98, %dma_wait3A_99, %dma_wait3A_100] : memref<4x8x8x128xf32, #tpu.memory_space<vmem>> -> memref<1x8x8x128xf32, #tpu.memory_space<vmem>>
    %dma_wait3A_102 = tpu.memref_squeeze %dma_wait3A_101 : memref<1x8x8x128xf32, #tpu.memory_space<vmem>> -> memref<8x8x128xf32, #tpu.memory_space<vmem>>
    %dma_wait3A_103 = arith.constant 0 : i32
    %dma_wait3A_104 = arith.constant 0 : i32
    %dma_wait3A_105 = arith.constant 0 : i32
    %dma_wait3A_106 = tpu.memref_slice %arg5[%dma_wait3A_97, %dma_wait3A_103, %add3A, %dma_wait3A_104, %dma_wait3A_105] : memref<200x8x32x8x128xf32, #tpu.memory_space<hbm>> -> memref<1x8x1x8x128xf32, #tpu.memory_space<hbm>>
    %dma_wait3A_107 = tpu.memref_squeeze %dma_wait3A_106 : memref<1x8x1x8x128xf32, #tpu.memory_space<hbm>> -> memref<8x8x128xf32, #tpu.memory_space<hbm>>
    %dma_wait3A_108 = arith.constant 0 : i32
    %dma_wait3A_109 = arith.constant 0 : i32
    %dma_wait3A_110 = arith.constant 0 : i32
    %dma_wait3A_111 = tpu.memref_slice %arg5[%dma_wait3A_97, %dma_wait3A_108, %add3A, %dma_wait3A_109, %dma_wait3A_110] : memref<200x8x32x8x128xf32, #tpu.memory_space<hbm>> -> memref<1x8x1x8x128xf32, #tpu.memory_space<hbm>>
    %dma_wait3A_112 = tpu.memref_squeeze %dma_wait3A_111 : memref<1x8x1x8x128xf32, #tpu.memory_space<hbm>> -> memref<8x8x128xf32, #tpu.memory_space<hbm>>
    %dma_wait3A_113 = arith.constant 0 : i32
    %dma_wait3A_114 = arith.constant 0 : i32
    %dma_wait3A_115 = arith.constant 0 : i32
    %dma_wait3A_116 = tpu.memref_slice %arg9[%dma_wait3A_96, %dma_wait3A_113, %dma_wait3A_114, %dma_wait3A_115] : memref<4x8x8x128xf32, #tpu.memory_space<vmem>> -> memref<1x8x8x128xf32, #tpu.memory_space<vmem>>
    %dma_wait3A_117 = tpu.memref_squeeze %dma_wait3A_116 : memref<1x8x8x128xf32, #tpu.memory_space<vmem>> -> memref<8x8x128xf32, #tpu.memory_space<vmem>>
    tpu.wait_dma2 semaphore(%arg15 : memref<!tpu.dma_semaphore, #tpu.memory_space<semaphore_mem>>) src(%dma_wait3A_117 : memref<8x8x128xf32, #tpu.memory_space<vmem>>) dst(%dma_wait3A_112 : memref<8x8x128xf32, #tpu.memory_space<hbm>>)
    %dma_wait3A_118 = arith.constant 2 : i32
    %dma_wait3A_119 = arith.constant 198 : i32
    %dma_wait3A_120 = arith.constant 0 : i32
    %dma_wait3A_121 = arith.constant 0 : i32
    %dma_wait3A_122 = arith.constant 0 : i32
    %dma_wait3A_123 = tpu.memref_slice %arg9[%dma_wait3A_118, %dma_wait3A_120, %dma_wait3A_121, %dma_wait3A_122] : memref<4x8x8x128xf32, #tpu.memory_space<vmem>> -> memref<1x8x8x128xf32, #tpu.memory_space<vmem>>
    %dma_wait3A_124 = tpu.memref_squeeze %dma_wait3A_123 : memref<1x8x8x128xf32, #tpu.memory_space<vmem>> -> memref<8x8x128xf32, #tpu.memory_space<vmem>>
    %dma_wait3A_125 = arith.constant 0 : i32
    %dma_wait3A_126 = arith.constant 0 : i32
    %dma_wait3A_127 = arith.constant 0 : i32
    %dma_wait3A_128 = tpu.memref_slice %arg5[%dma_wait3A_119, %dma_wait3A_125, %add3A, %dma_wait3A_126, %dma_wait3A_127] : memref<200x8x32x8x128xf32, #tpu.memory_space<hbm>> -> memref<1x8x1x8x128xf32, #tpu.memory_space<hbm>>
    %dma_wait3A_129 = tpu.memref_squeeze %dma_wait3A_128 : memref<1x8x1x8x128xf32, #tpu.memory_space<hbm>> -> memref<8x8x128xf32, #tpu.memory_space<hbm>>
    %dma_wait3A_130 = arith.constant 0 : i32
    %dma_wait3A_131 = arith.constant 0 : i32
    %dma_wait3A_132 = arith.constant 0 : i32
    %dma_wait3A_133 = tpu.memref_slice %arg5[%dma_wait3A_119, %dma_wait3A_130, %add3A, %dma_wait3A_131, %dma_wait3A_132] : memref<200x8x32x8x128xf32, #tpu.memory_space<hbm>> -> memref<1x8x1x8x128xf32, #tpu.memory_space<hbm>>
    %dma_wait3A_134 = tpu.memref_squeeze %dma_wait3A_133 : memref<1x8x1x8x128xf32, #tpu.memory_space<hbm>> -> memref<8x8x128xf32, #tpu.memory_space<hbm>>
    %dma_wait3A_135 = arith.constant 0 : i32
    %dma_wait3A_136 = arith.constant 0 : i32
    %dma_wait3A_137 = arith.constant 0 : i32
    %dma_wait3A_138 = tpu.memref_slice %arg9[%dma_wait3A_118, %dma_wait3A_135, %dma_wait3A_136, %dma_wait3A_137] : memref<4x8x8x128xf32, #tpu.memory_space<vmem>> -> memref<1x8x8x128xf32, #tpu.memory_space<vmem>>
    %dma_wait3A_139 = tpu.memref_squeeze %dma_wait3A_138 : memref<1x8x8x128xf32, #tpu.memory_space<vmem>> -> memref<8x8x128xf32, #tpu.memory_space<vmem>>
    tpu.wait_dma2 semaphore(%arg16 : memref<!tpu.dma_semaphore, #tpu.memory_space<semaphore_mem>>) src(%dma_wait3A_139 : memref<8x8x128xf32, #tpu.memory_space<vmem>>) dst(%dma_wait3A_134 : memref<8x8x128xf32, #tpu.memory_space<hbm>>)
    %dma_wait3A_140 = arith.constant 3 : i32
    %dma_wait3A_141 = arith.constant 199 : i32
    %dma_wait3A_142 = arith.constant 0 : i32
    %dma_wait3A_143 = arith.constant 0 : i32
    %dma_wait3A_144 = arith.constant 0 : i32
    %dma_wait3A_145 = tpu.memref_slice %arg9[%dma_wait3A_140, %dma_wait3A_142, %dma_wait3A_143, %dma_wait3A_144] : memref<4x8x8x128xf32, #tpu.memory_space<vmem>> -> memref<1x8x8x128xf32, #tpu.memory_space<vmem>>
    %dma_wait3A_146 = tpu.memref_squeeze %dma_wait3A_145 : memref<1x8x8x128xf32, #tpu.memory_space<vmem>> -> memref<8x8x128xf32, #tpu.memory_space<vmem>>
    %dma_wait3A_147 = arith.constant 0 : i32
    %dma_wait3A_148 = arith.constant 0 : i32
    %dma_wait3A_149 = arith.constant 0 : i32
    %dma_wait3A_150 = tpu.memref_slice %arg5[%dma_wait3A_141, %dma_wait3A_147, %add3A, %dma_wait3A_148, %dma_wait3A_149] : memref<200x8x32x8x128xf32, #tpu.memory_space<hbm>> -> memref<1x8x1x8x128xf32, #tpu.memory_space<hbm>>
    %dma_wait3A_151 = tpu.memref_squeeze %dma_wait3A_150 : memref<1x8x1x8x128xf32, #tpu.memory_space<hbm>> -> memref<8x8x128xf32, #tpu.memory_space<hbm>>
    %dma_wait3A_152 = arith.constant 0 : i32
    %dma_wait3A_153 = arith.constant 0 : i32
    %dma_wait3A_154 = arith.constant 0 : i32
    %dma_wait3A_155 = tpu.memref_slice %arg5[%dma_wait3A_141, %dma_wait3A_152, %add3A, %dma_wait3A_153, %dma_wait3A_154] : memref<200x8x32x8x128xf32, #tpu.memory_space<hbm>> -> memref<1x8x1x8x128xf32, #tpu.memory_space<hbm>>
    %dma_wait3A_156 = tpu.memref_squeeze %dma_wait3A_155 : memref<1x8x1x8x128xf32, #tpu.memory_space<hbm>> -> memref<8x8x128xf32, #tpu.memory_space<hbm>>
    %dma_wait3A_157 = arith.constant 0 : i32
    %dma_wait3A_158 = arith.constant 0 : i32
    %dma_wait3A_159 = arith.constant 0 : i32
    %dma_wait3A_160 = tpu.memref_slice %arg9[%dma_wait3A_140, %dma_wait3A_157, %dma_wait3A_158, %dma_wait3A_159] : memref<4x8x8x128xf32, #tpu.memory_space<vmem>> -> memref<1x8x8x128xf32, #tpu.memory_space<vmem>>
    %dma_wait3A_161 = tpu.memref_squeeze %dma_wait3A_160 : memref<1x8x8x128xf32, #tpu.memory_space<vmem>> -> memref<8x8x128xf32, #tpu.memory_space<vmem>>
    tpu.wait_dma2 semaphore(%arg17 : memref<!tpu.dma_semaphore, #tpu.memory_space<semaphore_mem>>) src(%dma_wait3A_161 : memref<8x8x128xf32, #tpu.memory_space<vmem>>) dst(%dma_wait3A_156 : memref<8x8x128xf32, #tpu.memory_space<hbm>>)
    return
  }
}

</mosaic_0001>

<sc_bundles>
// kernel: run.3.cloned.1.call-start
scs
__scs_entry_jumppad:
0x0: {  	(pc) =	sbr.rel $0x88, $3  }
0x1: {  	(tag) =	ssettag $0x0;
	lr =	simm.s32 $0x1  }
0x2: {  	[smem:$0x3F9E] =	sst lr;
	_ =	strace $0xD0000000  }
0x3: {  	_ = 	snop  }
0x4: {  	_ = 	snop  }
0x5: {  	_ = 	snop  }
0x6: {  	_ = 	snop  }
0x7: {  	_ = 	snop  }
__scs_overlays_trampoline_lowered:
0x8: {  	[smem:$0x3FAD] =	sst s0  }
0x9: {  	[smem:$0x3FAE] =	sst s1  }
0xa: {  	[smem:$0x3FAF] =	sst s2  }
0xb: {  	[smem:$0x3FB0] =	sst s3  }
0xc: {  	[smem:$0x3FB1] =	sst s4  }
0xd: {  	[smem:$0x3FB2] =	sst s5  }
0xe: {  	[smem:$0x3FB3] =	sst s6  }
0xf: {  	[smem:$0x3FB4] =	sst s7  }
0x10: {  	[smem:$0x3FB5] =	sst s8  }
0x11: {  	[smem:$0x3FB6] =	sst s9;
	s0 =	simm.s32 @!p0 $0x0  }
0x12: {  	s1 =	sld [smem:$0x3F9C];
	s0 =	simm.s32 @p0 $0x1  }
0x13: {  	[smem:$0x3FB7] =	sst s0;
	s0 =	simm.s32 @!p1 $0x0  }
0x14: {  	s2 =	sld [smem:$0x3F9B];
	s0 =	simm.s32 @p1 $0x1  }
0x15: {  	[smem:$0x3FB8] =	sst s0;
	s0 =	simm.s32 @!p2 $0x0  }
0x16: {  	s3 =	sld [smem:$0x3FDB];
	s0 =	simm.s32 @p2 $0x1  }
0x17: {  	s4 =	simm.s32 $0x1BF5;
	[smem:$0x3FBA] =	sst s0  }
0x18: {  	s0 =	sld [smem:$0x3F9D];
	_ =	swait.ge [sflag:s4], $0x0  }
0x19: {  	s7 =	sld [smem:$0x3F9E]  }
0x1a: {  	s8 =	sadd.s32 $0xFFFFE003, lr  }
0x1b: {  	s9 =	sadd.s32 $0xFFFFFEF7, lr;
	s5 =	simm.s32 $0xFFFFFFFF;
	p2 =	slt.u32 s8, $0xFFFFF086  }
0x1c: {  	p1 =	slt.u32 s9, $0xF7A;
	s5 =	simm.s32 @!p2 $0x0  }
0x1d: {  	s5 =	simm.s32 @p1 $0x1;
	p0 =	seq.s32 s7, s2  }
0x1e: {  	s7 =	smul.u32 @!p0 $0xF7A, s2;
	p2 =	seq.s32 @!p0 s5, $0x0  }
0x1f: {  	s9 =	smul.u32 $0xF7A, s1;
	s8 =	simm.s32 @!p0 $0x1BF5;
	p2 =	por !p2, p0  }
0x20: {  	[sflag:s8] =	ssyncset.s32 @!p0 $0xFFFFF086;
	s6 =	sadd.s32 @!p0 s3, s7;
	s7 =	simm.s32 @!p0 $0x108  }
0x21: {  	s3 =	sadd.s32 s3, s9;
	s6 =	sadd.s32 @!p0 $0x88, s6;
	s7 =	simm.s32 @p2 $0x1082  }
0x22: {  	[simem:s7], [sflag:s8] =	dma.local @!p0 [hbm:s6], $0xF7A  }
0x23: {  	s9 =	sor.u32 $0xD0000000, s2;
	s6 =	simm.s32 $0x108;
	_ =	swait.ge @!p0 [sflag:s8], $0x0  }
0x24: {  	s3 =	sadd.s32 $0x88, s3;
	s6 =	simm.s32 @!p1 $0x1082;
	[sflag:s4] =	ssyncset.s32 $0xFFFFF086  }
0x25: {  	[simem:s6], [sflag:s4] =	dma.local [hbm:s3], $0xF7A  }
0x26: {  	[smem:$0x3F9E] =	sst s1;
	(tag) =	ssettag s2;
	_ =	strace s9  }
0x27: {  	s1 =	sld [smem:$0x3FAE]  }
0x28: {  	s2 =	sld [smem:$0x3FAF]  }
0x29: {  	s4 =	sld [smem:$0x3FB1]  }
0x2a: {  	p0 =	seq.s32 s5, $0x0;
	s5 =	sld [smem:$0x3FB2]  }
0x2b: {  	s6 =	sld [smem:$0x3FB3]  }
0x2c: {  	s7 =	sld [smem:$0x3FB4]  }
0x2d: {  	s3 =	simm.s32 $0x108;
	s8 =	sld [smem:$0x3FB5]  }
0x2e: {  	s3 =	simm.s32 @!p0 $0x1082;
	s9 =	sld [smem:$0x3FB6]  }
0x2f: {  	lr =	sadd.s32 s0, s3;
	s0 =	sld [smem:$0x3FAD]  }
0x30: {  	s3 =	sld [smem:$0x3FB0]  }
0x31: {  	[smem:$0x3FB9] =	sst s10  }
0x32: {  	s10 =	sld [smem:$0x3FB7];
	_ =	sdelay $0x3  }
0x33: {  	p0 =	seq.s32 s10, $0x1;
	s10 =	sld [smem:$0x3FB9];
	_ =	sdelay $0x3  }
0x34: {  	[smem:$0x3FB9] =	sst s10  }
0x35: {  	s10 =	sld [smem:$0x3FB8];
	_ =	sdelay $0x3  }
0x36: {  	p1 =	seq.s32 s10, $0x1;
	s10 =	sld [smem:$0x3FB9];
	_ =	sdelay $0x3  }
0x37: {  	[smem:$0x3FB9] =	sst s10  }
0x38: {  	s10 =	sld [smem:$0x3FBA]  }
0x39: {  	_ = 	snop;
	(pc) =	sbr.ind lr, $3  }
0x3a: {  	_ = 	snop  }
0x3b: {  	_ = 	snop  }
0x3c: {  	p2 =	seq.s32 s10, $0x1;
	s10 =	sld [smem:$0x3FB9]  }
0x3d: {  	_ =	shalt  }
0x3e: {  	_ =	shalt  }
0x3f: {  	_ =	shalt  }
0x40: {  	_ =	shalt  }
0x41: {  	_ =	shalt  }
0x42: {  	_ =	shalt  }
0x43: {  	_ =	shalt  }
0x44: {  	_ =	shalt  }
0x45: {  	_ =	shalt  }
0x46: {  	_ =	shalt  }
0x47: {  	_ =	shalt  }
0x48: {  	_ =	shalt  }
0x49: {  	_ =	shalt  }
0x4a: {  	_ =	shalt  }
0x4b: {  	_ =	shalt  }
0x4c: {  	_ =	shalt  }
0x4d: {  	_ =	shalt  }
0x4e: {  	_ =	shalt  }
0x4f: {  	_ =	shalt  }
0x50: {  	_ =	shalt  }
0x51: {  	_ =	shalt  }
0x52: {  	_ =	shalt  }
0x53: {  	_ =	shalt  }
0x54: {  	_ =	shalt  }
0x55: {  	_ =	shalt  }
0x56: {  	_ =	shalt  }
0x57: {  	_ =	shalt  }
0x58: {  	_ =	shalt  }
0x59: {  	_ =	shalt  }
0x5a: {  	_ =	shalt  }
0x5b: {  	_ =	shalt  }
0x5c: {  	_ =	shalt  }
0x5d: {  	_ =	shalt  }
0x5e: {  	_ =	shalt  }
0x5f: {  	_ =	shalt  }
0x60: {  	_ =	shalt  }
0x61: {  	_ =	shalt  }
0x62: {  	_ =	shalt  }
0x63: {  	_ =	shalt  }
0x64: {  	_ =	shalt  }
0x65: {  	_ =	shalt  }
0x66: {  	_ =	shalt  }
0x67: {  	_ =	shalt  }
0x68: {  	_ =	shalt  }
0x69: {  	_ =	shalt  }
0x6a: {  	_ =	shalt  }
0x6b: {  	_ =	shalt  }
0x6c: {  	_ =	shalt  }
0x6d: {  	_ =	shalt  }
0x6e: {  	_ =	shalt  }
0x6f: {  	_ =	shalt  }
0x70: {  	_ =	shalt  }
0x71: {  	_ =	shalt  }
0x72: {  	_ =	shalt  }
0x73: {  	_ =	shalt  }
0x74: {  	_ =	shalt  }
0x75: {  	_ =	shalt  }
0x76: {  	_ =	shalt  }
0x77: {  	_ =	shalt  }
0x78: {  	_ =	shalt  }
0x79: {  	_ =	shalt  }
0x7a: {  	_ =	shalt  }
0x7b: {  	_ =	shalt  }
0x7c: {  	_ =	shalt  }
0x7d: {  	_ =	shalt  }
0x7e: {  	_ =	shalt  }
0x7f: {  	_ =	shalt  }
0x80: {  	_ =	shalt  }
0x81: {  	_ =	shalt  }
0x82: {  	_ =	shalt  }
0x83: {  	_ =	shalt  }
0x84: {  	_ =	shalt  }
0x85: {  	_ =	shalt  }
0x86: {  	_ =	shalt  }
0x87: {  	_ =	shalt  }
.Lfunc_end0:
.L_simem_size_0:
called_computation_lowered:
.L_overlay_start_0:
0x88: {  	s2 =	sld [smem:$0x3FD9]  }
0x89: {  	s3 =	sld [smem:$0x3FFE];
	_ =	sdelay $0x1  }
0x8a: {  	s1 =	srdreg.scid  }
0x8b: {  	s0 =	sand.u32 $0x1, s1  }
0x8c: {  	s17 =	sshll.u32 s0, $0xA;
	s2 =	sadd.s32 s3, s2  }
0x8d: {  	s2 =	sadd.s32 s2, s17  }
0x8e: {  	[smem:$0x3FC5] =	sst s2  }
0x8f: {  	_ = 	snop  }
0x90: {  	s2 =	sld [smem:$0x3FD0];
	(tm) =	ssettm $0x1  }
0x91: {  	s18 =	sld [smem:$0x3FFB];
	_ =	sdelay $0x3  }
0x92: {  	_ =	strace s18  }
0x93: {  	s3 =	sld [smem:$0x3FFC];
	_ =	sdelay $0x3  }
0x94: {  	_ =	strace s3  }
0x95: {  	s3 =	sld [smem:$0x3FFD];
	_ =	sdelay $0x3  }
0x96: {  	_ =	strace s3  }
0x97: {  	_ =	strace $0x8FFFFFFF  }
0x98: {  	s19 =	sld [smem:$0x3FDB];
	_ =	sdelay $0x1  }
0x99: {  	s4 =	simm.s32 $_scs_section_size  }
0x9a: {  	s5 =	simm.s32 $_size__tile_overlayer_lowered;
	s6 =	simm.s32 $_tile_overlayer_lowered  }
0x9b: {  	s22 =	simm.s32 $0x1BFF;
	s21 =	sshll.u32 s6, $0x1;
	s3 =	sadd.s32 s4, s19  }
0x9c: {  	s7 =	simm.s32 $0x0;
	s20 =	sshll.u32 s5, $0x1;
	s5 =	sadd.s32 s21, s3  }
0x9d: {  	[timem:s7], [sflag:s22] =	dma.local [hbm:s5], s20  }
0x9e: {  	_ =	swait.ge [sflag:s22], s20  }
0x9f: {  	s4 =	ssub.s32 $0x0, s20;
	[sflag:s22] =	ssyncset.done $0x0  }
0xa0: {  	[sflag:s22] =	ssyncadd.s32 s4;
	_ =	sdelay $0x1  }
0xa1: {  	s23 =	simm.s32 $0x1B8B  }
0xa2: {  	_ =	swait.ge [sflag:s23], $0x1  }
0xa3: {  	[sflag:s23] =	ssyncset.done $0x0  }
0xa4: {  	s25 =	simm.s32 $0x1B8E;
	s24 =	sld [smem:$0x3FFE];
	[sflag:s23] =	ssyncadd.s32 $0xFFFFFFFF  }
0xa5: {  	s26 =	simm.s32 $execute0_lowered;
	[smem:$0x3FD2] =	sst s25  }
0xa6: {  	s5 =	sshll.u32 s26, $0x1;
	_ =	strace $0x80000046;
	[dreg:$0x1] =	wrdreg $0xFFFFFFFF  }
0xa7: {  	s28 =	simm.s32 $_size_execute0_lowered;
	s3 =	sadd.s32 s3, s5;
	[dreg:$0x0] =	wrdreg $0x0  }
0xa8: {  	s5 =	sshll.u32 s28, $0x1;
	[dreg:$0x2] =	wrdreg s3  }
0xa9: {  	[dreg:$0x3] =	wrdreg s5  }
0xaa: {  	[dreg:$0x4] =	wrdreg $0xC0  }
0xab: {  	_ =	task [dreg:s7], $0x5FFFF  }
0xac: {  	[dreg:$0x1] =	wrdreg $0xFFFFFFFF  }
0xad: {  	[dreg:$0x0] =	wrdreg $0x60  }
0xae: {  	[dreg:$0x2] =	wrdreg s24  }
0xaf: {  	[dreg:$0x3] =	wrdreg s2  }
0xb0: {  	[dreg:$0x4] =	wrdreg $0x9  }
0xb1: {  	_ =	task.clear_ibuf [dreg:s7], $0x5FFFF;
	_ =	strace $0x90000046  }
0xb2: {  	s29 =	simm.s32 $0x9;
	_ =	strace $0x80000048  }
0xb3: {  	_ =	swait.ge [sflag:s29], $0x1  }
0xb4: {  	[sflag:s29] =	ssyncadd.s32 $0xFFFFFFFF  }
0xb5: {  	_ =	strace $0x90000048  }
0xb6: {  	_ =	sfence  }
0xb7: {  	s30 =	sld [smem:$0x0];
	_ =	sdelay $0x2  }
0xb8: {  	s31 =	sshll.u32 s1, $0xD;
	s1 =	sshrl.u32 s1, $0x2  }
0xb9: {  	s3 =	sand.u32 $0x4000, s31;
	s1 =	sadd.s32 s1, s30  }
0xba: {  	s0 =	sor.u32 s3, s0;
	s1 =	sshll.u32 s1, $0x11  }
0xbb: {  	s0 =	sor.u32 s1, s0  }
0xbc: {  	s0 =	sadd.s32 $0x8F2B, s0  }
0xbd: {  	[sflag:s0] =	ssyncadd.remote.s32 $0x1  }
0xbe: {  	_ =	sfence.sel $0xFFFF  }
0xbf: {  	[dreg:$0x0] =	wrdreg $0xFFFFFFFF;
	(pc) =	sbr.abs _section_cstart, $3  }
0xc0: {  	[dreg:$0x1] =	wrdreg $0xFFFFFFFF  }
0xc1: {  	_ =	task.clear_ibuf [dreg:s7], $0x2FFFF;
	_ =	strace $0x9FFFFFFF  }
0xc2: {  	(tm) =	ssettm $0x7FFFFFFF  }
0xc3: {  	_ =	shalt  }
tec
execute0_lowered:
.L_overlay_start_1:
0x0: {  	(tag) =	ssettag $0x1  }
0x1: {  	s0 =	rddreg [dreg:$0x0];
	s1 =	srdreg.scid  }
0x2: {  	s2 =	stileid.u32;
	s31 =	rddreg [dreg:$0x1];
	s28 =	simm.s32 $0x0  }
0x3: {  	s12 =	simm.s32 $0x6400;
	s13 =	simm.s32 $0x9600;
	s14 =	simm.s32 $0xB600  }
0x4: {  	s16 =	simm.s32 $0xD600;
	s1 =	sand.u32 $0x1, s1;
	s3 =	sshll.u32 s2, $0x1  }
0x5: {  	v0 =	vlaneseq.u32;
	[smem:$0x7FF] =	sst s28;
	s3 =	sor.u32 s1, s3;
	s1 =	ssub.s32 $0x2, s1  }
0x6: {  	v0 =	vmul.u32 $0x40, v0;
	_ =	strace $0x80000047;
	s4 =	sshll.u32 s3, $0x4;
	s6 =	sshrl.u32 s1, $0x1  }
0x7: {  	s5 =	sadd.s32 s4, s0;
	s4 =	sadd.s32 $0xF42C00, s0;
	s0 =	sadd.s32 $0x19800, s0  }
0x8: {  	v1 =	vor.u32 $0x400, v0;
	s29 =	ssub.s32 s1, s6;
	[dreg:$0x3] =	wrdreg s0;
	s30 =	sadd.s32 $0x800, s5  }
0x9: {  	s17 =	simm.s32 $0xF600;
	v2 =	vor.u32 $0x800, v0;
	v3 =	vor.u32 $0xC00, v0;
	v4 =	vor.u32 $0x1000, v0;
	s0 =	smax.u32 s29, $0x1;
	[dreg:$0x4] =	wrdreg s30  }
0xa: {  	s2 =	simm.s32 $0x0;
	s7 =	sshll.u32 s3, $0xA;
	v5 =	vor.u32 $0x1400, v0;
	v6 =	vor.u32 $0x1800, v0;
	v7 =	vor.u32 $0x1C00, v0;
	[dreg:$0x5] =	wrdreg s0  }
.LBB2_1:
0xb: {  	[dreg:$0x6] =	wrdreg s2  }
0xc: {  	s0 =	simm.s32 $0x0;
	s1 =	rddreg [dreg:$0x4]  }
0xd: {  	s26 =	simm.s32 $0x80;
	s3 =	simm.s32 $0x1000;
	s28 =	simm.s32 $0x9  }
0xe: {  	[tilespmem:s0], [sflag:$0x9] =	stream.strided.gather [hbm4b:s1+s26], $0x6400, s3, s26, $0x38;
	[tilespmem:$0x19600] =	vst v63  }
0xf: {  	_ =	swait.ge [sflag:s28], $0x6400  }
0x10: {  	[sflag:s28] =	ssyncset.done $0x0  }
0x11: {  	s29 =	rddreg [dreg:$0x3];
	[sflag:s28] =	ssyncadd.s32 $0xFFFF9C00  }
0x12: {  	[tilespmem:s12], [sflag:$0x9] =	stream.linear.gather [hbm4b:s29+s0], $0x3200, $0x38;
	[tilespmem:$0x19600] =	vst v63  }
0x13: {  	_ =	swait.ge [sflag:s28], $0x3200  }
0x14: {  	[sflag:s28] =	ssyncset.done $0x0  }
0x15: {  	[sflag:s28] =	ssyncadd.s32 $0xFFFFCE00  }
0x16: {  	[tilespmem:s13], [sflag:$0x1] =	stream.indirect.gather [hbm4b:s4+s26], $0x40, s0, s26, $0xb8;
	[tilespmem:$0x19600] =	vst v63  }
0x17: {  	_ = 	snop  }
0x18: {  	[tilespmem:s14], [sflag:$0x2] =	stream.indirect.gather [hbm4b:s4+s26], $0x40, s26, s26, $0xb8;
	[tilespmem:$0x19600] =	vst v63  }
0x19: {  	s30 =	simm.s32 $0x100;
	s10 =	simm.s32 $0x0;
	s15 =	simm.s32 $0x0  }
0x1a: {  	[tilespmem:s16], [sflag:$0x3] =	stream.indirect.gather [hbm4b:s4+s26], $0x40, s30, s26, $0xb8;
	[tilespmem:$0x19600] =	vst v63  }
.LBB2_2:
0x1b: {  	s5 =	sshllo.u32 s15, $0x2;
	s1 =	simm.s32 $0x3  }
0x1c: {  	s6 =	simm.s32 $0x80;
	s2 =	simm.s32 $0x1;
	s8 =	simm.s32 $0x0  }
0x1d: {  	s9 =	simm.s32 $0x1;
	s18 =	sadd.s32 $0x0, s10;
	s0 =	sshll.u32 s5, $0x7;
	v8 =	vmov s1  }
0x1e: {  	s11 =	simm.s32 $0x2;
	s22 =	sadd.s32 $0x2, s18;
	s0 =	sand.u32 $0x3FFFFF80, s0;
	v8 =	vand.u32 $0x3F, v8  }
0x1f: {  	v9 =	vmov s9;
	[tilespmem:s17], [sflag:$0x4] =	stream.indirect.gather [hbm4b:s4+s6], $0x40, s0, s6, $0xb8;
	v12 =	vbroadcast v8, $0x0;
	[tilespmem:$0x19600] =	vst v63  }
0x20: {  	v13 =	vmov s11;
	v15 =	vmov s22;
	v8 =	vmov s8;
	_ =	swait.ge [sflag:s2], $0x2000  }
0x21: {  	p0 =	seq.s32 s15, $0x0;
	v15 =	vand.u32 $0xFFFFFFFE, v15;
	v8 =	vand.u32 $0x3C, v8;
	[sflag:s2] =	ssyncset.done $0x0;
	v10 =	vor.u32 v0, v12  }
0x22: {  	s3 =	simm.s32 @!p0 $0x5;
	s21 =	sadd.s32 $0x3, s18;
	v15 =	vbroadcast v15, $0x0;
	v11 =	vbroadcast v8, $0x0;
	v8 =	vand.u32 $0x3D, v9;
	[sflag:s2] =	ssyncadd.s32 $0xFFFFE000  }
0x23: {  	s6 =	sadd.s32 $0x1, s18;
	v9 =	vand.u32 $0x3E, v13;
	v26 =	vbroadcast v8, $0x0;
	v8 =	vmov s21;
	_ =	swait.ge @!p0 [sflag:s3], $0x2000  }
0x24: {  	v19 =	vbroadcast v9, $0x0;
	v9 =	vmov s6;
	[sflag:s3] =	ssyncset.done @!p0 $0x0  }
0x25: {  	v9 =	vand.u32 $0xFFFFFFFD, v9;
	v14 =	vor.u32 v0, v26;
	[sflag:s3] =	ssyncadd.s32 @!p0 $0xFFFFE000  }
0x26: {  	v17 =	vor.u32 v0, v19;
	v9 =	vbroadcast v9, $0x0;
	v10 =	vld.idx.msk [tilespmem:v10+s13+$0x0], $0xffff  }
0x27: {  	v16 =	vmov s18  }
0x28: {  	v18 =	vand.u32 $0xFFFFFFFC, v16;
	v13 =	vor.u32 v0, v11;
	v16 =	vld.idx.msk [tilespmem:v8+s12+$0x0], $0xffff  }
0x29: {  	v18 =	vbroadcast v18, $0x0;
	v8 =	vld.idx.msk [tilespmem:v15+s12+$0x0], $0xffff  }
0x2a: {  	v14 =	vld.idx.msk [tilespmem:v14+s13+$0x0], $0xffff  }
0x2b: {  	s23 =	simm.s32 $0x0;
	v21 =	vor.u32 v1, v12;
	v17 =	vld.idx.msk [tilespmem:v17+s13+$0x0], $0xffff;
	v20 =	vmul.f32 $8.000000000e+00, v10  }
0x2c: {  	s24 =	simm.s32 $0x180;
	s0 =	sand.u32 $0x1C00, s23;
	v10 =	vld.idx.msk [tilespmem:v9+s12+$0x0], $0xffff  }
0x2d: {  	s1 =	sand.u32 $0x380, s24;
	s0 =	sadd.s32 $0x11600, s0;
	v13 =	vld.idx.msk [tilespmem:v13+s13+$0x0], $0xffff;
	v15 =	vadd.f32 v20, v16  }
0x2e: {  	s11 =	sadd.s32 s1, s0  }
0x2f: {  	v9 =	vld.idx.msk [tilespmem:v18+s12+$0x0], $0xffff;
	v18 =	vor.u32 v1, v26;
	v14 =	vmul.f32 $8.000000000e+00, v14;
	[tilespmem:s11+$0x0] =	vst v15  }
0x30: {  	s25 =	simm.s32 $0x80;
	v17 =	vmul.f32 $8.000000000e+00, v17;
	v15 =	vor.u32 v1, v19;
	v20 =	vld.idx.msk [tilespmem:v21+s13+$0x0], $0xffff  }
0x31: {  	s26 =	simm.s32 $0x100;
	s1 =	sand.u32 $0x280, s25;
	v14 =	vadd.f32 v14, v10  }
0x32: {  	s1 =	sadd.s32 s1, s0;
	s3 =	sand.u32 $0x300, s26;
	v13 =	vmul.f32 $8.000000000e+00, v13;
	v21 =	vor.u32 v1, v11;
	v17 =	vadd.f32 v17, v8  }
0x33: {  	s3 =	sadd.s32 s3, s0;
	[tilespmem:s1+$0x0] =	vst v14  }
0x34: {  	v13 =	vadd.f32 v13, v9;
	[tilespmem:s3+$0x0] =	vst v17;
	v14 =	vld.idx.msk [tilespmem:v18+s13+$0x0], $0xffff  }
0x35: {  	s8 =	simm.s32 $0x11640;
	v18 =	vor.u32 v2, v12;
	v15 =	vld.idx.msk [tilespmem:v15+s13+$0x0], $0xffff;
	v17 =	vmul.f32 $8.000000000e+00, v20  }
0x36: {  	[tilespmem:s8+$0xFFFFFFC0] =	vst v13  }
0x37: {  	v13 =	vld.idx.msk [tilespmem:v21+s13+$0x0], $0xffff;
	v17 =	vadd.f32 v17, v16;
	_ =	sdelay $0x1  }
0x38: {  	v20 =	vor.u32 v2, v26;
	v14 =	vmul.f32 $8.000000000e+00, v14;
	[tilespmem:s11+$0x10] =	vst v17  }
0x39: {  	v15 =	vmul.f32 $8.000000000e+00, v15;
	v17 =	vor.u32 v2, v19;
	v18 =	vld.idx.msk [tilespmem:v18+s13+$0x0], $0xffff  }
0x3a: {  	s29 =	simm.s32 $0x4;
	v22 =	vor.u32 v2, v11;
	v14 =	vadd.f32 v14, v10  }
0x3b: {  	s30 =	simm.s32 $0x5;
	v21 =	vmov s29;
	v13 =	vmul.f32 $8.000000000e+00, v13;
	v23 =	vadd.f32 v15, v8  }
0x3c: {  	v15 =	vand.u32 $0x3C, v21;
	v21 =	vmov s30;
	[tilespmem:s1+$0x10] =	vst v14  }
0x3d: {  	v15 =	vbroadcast v15, $0x0;
	v14 =	vand.u32 $0x3D, v21;
	v21 =	vadd.f32 v13, v9;
	v20 =	vld.idx.msk [tilespmem:v20+s13+$0x0], $0xffff;
	[tilespmem:s3+$0x10] =	vst v23  }
0x3e: {  	s9 =	simm.s32 $0x7;
	s2 =	simm.s32 $0x6;
	v13 =	vbroadcast v14, $0x0;
	v14 =	vld.idx.msk [tilespmem:v17+s13+$0x0], $0xffff;
	v17 =	vmul.f32 $8.000000000e+00, v18;
	v18 =	vor.u32 v3, v12  }
0x3f: {  	v27 =	vmov s9;
	v24 =	vmov s2;
	[tilespmem:s8+$0xFFFFFFD0] =	vst v21  }
0x40: {  	s18 =	sadd.s32 $0x4, s10;
	v23 =	vand.u32 $0x3E, v24;
	v24 =	vor.u32 v0, v15;
	v22 =	vld.idx.msk [tilespmem:v22+s13+$0x0], $0xffff;
	v21 =	vadd.f32 v17, v16  }
0x41: {  	v31 =	vmov s18;
	v25 =	vor.u32 v0, v13;
	v17 =	vbroadcast v23, $0x0  }
0x42: {  	v23 =	vand.u32 $0x3F, v27;
	v27 =	vor.u32 v3, v26;
	v20 =	vmul.f32 $8.000000000e+00, v20;
	[tilespmem:s11+$0x20] =	vst v21  }
0x43: {  	s9 =	sadd.s32 $0x2, s18;
	v28 =	vor.u32 v3, v19;
	v21 =	vbroadcast v23, $0x0;
	v14 =	vmul.f32 $8.000000000e+00, v14;
	v18 =	vld.idx.msk [tilespmem:v18+s13+$0x0], $0xffff  }
0x44: {  	v32 =	vmov s9;
	v29 =	vor.u32 v0, v17;
	v20 =	vadd.f32 v20, v10  }
0x45: {  	s21 =	sadd.s32 $0x1, s18;
	v24 =	vld.idx.msk [tilespmem:v24+s13+$0x0], $0xffff;
	v22 =	vmul.f32 $8.000000000e+00, v22;
	v30 =	vor.u32 v0, v21;
	v14 =	vadd.f32 v14, v8  }
0x46: {  	v32 =	vand.u32 $0xFFFFFFFE, v32;
	s0 =	sadd.s32 $0x3, s18;
	v23 =	vor.u32 v3, v11;
	v25 =	vld.idx.msk [tilespmem:v25+s13+$0x0], $0xffff;
	[tilespmem:s1+$0x20] =	vst v20;
	v20 =	vmov s21  }
0x47: {  	v33 =	vmov s0;
	v22 =	vadd.f32 v22, v9;
	v27 =	vld.idx.msk [tilespmem:v27+s13+$0x0], $0xffff;
	v20 =	vand.u32 $0xFFFFFFFD, v20;
	[tilespmem:s3+$0x20] =	vst v14  }
0x48: {  	v14 =	vbroadcast v20, $0x0;
	v20 =	vld.idx.msk [tilespmem:v28+s13+$0x0], $0xffff;
	v28 =	vor.u32 v4, v12;
	v18 =	vmul.f32 $8.000000000e+00, v18  }
0x49: {  	v31 =	vand.u32 $0xFFFFFFFC, v31;
	[tilespmem:s8+$0xFFFFFFE0] =	vst v22;
	v22 =	vbroadcast v32, $0x0;
	v29 =	vld.idx.msk [tilespmem:v29+s13+$0x0], $0xffff  }
0x4a: {  	v31 =	vbroadcast v31, $0x0;
	v30 =	vld.idx.msk [tilespmem:v30+s13+$0x0], $0xffff;
	v45 =	vadd.f32 v18, v16  }
0x4b: {  	v23 =	vld.idx.msk [tilespmem:v23+s13+$0x0], $0xffff  }
0x4c: {  	v46 =	vor.u32 v4, v26;
	v18 =	vld.idx.msk [tilespmem:v33+s12+$0x0], $0xffff;
	v27 =	vmul.f32 $8.000000000e+00, v27;
	[tilespmem:s11+$0x30] =	vst v45  }
0x4d: {  	v28 =	vld.idx.msk [tilespmem:v28+s13+$0x0], $0xffff  }
0x4e: {  	v34 =	vor.u32 v4, v19;
	v47 =	vmul.f32 $8.000000000e+00, v20;
	v27 =	vadd.f32 v27, v10;
	v14 =	vld.idx.msk [tilespmem:v14+s12+$0x0], $0xffff  }
0x4f: {  	s22 =	simm.s32 $0x200;
	v49 =	vor.u32 v5, v12;
	v35 =	vor.u32 v1, v21;
	v20 =	vld.idx.msk [tilespmem:v22+s12+$0x0], $0xffff;
	v30 =	vmul.f32 $8.000000000e+00, v30  }
0x50: {  	s19 =	smov.u32 s31;
	s31 =	simm.s32 $0x380;
	v36 =	vor.u32 v4, v11;
	s0 =	sand.u32 $0x1C00, s22;
	v23 =	vmul.f32 $8.000000000e+00, v23;
	v22 =	vld.idx.msk [tilespmem:v31+s12+$0x0], $0xffff;
	v32 =	vadd.f32 v47, v8;
	[tilespmem:s1+$0x30] =	vst v27  }
0x51: {  	s24 =	sand.u32 $0x380, s31;
	v55 =	vor.u32 v5, v11;
	v38 =	vor.u32 v5, v26;
	s23 =	sadd.s32 $0x11600, s0;
	v27 =	vadd.f32 v30, v18;
	v31 =	vld.idx.msk [tilespmem:v46+s13+$0x0], $0xffff  }
0x52: {  	s26 =	simm.s32 $0x8;
	s0 =	sadd.s32 s24, s23;
	v25 =	vmul.f32 $8.000000000e+00, v25;
	v23 =	vadd.f32 v23, v9;
	v30 =	vor.u32 v1, v13;
	[tilespmem:s3+$0x30] =	vst v32  }
0x53: {  	s25 =	simm.s32 $0x280;
	v52 =	vor.u32 v5, v19;
	v48 =	vmov s26;
	[tilespmem:s0+$0x0] =	vst v27;
	v27 =	vld.idx.msk [tilespmem:v34+s13+$0x0], $0xffff;
	v28 =	vmul.f32 $8.000000000e+00, v28  }
0x54: {  	s9 =	sand.u32 $0x280, s25;
	v50 =	vor.u32 v1, v17;
	v29 =	vmul.f32 $8.000000000e+00, v29;
	[tilespmem:s8+$0xFFFFFFF0] =	vst v23;
	v25 =	vadd.f32 v25, v14;
	v35 =	vld.idx.msk [tilespmem:v35+s13+$0x0], $0xffff  }
0x55: {  	s18 =	simm.s32 $0x300;
	s29 =	simm.s32 $0x9;
	s21 =	sadd.s32 s9, s23;
	v23 =	vmul.f32 $8.000000000e+00, v24;
	v24 =	vor.u32 v1, v15;
	v36 =	vld.idx.msk [tilespmem:v36+s13+$0x0], $0xffff;
	v28 =	vadd.f32 v28, v16  }
0x56: {  	s18 =	sand.u32 $0x300, s18;
	v37 =	vmov s29;
	v29 =	vadd.f32 v29, v20;
	[tilespmem:s21+$0x0] =	vst v25;
	v31 =	vmul.f32 $8.000000000e+00, v31  }
0x57: {  	s24 =	sadd.s32 s18, s23;
	v51 =	vand.u32 $0x3D, v37;
	v59 =	vor.u32 v2, v15;
	v25 =	vadd.f32 v23, v22;
	v30 =	vld.idx.msk [tilespmem:v30+s13+$0x0], $0xffff;
	[tilespmem:s11+$0x40] =	vst v28  }
0x58: {  	v57 =	vor.u32 v2, v13;
	s23 =	simm.s32 $0x11840;
	[tilespmem:s24+$0x0] =	vst v29;
	v29 =	vld.idx.msk [tilespmem:v49+s13+$0x0], $0xffff;
	v31 =	vadd.f32 v31, v10;
	v27 =	vmul.f32 $8.000000000e+00, v27  }
0x59: {  	v37 =	vor.u32 v3, v13;
	v54 =	vor.u32 v2, v21;
	[tilespmem:s23+$0xFFFFFFC0] =	vst v25;
	v25 =	vld.idx.msk [tilespmem:v50+s13+$0x0], $0xffff;
	v53 =	vmul.f32 $8.000000000e+00, v35  }
0x5a: {  	v39 =	vor.u32 v2, v17;
	v24 =	vld.idx.msk [tilespmem:v24+s13+$0x0], $0xffff;
	v36 =	vmul.f32 $8.000000000e+00, v36;
	[tilespmem:s1+$0x40] =	vst v31;
	v27 =	vadd.f32 v27, v8  }
0x5b: {  	v41 =	vor.u32 v3, v21;
	v33 =	vor.u32 v3, v15;
	v31 =	vadd.f32 v53, v18;
	v56 =	vld.idx.msk [tilespmem:v38+s13+$0x0], $0xffff  }
0x5c: {  	v45 =	vor.u32 v6, v26;
	v36 =	vadd.f32 v36, v9;
	v30 =	vmul.f32 $8.000000000e+00, v30;
	[tilespmem:s3+$0x40] =	vst v27  }
0x5d: {  	v32 =	vand.u32 $0x3C, v48;
	v27 =	vmul.f32 $8.000000000e+00, v29;
	v29 =	vor.u32 v6, v12;
	[tilespmem:s0+$0x10] =	vst v31;
	v31 =	vld.idx.msk [tilespmem:v52+s13+$0x0], $0xffff  }
0x5e: {  	s30 =	simm.s32 $0xA;
	v23 =	vbroadcast v32, $0x0;
	v58 =	vmul.f32 $8.000000000e+00, v25;
	[tilespmem:s8+$0x0] =	vst v36;
	v30 =	vadd.f32 v30, v14;
	v40 =	vld.idx.msk [tilespmem:v54+s13+$0x0], $0xffff  }
0x5f: {  	v28 =	vmov s30;
	v24 =	vmul.f32 $8.000000000e+00, v24;
	v44 =	vld.idx.msk [tilespmem:v55+s13+$0x0], $0xffff;
	v60 =	vadd.f32 v27, v16  }
0x60: {  	v28 =	vand.u32 $0x3E, v28;
	v61 =	vadd.f32 v58, v20;
	[tilespmem:s21+$0x10] =	vst v30;
	v34 =	vmul.f32 $8.000000000e+00, v56  }
0x61: {  	v62 =	vadd.f32 v24, v22;
	v30 =	vor.u32 v0, v23;
	v24 =	vbroadcast v28, $0x0;
	v38 =	vld.idx.msk [tilespmem:v57+s13+$0x0], $0xffff;
	[tilespmem:s11+$0x50] =	vst v60  }
0x62: {  	[tilespmem:s24+$0x10] =	vst v61;
	v35 =	vld.idx.msk [tilespmem:v29+s13+$0x0], $0xffff;
	v28 =	vadd.f32 v34, v10;
	v29 =	vmul.f32 $8.000000000e+00, v31;
	v34 =	vor.u32 v6, v19  }
0x63: {  	v26 =	vor.u32 v7, v26;
	v25 =	vbroadcast v51, $0x0;
	[tilespmem:s23+$0xFFFFFFD0] =	vst v62;
	v42 =	vld.idx.msk [tilespmem:v39+s13+$0x0], $0xffff;
	v63 =	vmul.f32 $8.000000000e+00, v40  }
0x64: {  	s20 =	simm.s32 $0x400;
	s28 =	simm.s32 $0x11840;
	v27 =	vor.u32 v6, v11;
	v43 =	vld.idx.msk [tilespmem:v59+s13+$0x0], $0xffff;
	v40 =	vmul.f32 $8.000000000e+00, v44;
	[tilespmem:s1+$0x50] =	vst v28;
	v39 =	vadd.f32 v29, v8  }
0x65: {  	s6 =	sshll.u32 s15, $0x2;
	s18 =	simm.s32 $0xB;
	s9 =	simm.s32 $0xC;
	v31 =	vor.u32 v0, v25;
	v29 =	vor.u32 v0, v24;
	v44 =	vadd.f32 v63, v18;
	v36 =	vld.idx.msk [tilespmem:v45+s13+$0x0], $0xffff  }
.LBB2_3:
0x66: {  	p1 =	slt.u32 s9, $0x3C;
	v30 =	vld.idx.msk [tilespmem:v30+s13+$0x0], $0xffff;
	v32 =	vmov s18;
	v38 =	vmul.f32 $8.000000000e+00, v38;
	v40 =	vadd.f32 v40, v9;
	[tilespmem:s3+$0x50] =	vst v39;
	v28 =	vmovc v25  }
0x67: {  	v25 =	vand.u32 $0x3F, v32;
	[tilespmem:s0+$0x20] =	vst v44;
	v32 =	vld.idx.msk [tilespmem:v34+s13+$0x0], $0xffff;
	v34 =	vmul.f32 $8.000000000e+00, v35;
	v35 =	vor.u32 v7, v12;
	v12 =	vmovc v21  }
0x68: {  	v21 =	vbroadcast v25, $0x0;
	v25 =	vadd.f32 v38, v14;
	v38 =	vmul.f32 $8.000000000e+00, v42;
	v39 =	vld.idx.msk [tilespmem:v41+s13+$0x0], $0xffff;
	[tilespmem:s8+$0x10] =	vst v40  }
0x69: {  	v40 =	vmul.f32 $8.000000000e+00, v43;
	v41 =	vor.u32 v3, v17;
	v27 =	vld.idx.msk [tilespmem:v27+s13+$0x0], $0xffff;
	v34 =	vadd.f32 v34, v16  }
0x6a: {  	s18 =	sadd.s32 s26, s10;
	s26 =	smov.u32 s9;
	v31 =	vld.idx.msk [tilespmem:v31+s13+$0x0], $0xffff;
	v42 =	vor.u32 v0, v21;
	[tilespmem:s21+$0x20] =	vst v25;
	v25 =	vadd.f32 v38, v20  }
0x6b: {  	s22 =	sadd.s32 $0x1, s18;
	s30 =	sadd.s32 $0x2, s18;
	v38 =	vmov s18;
	s18 =	sadd.s32 $0x3, s18;
	v40 =	vadd.f32 v40, v22;
	v36 =	vmul.f32 $8.000000000e+00, v36;
	v37 =	vld.idx.msk [tilespmem:v37+s13+$0x0], $0xffff;
	[tilespmem:s11+$0x60] =	vst v34  }
0x6c: {  	v43 =	vmov s30;
	v34 =	vmov s22;
	v44 =	vmov s18;
	v35 =	vld.idx.msk [tilespmem:v35+s13+$0x0], $0xffff  }
0x6d: {  	v43 =	vand.u32 $0xFFFFFFFE, v43;
	v38 =	vand.u32 $0xFFFFFFFC, v38;
	v34 =	vand.u32 $0xFFFFFFFD, v34;
	v45 =	vld.idx.msk [tilespmem:v29+s13+$0x0], $0xffff;
	[tilespmem:s24+$0x20] =	vst v25  }
0x6e: {  	v25 =	vbroadcast v34, $0x0;
	v34 =	vmul.f32 $8.000000000e+00, v39;
	v39 =	vor.u32 v4, v12;
	[tilespmem:s23+$0xFFFFFFE0] =	vst v40;
	v29 =	vld.idx.msk [tilespmem:v41+s13+$0x0], $0xffff  }
0x6f: {  	v38 =	vbroadcast v38, $0x0;
	v36 =	vadd.f32 v36, v10;
	v40 =	vbroadcast v43, $0x0;
	v41 =	vld.idx.msk [tilespmem:v42+s13+$0x0], $0xffff  }
0x70: {  	v32 =	vmul.f32 $8.000000000e+00, v32;
	v27 =	vmul.f32 $8.000000000e+00, v27;
	v34 =	vadd.f32 v34, v18;
	v33 =	vld.idx.msk [tilespmem:v33+s13+$0x0], $0xffff  }
0x71: {  	v43 =	vor.u32 v4, v13;
	v37 =	vmul.f32 $8.000000000e+00, v37;
	v42 =	vld.idx.msk [tilespmem:v44+s12+$0x0], $0xffff;
	[tilespmem:s1+$0x60] =	vst v36  }
0x72: {  	v32 =	vadd.f32 v32, v8;
	v27 =	vadd.f32 v27, v9;
	[tilespmem:s0+$0x30] =	vst v34;
	v26 =	vld.idx.msk [tilespmem:v26+s13+$0x0], $0xffff;
	v34 =	vmul.f32 $8.000000000e+00, v35  }
0x73: {  	v35 =	vadd.f32 v37, v14;
	v37 =	vor.u32 v7, v11;
	v11 =	vor.u32 v7, v19;
	v36 =	vld.idx.msk [tilespmem:v39+s13+$0x0], $0xffff  }
0x74: {  	s31 =	sadd.s32 $0x200, s31;
	v39 =	vor.u32 v4, v17;
	v19 =	vld.idx.msk [tilespmem:v25+s12+$0x0], $0xffff;
	v25 =	vmul.f32 $8.000000000e+00, v29;
	[tilespmem:s3+$0x60] =	vst v32;
	v46 =	vadd.f32 v34, v16  }
0x75: {  	s30 =	sadd.s32 $0xFFFFFF80, s31;
	s18 =	sadd.s32 $0xFFFFFE80, s31;
	s22 =	sadd.s32 $0xFFFFFF00, s31;
	v34 =	vmul.f32 $8.000000000e+00, v41;
	v41 =	vor.u32 v4, v15;
	v32 =	vld.idx.msk [tilespmem:v40+s12+$0x0], $0xffff;
	v40 =	vor.u32 v1, v21;
	[tilespmem:s21+$0x30] =	vst v35  }
0x76: {  	s30 =	sand.u32 $0x300, s30;
	s18 =	sand.u32 $0x1C00, s18;
	s22 =	sand.u32 $0x280, s22;
	v35 =	vor.u32 v1, v28;
	v33 =	vmul.f32 $8.000000000e+00, v33;
	v29 =	vld.idx.msk [tilespmem:v38+s12+$0x0], $0xffff;
	v25 =	vadd.f32 v25, v20;
	[tilespmem:s11+$0x70] =	vst v46  }
0x77: {  	s29 =	sand.u32 $0x380, s31;
	s25 =	sadd.s32 $0x11600, s18;
	v44 =	vor.u32 v1, v24;
	v16 =	vmovc v18;
	v38 =	vmov s9;
	v34 =	vadd.f32 v34, v42;
	s11 =	smov.u32 s0;
	v43 =	vld.idx.msk [tilespmem:v43+s13+$0x0], $0xffff;
	[tilespmem:s8+$0x20] =	vst v27  }
0x78: {  	s22 =	sadd.s32 s22, s25;
	s18 =	sadd.s32 s30, s25;
	s0 =	sadd.s32 s29, s25;
	v18 =	vmovc v42;
	v27 =	vmul.f32 $8.000000000e+00, v31;
	v31 =	vadd.f32 v33, v22;
	[tilespmem:s24+$0x30] =	vst v25;
	v25 =	vmul.f32 $8.000000000e+00, v26;
	v26 =	vld.idx.msk [tilespmem:v11+s13+$0x0], $0xffff  }
0x79: {  	v33 =	vmul.f32 $8.000000000e+00, v45;
	v36 =	vmul.f32 $8.000000000e+00, v36;
	v11 =	vmovc v15;
	[tilespmem:s0+$0x0] =	vst v34;
	v34 =	vld.idx.msk [tilespmem:v39+s13+$0x0], $0xffff;
	v39 =	vor.u32 v5, v12  }
0x7a: {  	v46 =	vmul.f32 $8.000000000e+00, v30;
	v27 =	vadd.f32 v27, v19;
	v30 =	vld.idx.msk [tilespmem:v40+s13+$0x0], $0xffff;
	[tilespmem:s23+$0xFFFFFFF0] =	vst v31;
	v25 =	vadd.f32 v25, v10  }
0x7b: {  	s25 =	sadd.s32 $0x1, s9;
	v31 =	vor.u32 v1, v23;
	v33 =	vadd.f32 v33, v32;
	v36 =	vadd.f32 v36, v16;
	v40 =	vld.idx.msk [tilespmem:v41+s13+$0x0], $0xffff  }
0x7c: {  	v38 =	vand.u32 $0x3C, v38;
	v10 =	vmovc v14;
	v14 =	vmovc v19;
	v41 =	vmov s25;
	s25 =	sadd.s32 $0x2, s9;
	v42 =	vadd.f32 v46, v29;
	[tilespmem:s22+$0x0] =	vst v27;
	v27 =	vld.idx.msk [tilespmem:v37+s13+$0x0], $0xffff  }
0x7d: {  	v45 =	vor.u32 v5, v13;
	v15 =	vmovc v23;
	v19 =	vmovc v17;
	v37 =	vmov s25;
	v43 =	vmul.f32 $8.000000000e+00, v43;
	v35 =	vld.idx.msk [tilespmem:v35+s13+$0x0], $0xffff;
	[tilespmem:s11+$0x40] =	vst v36  }
0x7e: {  	v23 =	vbroadcast v38, $0x0;
	s23 =	sadd.s32 $0x200, s23;
	v17 =	vmovc v24;
	v36 =	vand.u32 $0x3D, v41;
	v26 =	vmul.f32 $8.000000000e+00, v26;
	[tilespmem:s18+$0x0] =	vst v33;
	v33 =	vld.idx.msk [tilespmem:v39+s13+$0x0], $0xffff  }
0x7f: {  	v38 =	vadd.f32 v43, v10;
	v34 =	vmul.f32 $8.000000000e+00, v34;
	v39 =	vor.u32 v5, v19;
	[tilespmem:s23+$0xFFFFFFC0] =	vst v42;
	v24 =	vld.idx.msk [tilespmem:v44+s13+$0x0], $0xffff  }
0x80: {  	v41 =	vor.u32 v2, v21;
	v30 =	vmul.f32 $8.000000000e+00, v30;
	v31 =	vld.idx.msk [tilespmem:v31+s13+$0x0], $0xffff;
	[tilespmem:s1+$0x70] =	vst v25;
	v25 =	vadd.f32 v26, v8;
	s1 =	smov.u32 s21;
	s21 =	smov.u32 s22  }
0x81: {  	v26 =	vmul.f32 $8.000000000e+00, v40;
	v40 =	vor.u32 v5, v11;
	v34 =	vadd.f32 v34, v20;
	v8 =	vmovc v20;
	[tilespmem:s1+$0x40] =	vst v38  }
0x82: {  	v37 =	vand.u32 $0x3E, v37;
	v20 =	vmovc v32;
	v30 =	vadd.f32 v30, v18;
	v27 =	vmul.f32 $8.000000000e+00, v27;
	v42 =	vld.idx.msk [tilespmem:v45+s13+$0x0], $0xffff;
	[tilespmem:s3+$0x70] =	vst v25;
	s3 =	smov.u32 s24;
	s24 =	smov.u32 s18  }
0x83: {  	v32 =	vor.u32 v2, v28;
	v25 =	vmul.f32 $8.000000000e+00, v35;
	v26 =	vadd.f32 v26, v22;
	[tilespmem:s3+$0x40] =	vst v34  }
0x84: {  	v35 =	vor.u32 v6, v12;
	[tilespmem:s0+$0x10] =	vst v30;
	v34 =	vld.idx.msk [tilespmem:v39+s13+$0x0], $0xffff;
	v30 =	vmul.f32 $8.000000000e+00, v33;
	v33 =	vadd.f32 v27, v9  }
0x85: {  	v27 =	vadd.f32 v25, v14;
	v24 =	vmul.f32 $8.000000000e+00, v24;
	v39 =	vor.u32 v2, v17;
	v41 =	vld.idx.msk [tilespmem:v41+s13+$0x0], $0xffff;
	[tilespmem:s28+$0x0] =	vst v26  }
0x86: {  	v26 =	vmul.f32 $8.000000000e+00, v31;
	v31 =	vor.u32 v2, v15;
	v40 =	vld.idx.msk [tilespmem:v40+s13+$0x0], $0xffff;
	v30 =	vadd.f32 v30, v16;
	[tilespmem:s8+$0x30] =	vst v33;
	s8 =	smov.u32 s28;
	s28 =	smov.u32 s23  }
0x87: {  	v25 =	vbroadcast v36, $0x0;
	v9 =	vmovc v22;
	v36 =	vadd.f32 v24, v20;
	[tilespmem:s21+$0x10] =	vst v27;
	v27 =	vor.u32 v6, v11  }
0x88: {  	v45 =	vadd.f32 v26, v29;
	v26 =	vmul.f32 $8.000000000e+00, v42;
	v38 =	vld.idx.msk [tilespmem:v32+s13+$0x0], $0xffff;
	v32 =	vor.u32 v6, v13;
	[tilespmem:s11+$0x50] =	vst v30  }
.Ltmp0:
0x89: {  	v24 =	vbroadcast v37, $0x0;
	v33 =	vor.u32 v3, v15;
	v30 =	vor.u32 v0, v23;
	[tilespmem:s24+$0x10] =	vst v36;
	v35 =	vld.idx.msk [tilespmem:v35+s13+$0x0], $0xffff;
	(pc) =	sbr.rel @p1 .LBB2_3-.Ltmp0, $4  }
0x8a: {  	v36 =	vadd.f32 v26, v10;
	[tilespmem:s23+$0xFFFFFFD0] =	vst v45;
	v42 =	vld.idx.msk [tilespmem:v39+s13+$0x0], $0xffff;
	v39 =	vmul.f32 $8.000000000e+00, v34;
	v34 =	vor.u32 v6, v19  }
0x8b: {  	v22 =	vmovc v29;
	v26 =	vor.u32 v7, v13;
	v44 =	vmul.f32 $8.000000000e+00, v41;
	v41 =	vor.u32 v3, v21;
	v43 =	vld.idx.msk [tilespmem:v31+s13+$0x0], $0xffff  }
0x8c: {  	v37 =	vor.u32 v3, v28;
	v13 =	vmovc v28;
	v40 =	vmul.f32 $8.000000000e+00, v40;
	[tilespmem:s1+$0x50] =	vst v36;
	v39 =	vadd.f32 v39, v8  }
0x8d: {  	s9 =	sadd.s32 $0x4, s9;
	s18 =	sadd.s32 $0x3, s26;
	v29 =	vor.u32 v0, v24;
	v31 =	vor.u32 v0, v25;
	v44 =	vadd.f32 v44, v18;
	v36 =	vld.idx.msk [tilespmem:v32+s13+$0x0], $0xffff  }
0x8e: {  	v28 =	vmov s18;
	s9 =	sadd.s32 s26, s10  }
0x8f: {  	v28 =	vand.u32 $0x3F, v28;
	s26 =	sadd.s32 $0x1, s9  }
0x90: {  	v32 =	vbroadcast v28, $0x0;
	v45 =	vmov s26  }
0x91: {  	v45 =	vand.u32 $0xFFFFFFFD, v45  }
0x92: {  	s22 =	sadd.s32 $0x2, s9;
	v46 =	vmov s9;
	v28 =	vor.u32 v0, v32;
	v45 =	vbroadcast v45, $0x0  }
0x93: {  	s9 =	sadd.s32 $0x3, s9;
	v47 =	vmov s22;
	v59 =	vand.u32 $0xFFFFFFFC, v46  }
0x94: {  	v49 =	vld.idx.msk [tilespmem:v30+s13+$0x0], $0xffff;
	v48 =	vmov s9;
	v47 =	vand.u32 $0xFFFFFFFE, v47;
	v30 =	vbroadcast v59, $0x0  }
0x95: {  	v61 =	vld.idx.msk [tilespmem:v31+s13+$0x0], $0xffff;
	v60 =	vbroadcast v47, $0x0  }
0x96: {  	v51 =	vld.idx.msk [tilespmem:v29+s13+$0x0], $0xffff  }
0x97: {  	v50 =	vld.idx.msk [tilespmem:v28+s13+$0x0], $0xffff  }
0x98: {  	v29 =	vld.idx.msk [tilespmem:v45+s12+$0x0], $0xffff  }
0x99: {  	v31 =	vld.idx.msk [tilespmem:v48+s12+$0x0], $0xffff  }
0x9a: {  	s29 =	sadd.s32 $0x200, s31;
	v30 =	vld.idx.msk [tilespmem:v30+s12+$0x0], $0xffff  }
0x9b: {  	v56 =	vor.u32 v1, v25;
	s30 =	sadd.s32 $0xFFFFFE80, s29;
	v47 =	vmul.f32 $8.000000000e+00, v61;
	v28 =	vld.idx.msk [tilespmem:v60+s12+$0x0], $0xffff  }
0x9c: {  	s31 =	sadd.s32 $0xFFFFFF00, s29;
	s18 =	sand.u32 $0x1C00, s30;
	v63 =	vor.u32 v1, v32;
	v62 =	vmul.f32 $8.000000000e+00, v50  }
0x9d: {  	v52 =	vor.u32 v1, v23;
	s22 =	sand.u32 $0x280, s31;
	s25 =	sadd.s32 $0x11600, s18;
	v49 =	vmul.f32 $8.000000000e+00, v49;
	v47 =	vadd.f32 v47, v29  }
0x9e: {  	v57 =	vor.u32 v1, v24;
	s2 =	sand.u32 $0x380, s29;
	s22 =	sadd.s32 s22, s25;
	v51 =	vmul.f32 $8.000000000e+00, v51;
	v45 =	vadd.f32 v62, v31  }
0x9f: {  	s9 =	sadd.s32 $0xFFFFFF80, s29;
	s18 =	sadd.s32 s2, s25;
	v49 =	vadd.f32 v49, v30;
	[tilespmem:s22+$0x0] =	vst v47  }
0xa0: {  	s30 =	sadd.s32 $0x200, s23;
	s26 =	sand.u32 $0x300, s9;
	v58 =	vadd.f32 v51, v28;
	[tilespmem:s18+$0x0] =	vst v45;
	v47 =	vld.idx.msk [tilespmem:v56+s13+$0x0], $0xffff  }
0xa1: {  	s26 =	sadd.s32 s26, s25;
	[tilespmem:s30+$0xFFFFFFC0] =	vst v49;
	v46 =	vld.idx.msk [tilespmem:v63+s13+$0x0], $0xffff  }
0xa2: {  	[tilespmem:s26+$0x0] =	vst v58;
	v59 =	vld.idx.msk [tilespmem:v52+s13+$0x0], $0xffff  }
0xa3: {  	v45 =	vld.idx.msk [tilespmem:v57+s13+$0x0], $0xffff;
	_ =	sdelay $0x1  }
0xa4: {  	v61 =	vor.u32 v2, v25;
	v47 =	vmul.f32 $8.000000000e+00, v47  }
0xa5: {  	v60 =	vor.u32 v2, v32;
	v46 =	vmul.f32 $8.000000000e+00, v46  }
0xa6: {  	v63 =	vor.u32 v2, v23;
	v48 =	vmul.f32 $8.000000000e+00, v59;
	v47 =	vadd.f32 v47, v29  }
0xa7: {  	v62 =	vor.u32 v2, v24;
	v45 =	vmul.f32 $8.000000000e+00, v45;
	v46 =	vadd.f32 v46, v31  }
0xa8: {  	v54 =	vadd.f32 v48, v30;
	[tilespmem:s22+$0x10] =	vst v47  }
0xa9: {  	v45 =	vadd.f32 v45, v28;
	[tilespmem:s18+$0x10] =	vst v46;
	v55 =	vld.idx.msk [tilespmem:v61+s13+$0x0], $0xffff  }
0xaa: {  	[tilespmem:s30+$0xFFFFFFD0] =	vst v54;
	v46 =	vld.idx.msk [tilespmem:v60+s13+$0x0], $0xffff  }
0xab: {  	v38 =	vmul.f32 $8.000000000e+00, v38;
	[tilespmem:s26+$0x10] =	vst v45;
	v58 =	vld.idx.msk [tilespmem:v63+s13+$0x0], $0xffff  }
0xac: {  	v42 =	vmul.f32 $8.000000000e+00, v42;
	v57 =	vor.u32 v3, v17;
	v56 =	vld.idx.msk [tilespmem:v62+s13+$0x0], $0xffff  }
0xad: {  	v38 =	vadd.f32 v38, v14;
	v43 =	vmul.f32 $8.000000000e+00, v43  }
0xae: {  	[tilespmem:s0+$0x20] =	vst v44;
	v42 =	vadd.f32 v42, v20;
	v62 =	vor.u32 v3, v25;
	v45 =	vmul.f32 $8.000000000e+00, v55  }
0xaf: {  	v41 =	vld.idx.msk [tilespmem:v41+s13+$0x0], $0xffff;
	[tilespmem:s21+$0x20] =	vst v38;
	v61 =	vadd.f32 v43, v22;
	v60 =	vor.u32 v3, v32;
	v59 =	vmul.f32 $8.000000000e+00, v46  }
0xb0: {  	v37 =	vld.idx.msk [tilespmem:v37+s13+$0x0], $0xffff;
	[tilespmem:s24+$0x20] =	vst v42;
	v49 =	vmul.f32 $8.000000000e+00, v58;
	v55 =	vor.u32 v3, v23;
	v45 =	vadd.f32 v45, v29  }
0xb1: {  	v53 =	vor.u32 v3, v24;
	v54 =	vld.idx.msk [tilespmem:v57+s13+$0x0], $0xffff;
	[tilespmem:s23+$0xFFFFFFE0] =	vst v61;
	v52 =	vmul.f32 $8.000000000e+00, v56;
	v63 =	vadd.f32 v59, v31  }
0xb2: {  	v33 =	vld.idx.msk [tilespmem:v33+s13+$0x0], $0xffff;
	v58 =	vadd.f32 v49, v30;
	[tilespmem:s22+$0x20] =	vst v45  }
0xb3: {  	v56 =	vadd.f32 v52, v28;
	[tilespmem:s18+$0x20] =	vst v63;
	v43 =	vld.idx.msk [tilespmem:v62+s13+$0x0], $0xffff  }
0xb4: {  	v40 =	vadd.f32 v40, v9;
	v41 =	vmul.f32 $8.000000000e+00, v41;
	v59 =	vor.u32 v4, v21;
	[tilespmem:s30+$0xFFFFFFE0] =	vst v58;
	v57 =	vld.idx.msk [tilespmem:v60+s13+$0x0], $0xffff  }
0xb5: {  	v35 =	vmul.f32 $8.000000000e+00, v35;
	v37 =	vmul.f32 $8.000000000e+00, v37;
	[tilespmem:s26+$0x20] =	vst v56;
	v49 =	vld.idx.msk [tilespmem:v55+s13+$0x0], $0xffff;
	v60 =	vor.u32 v4, v13  }
0xb6: {  	[tilespmem:s3+$0x50] =	vst v39;
	v38 =	vmul.f32 $8.000000000e+00, v54;
	v61 =	vld.idx.msk [tilespmem:v53+s13+$0x0], $0xffff;
	v62 =	vadd.f32 v41, v18;
	v63 =	vor.u32 v4, v17  }
0xb7: {  	v34 =	vld.idx.msk [tilespmem:v34+s13+$0x0], $0xffff;
	[tilespmem:s8+$0x10] =	vst v40;
	v37 =	vadd.f32 v37, v14;
	v50 =	vor.u32 v4, v15;
	v33 =	vmul.f32 $8.000000000e+00, v33  }
0xb8: {  	v54 =	vor.u32 v4, v25;
	v38 =	vadd.f32 v38, v20;
	[tilespmem:s0+$0x30] =	vst v62;
	v53 =	vmul.f32 $8.000000000e+00, v43  }
0xb9: {  	[tilespmem:s21+$0x30] =	vst v37;
	v52 =	vor.u32 v4, v32;
	v33 =	vadd.f32 v33, v22;
	v42 =	vld.idx.msk [tilespmem:v59+s13+$0x0], $0xffff;
	v51 =	vmul.f32 $8.000000000e+00, v57  }
0xba: {  	[tilespmem:s24+$0x30] =	vst v38;
	v59 =	vor.u32 v4, v23;
	v47 =	vmul.f32 $8.000000000e+00, v49;
	v45 =	vld.idx.msk [tilespmem:v60+s13+$0x0], $0xffff;
	v58 =	vadd.f32 v53, v29  }
0xbb: {  	[tilespmem:s23+$0xFFFFFFF0] =	vst v33;
	v56 =	vmul.f32 $8.000000000e+00, v61;
	v41 =	vld.idx.msk [tilespmem:v63+s13+$0x0], $0xffff;
	v57 =	vor.u32 v4, v24;
	v55 =	vadd.f32 v51, v31  }
0xbc: {  	v12 =	vor.u32 v7, v12;
	v34 =	vmul.f32 $8.000000000e+00, v34;
	v60 =	vld.idx.msk [tilespmem:v50+s13+$0x0], $0xffff;
	v63 =	vadd.f32 v47, v30;
	[tilespmem:s22+$0x30] =	vst v58  }
0xbd: {  	v35 =	vadd.f32 v35, v16;
	v61 =	vmul.f32 $8.000000000e+00, v36;
	v39 =	vadd.f32 v56, v28;
	[tilespmem:s18+$0x30] =	vst v55;
	v43 =	vld.idx.msk [tilespmem:v54+s13+$0x0], $0xffff  }
0xbe: {  	v34 =	vadd.f32 v34, v8;
	v48 =	vor.u32 v5, v21;
	v42 =	vmul.f32 $8.000000000e+00, v42;
	[tilespmem:s30+$0xFFFFFFF0] =	vst v63;
	v62 =	vld.idx.msk [tilespmem:v52+s13+$0x0], $0xffff  }
0xbf: {  	v50 =	vor.u32 v5, v13;
	v33 =	vadd.f32 v61, v10;
	[tilespmem:s26+$0x30] =	vst v39;
	v37 =	vld.idx.msk [tilespmem:v59+s13+$0x0], $0xffff;
	v49 =	vmul.f32 $8.000000000e+00, v45  }
0xc0: {  	[tilespmem:s11+$0x60] =	vst v35;
	v53 =	vor.u32 v5, v17;
	v41 =	vmul.f32 $8.000000000e+00, v41;
	v51 =	vld.idx.msk [tilespmem:v57+s13+$0x0], $0xffff;
	v52 =	vadd.f32 v42, v18  }
0xc1: {  	v27 =	vld.idx.msk [tilespmem:v27+s13+$0x0], $0xffff;
	[tilespmem:s3+$0x60] =	vst v34;
	v55 =	vor.u32 v5, v15;
	v38 =	vmul.f32 $8.000000000e+00, v60;
	v54 =	vadd.f32 v49, v14  }
0xc2: {  	v12 =	vld.idx.msk [tilespmem:v12+s13+$0x0], $0xffff;
	v60 =	vor.u32 v5, v25;
	v56 =	vadd.f32 v41, v20;
	[tilespmem:s0+$0x40] =	vst v52;
	v59 =	vmul.f32 $8.000000000e+00, v43  }
0xc3: {  	v57 =	vor.u32 v5, v32;
	v58 =	vadd.f32 v38, v22;
	v39 =	vld.idx.msk [tilespmem:v48+s13+$0x0], $0xffff;
	[tilespmem:s21+$0x40] =	vst v54;
	v36 =	vmul.f32 $8.000000000e+00, v62  }
0xc4: {  	v49 =	vor.u32 v5, v23;
	[tilespmem:s24+$0x40] =	vst v56;
	v37 =	vmul.f32 $8.000000000e+00, v37;
	v40 =	vld.idx.msk [tilespmem:v50+s13+$0x0], $0xffff;
	v48 =	vadd.f32 v59, v29  }
0xc5: {  	v63 =	vor.u32 v5, v24;
	v42 =	vld.idx.msk [tilespmem:v53+s13+$0x0], $0xffff;
	[tilespmem:s28+$0x0] =	vst v58;
	v62 =	vmul.f32 $8.000000000e+00, v51;
	v61 =	vadd.f32 v36, v31  }
0xc6: {  	v27 =	vmul.f32 $8.000000000e+00, v27;
	v50 =	vld.idx.msk [tilespmem:v55+s13+$0x0], $0xffff;
	v51 =	vadd.f32 v37, v30;
	[tilespmem:s22+$0x40] =	vst v48  }
0xc7: {  	v19 =	vor.u32 v7, v19;
	v12 =	vmul.f32 $8.000000000e+00, v12;
	v36 =	vadd.f32 v62, v28;
	[tilespmem:s18+$0x40] =	vst v61;
	v43 =	vld.idx.msk [tilespmem:v60+s13+$0x0], $0xffff  }
0xc8: {  	v27 =	vadd.f32 v27, v9;
	v53 =	vor.u32 v6, v21;
	v52 =	vmul.f32 $8.000000000e+00, v39;
	[tilespmem:s30+$0x0] =	vst v51;
	v41 =	vld.idx.msk [tilespmem:v57+s13+$0x0], $0xffff  }
0xc9: {  	v12 =	vadd.f32 v12, v16;
	v55 =	vor.u32 v6, v13;
	[tilespmem:s26+$0x40] =	vst v36;
	v38 =	vld.idx.msk [tilespmem:v49+s13+$0x0], $0xffff;
	v54 =	vmul.f32 $8.000000000e+00, v40  }
0xca: {  	[tilespmem:s8+$0x20] =	vst v27;
	v59 =	vor.u32 v6, v17;
	v58 =	vmul.f32 $8.000000000e+00, v42;
	v56 =	vld.idx.msk [tilespmem:v63+s13+$0x0], $0xffff;
	v57 =	vadd.f32 v52, v18  }
0xcb: {  	[tilespmem:s11+$0x70] =	vst v12;
	v60 =	vor.u32 v6, v15;
	v35 =	vmul.f32 $8.000000000e+00, v50;
	v16 =	vadd.f32 v54, v14  }
0xcc: {  	v19 =	vld.idx.msk [tilespmem:v19+s13+$0x0], $0xffff;
	v47 =	vor.u32 v6, v25;
	v61 =	vadd.f32 v58, v20;
	[tilespmem:s0+$0x50] =	vst v57;
	v46 =	vmul.f32 $8.000000000e+00, v43  }
0xcd: {  	v63 =	vor.u32 v6, v32;
	v45 =	vadd.f32 v35, v22;
	v39 =	vld.idx.msk [tilespmem:v53+s13+$0x0], $0xffff;
	[tilespmem:s21+$0x50] =	vst v16;
	v62 =	vmul.f32 $8.000000000e+00, v41  }
0xce: {  	v51 =	vor.u32 v6, v23;
	[tilespmem:s24+$0x50] =	vst v61;
	v38 =	vmul.f32 $8.000000000e+00, v38;
	v36 =	vld.idx.msk [tilespmem:v55+s13+$0x0], $0xffff;
	v35 =	vadd.f32 v46, v29  }
0xcf: {  	v50 =	vor.u32 v6, v24;
	v37 =	vld.idx.msk [tilespmem:v59+s13+$0x0], $0xffff;
	[tilespmem:s28+$0x10] =	vst v45;
	v49 =	vmul.f32 $8.000000000e+00, v56;
	v48 =	vadd.f32 v62, v31  }
0xd0: {  	v12 =	vld.idx.msk [tilespmem:v60+s13+$0x0], $0xffff;
	v54 =	vadd.f32 v38, v30;
	[tilespmem:s22+$0x50] =	vst v35  }
0xd1: {  	v11 =	vor.u32 v7, v11;
	v19 =	vmul.f32 $8.000000000e+00, v19;
	v52 =	vadd.f32 v49, v28;
	[tilespmem:s18+$0x50] =	vst v48;
	v57 =	vld.idx.msk [tilespmem:v47+s13+$0x0], $0xffff  }
0xd2: {  	v56 =	vor.u32 v7, v21;
	v55 =	vmul.f32 $8.000000000e+00, v39;
	[tilespmem:s30+$0x10] =	vst v54;
	v53 =	vld.idx.msk [tilespmem:v63+s13+$0x0], $0xffff  }
0xd3: {  	v8 =	vadd.f32 v19, v8;
	v59 =	vor.u32 v7, v13;
	[tilespmem:s26+$0x50] =	vst v52;
	v16 =	vld.idx.msk [tilespmem:v51+s13+$0x0], $0xffff;
	v60 =	vmul.f32 $8.000000000e+00, v36  }
0xd4: {  	[tilespmem:s1+$0x60] =	vst v33;
	v62 =	vmul.f32 $8.000000000e+00, v37;
	v33 =	vld.idx.msk [tilespmem:v50+s13+$0x0], $0xffff;
	v61 =	vadd.f32 v55, v18;
	v63 =	vor.u32 v7, v17  }
0xd5: {  	[tilespmem:s3+$0x70] =	vst v8;
	v26 =	vld.idx.msk [tilespmem:v26+s13+$0x0], $0xffff;
	v37 =	vor.u32 v7, v15;
	v12 =	vmul.f32 $8.000000000e+00, v12;
	v36 =	vadd.f32 v60, v14  }
0xd6: {  	v11 =	vld.idx.msk [tilespmem:v11+s13+$0x0], $0xffff;
	v42 =	vor.u32 v7, v25;
	v38 =	vadd.f32 v62, v20;
	[tilespmem:s0+$0x60] =	vst v61;
	v43 =	vmul.f32 $8.000000000e+00, v57  }
0xd7: {  	v32 =	vor.u32 v7, v32;
	v41 =	vadd.f32 v12, v22;
	v21 =	vld.idx.msk [tilespmem:v56+s13+$0x0], $0xffff;
	[tilespmem:s21+$0x60] =	vst v36;
	v40 =	vmul.f32 $8.000000000e+00, v53  }
0xd8: {  	v49 =	vor.u32 v7, v23;
	[tilespmem:s24+$0x60] =	vst v38;
	v16 =	vmul.f32 $8.000000000e+00, v16;
	v13 =	vld.idx.msk [tilespmem:v59+s13+$0x0], $0xffff;
	v48 =	vadd.f32 v43, v29  }
0xd9: {  	v46 =	vor.u32 v7, v24;
	[tilespmem:s28+$0x20] =	vst v41;
	v45 =	vmul.f32 $8.000000000e+00, v33;
	v47 =	vld.idx.msk [tilespmem:v63+s13+$0x0], $0xffff;
	v44 =	vadd.f32 v40, v31  }
0xda: {  	v26 =	vmul.f32 $8.000000000e+00, v26;
	v15 =	vld.idx.msk [tilespmem:v37+s13+$0x0], $0xffff;
	v16 =	vadd.f32 v16, v30;
	[tilespmem:s22+$0x60] =	vst v48  }
0xdb: {  	v11 =	vmul.f32 $8.000000000e+00, v11;
	v50 =	vadd.f32 v45, v28;
	[tilespmem:s18+$0x60] =	vst v44;
	v12 =	vld.idx.msk [tilespmem:v42+s13+$0x0], $0xffff  }
0xdc: {  	v58 =	vadd.f32 v26, v10;
	v51 =	vmul.f32 $8.000000000e+00, v21;
	[tilespmem:s30+$0x20] =	vst v16;
	v26 =	vld.idx.msk [tilespmem:v32+s13+$0x0], $0xffff  }
0xdd: {  	v52 =	vadd.f32 v11, v9;
	[tilespmem:s26+$0x60] =	vst v50;
	v16 =	vld.idx.msk [tilespmem:v49+s13+$0x0], $0xffff;
	v53 =	vmul.f32 $8.000000000e+00, v13  }
0xde: {  	[tilespmem:s1+$0x70] =	vst v58;
	v54 =	vld.idx.msk [tilespmem:v46+s13+$0x0], $0xffff;
	v8 =	vadd.f32 v51, v18;
	v10 =	vmul.f32 $8.000000000e+00, v47  }
0xdf: {  	[tilespmem:s8+$0x30] =	vst v52;
	v56 =	vmul.f32 $8.000000000e+00, v15;
	v55 =	vadd.f32 v53, v14  }
0xe0: {  	[tilespmem:s0+$0x70] =	vst v8;
	v8 =	vadd.f32 v10, v20;
	v59 =	vmul.f32 $8.000000000e+00, v12  }
0xe1: {  	v58 =	vadd.f32 v56, v22;
	[tilespmem:s21+$0x70] =	vst v55;
	v57 =	vmul.f32 $8.000000000e+00, v26  }
0xe2: {  	[tilespmem:s24+$0x70] =	vst v8;
	v62 =	vmul.f32 $8.000000000e+00, v16;
	v61 =	vadd.f32 v59, v29  }
0xe3: {  	[tilespmem:s28+$0x30] =	vst v58;
	v60 =	vmul.f32 $8.000000000e+00, v54;
	v8 =	vadd.f32 v57, v31  }
0xe4: {  	p1 =	sne.s32 s15, $0x31;
	s29 =	sshll.u32 s15, $0x14;
	v63 =	vadd.f32 v62, v30;
	[tilespmem:s22+$0x70] =	vst v61  }
.Ltmp1:
0xe5: {  	s0 =	sor.u32 s7, s29;
	[tilespmem:s18+$0x70] =	vst v8;
	v8 =	vadd.f32 v60, v28;
	(pc) =	sbr.rel @p1 .LBB2_6-.Ltmp1, $4  }
0xe6: {  	s0 =	sshrl.u32 s0, $0x3;
	[tilespmem:s30+$0x30] =	vst v63  }
0xe7: {  	s31 =	simm.s32 $0x8000;
	s2 =	simm.s32 $0x11600;
	s0 =	sadd.s32 s19, s0;
	[tilespmem:s26+$0x70] =	vst v8  }
0xe8: {  	[hbm4b:s0+s20] =	stream.strided.scatter [tilespmem:s2], [sflag:$0x5], $0x2000, s31, s20, $0x38;
	[tilespmem:$0x19600] =	vst v63  }
0xe9: {  	s20 =	simm.s32 $0x8000  }
.Ltmp2:
0xea: {  	(pc) =	sbr.rel .LBB2_7-.Ltmp2, $4  }
0xeb: {  	s0 =	simm.s32 $0x2  }
0xec: {  	_ =	swait.ge [sflag:s0], $0x2000  }
0xed: {  	[sflag:s0] =	ssyncset.done $0x0  }
0xee: {  	[sflag:s0] =	ssyncadd.s32 $0xFFFFE000  }
.LBB2_6:
0xef: {  	s0 =	sshll.u32 s15, $0x9  }
0xf0: {  	s1 =	simm.s32 $0x80;
	s0 =	sand.u32 $0x3FFFFE00, s0  }
.Ltmp3:
0xf1: {  	s31 =	simm.s32 $0x2;
	s0 =	sadd.s32 $0x200, s0;
	(pc) =	sbr.rel @p0 .LBB2_8-.Ltmp3, $4  }
0xf2: {  	[tilespmem:s13], [sflag:$0x1] =	stream.indirect.gather [hbm4b:s4+s1], $0x40, s0, s1, $0xb8;
	[tilespmem:$0x19600] =	vst v63  }
0xf3: {  	_ =	swait.ge [sflag:s31], $0x2000  }
0xf4: {  	[sflag:s31] =	ssyncset.done $0x0  }
0xf5: {  	[sflag:s31] =	ssyncadd.s32 $0xFFFFE000  }
.LBB2_7:
0xf6: {  	s0 =	simm.s32 $0x6  }
0xf7: {  	_ =	swait.ge [sflag:s0], $0x2000  }
0xf8: {  	[sflag:s0] =	ssyncset.done $0x0  }
0xf9: {  	[sflag:s0] =	ssyncadd.s32 $0xFFFFE000  }
.LBB2_8:
0xfa: {  	s0 =	simm.s32 $0x3  }
0xfb: {  	v8 =	vmov s0  }
0xfc: {  	v8 =	vand.u32 $0x3F, v8  }
0xfd: {  	s23 =	simm.s32 $0x0;
	v14 =	vbroadcast v8, $0x0  }
0xfe: {  	s24 =	simm.s32 $0x1;
	v8 =	vmov s23  }
0xff: {  	s1 =	sadd.s32 $0x0, s10;
	v10 =	vmov s24;
	v8 =	vand.u32 $0x3C, v8;
	v11 =	vor.u32 v0, v14  }
0x100: {  	s25 =	simm.s32 $0x2;
	s26 =	sadd.s32 $0x43, s1;
	v9 =	vbroadcast v8, $0x0;
	v8 =	vand.u32 $0x3D, v10  }
0x101: {  	v12 =	vmov s25;
	s29 =	sadd.s32 $0x41, s1;
	v21 =	vbroadcast v8, $0x0;
	v8 =	vmov s26  }
0x102: {  	s3 =	sadd.s32 $0x40, s1;
	v15 =	vmov s29;
	v10 =	vand.u32 $0x3E, v12  }
0x103: {  	s2 =	sadd.s32 $0x42, s1;
	v17 =	vmov s3;
	v13 =	vbroadcast v10, $0x0;
	v10 =	vor.u32 v0, v9  }
0x104: {  	v18 =	vmov s2;
	v15 =	vand.u32 $0xFFFFFFFD, v15;
	v12 =	vor.u32 v0, v21;
	v11 =	vld.idx.msk [tilespmem:v11+s14+$0x0], $0xffff  }
0x105: {  	v19 =	vand.u32 $0xFFFFFFFE, v18;
	v15 =	vbroadcast v15, $0x0;
	v16 =	vor.u32 v0, v13  }
0x106: {  	v17 =	vand.u32 $0xFFFFFFFC, v17;
	v19 =	vbroadcast v19, $0x0;
	v18 =	vld.idx.msk [tilespmem:v8+s12+$0x0], $0xffff  }
0x107: {  	v17 =	vbroadcast v17, $0x0  }
0x108: {  	v20 =	vld.idx.msk [tilespmem:v10+s14+$0x0], $0xffff  }
0x109: {  	s3 =	simm.s32 $0x0;
	v22 =	vor.u32 v1, v14;
	v12 =	vld.idx.msk [tilespmem:v12+s14+$0x0], $0xffff;
	v8 =	vmul.f32 $8.000000000e+00, v11  }
0x10a: {  	s8 =	simm.s32 $0x180;
	s0 =	sand.u32 $0x1C00, s3;
	v16 =	vld.idx.msk [tilespmem:v16+s14+$0x0], $0xffff  }
0x10b: {  	s1 =	sand.u32 $0x380, s8;
	s0 =	sadd.s32 $0x13600, s0;
	v11 =	vld.idx.msk [tilespmem:v15+s12+$0x0], $0xffff;
	v15 =	vadd.f32 v8, v18  }
0x10c: {  	s11 =	sadd.s32 s1, s0;
	v10 =	vld.idx.msk [tilespmem:v19+s12+$0x0], $0xffff  }
0x10d: {  	v8 =	vld.idx.msk [tilespmem:v17+s12+$0x0], $0xffff;
	[tilespmem:s11+$0x0] =	vst v15  }
0x10e: {  	v12 =	vmul.f32 $8.000000000e+00, v12;
	v15 =	vor.u32 v1, v21;
	v17 =	vld.idx.msk [tilespmem:v22+s14+$0x0], $0xffff  }
0x10f: {  	s9 =	simm.s32 $0x80  }
0x110: {  	s1 =	sand.u32 $0x280, s9;
	v19 =	vor.u32 v1, v13;
	v16 =	vmul.f32 $8.000000000e+00, v16;
	v12 =	vadd.f32 v12, v11  }
0x111: {  	s18 =	simm.s32 $0x100;
	s1 =	sadd.s32 s1, s0;
	v20 =	vmul.f32 $8.000000000e+00, v20;
	v22 =	vor.u32 v1, v9  }
0x112: {  	s3 =	sand.u32 $0x300, s18;
	v16 =	vadd.f32 v16, v10;
	[tilespmem:s1+$0x0] =	vst v12  }
0x113: {  	s8 =	sadd.s32 s3, s0;
	v12 =	vadd.f32 v20, v8;
	v20 =	vor.u32 v2, v14;
	v15 =	vld.idx.msk [tilespmem:v15+s14+$0x0], $0xffff;
	v17 =	vmul.f32 $8.000000000e+00, v17  }
0x114: {  	s3 =	simm.s32 $0x13670;
	[tilespmem:s8+$0x0] =	vst v16  }
0x115: {  	[tilespmem:s3+$0xFFFFFF90] =	vst v12;
	v12 =	vld.idx.msk [tilespmem:v19+s14+$0x0], $0xffff;
	v16 =	vadd.f32 v17, v18  }
0x116: {  	v17 =	vld.idx.msk [tilespmem:v22+s14+$0x0], $0xffff  }
0x117: {  	[tilespmem:s11+$0x10] =	vst v16  }
0x118: {  	v15 =	vmul.f32 $8.000000000e+00, v15;
	v16 =	vor.u32 v2, v21;
	v19 =	vld.idx.msk [tilespmem:v20+s14+$0x0], $0xffff;
	_ =	sdelay $0x1  }
0x119: {  	v12 =	vmul.f32 $8.000000000e+00, v12;
	v20 =	vor.u32 v2, v13;
	v15 =	vadd.f32 v15, v11  }
0x11a: {  	s21 =	simm.s32 $0x4;
	v17 =	vmul.f32 $8.000000000e+00, v17  }
0x11b: {  	v23 =	vmov s21;
	v22 =	vor.u32 v2, v9;
	v12 =	vadd.f32 v12, v10;
	[tilespmem:s1+$0x10] =	vst v15  }
0x11c: {  	s22 =	simm.s32 $0x5;
	v15 =	vadd.f32 v17, v8;
	v17 =	vld.idx.msk [tilespmem:v16+s14+$0x0], $0xffff;
	v16 =	vmul.f32 $8.000000000e+00, v19;
	v19 =	vand.u32 $0x3C, v23  }
0x11d: {  	s23 =	simm.s32 $0x7;
	v24 =	vor.u32 v3, v14;
	s9 =	simm.s32 $0x6;
	[tilespmem:s8+$0x10] =	vst v12;
	v23 =	vmov s22;
	v12 =	vbroadcast v19, $0x0  }
0x11e: {  	[tilespmem:s3+$0xFFFFFFA0] =	vst v15;
	v15 =	vld.idx.msk [tilespmem:v20+s14+$0x0], $0xffff;
	v19 =	vmov s23;
	v20 =	vmov s9;
	v16 =	vadd.f32 v16, v18  }
0x11f: {  	v23 =	vand.u32 $0x3D, v23;
	v19 =	vand.u32 $0x3F, v19;
	v20 =	vand.u32 $0x3E, v20  }
0x120: {  	v25 =	vor.u32 v0, v12;
	v20 =	vbroadcast v20, $0x0;
	[tilespmem:s11+$0x20] =	vst v16;
	v16 =	vbroadcast v19, $0x0  }
0x121: {  	s24 =	sadd.s32 $0x4, s10;
	v22 =	vld.idx.msk [tilespmem:v22+s14+$0x0], $0xffff;
	v19 =	vbroadcast v23, $0x0;
	v23 =	vor.u32 v3, v21;
	v17 =	vmul.f32 $8.000000000e+00, v17  }
0x122: {  	s25 =	sadd.s32 $0x43, s24;
	v24 =	vld.idx.msk [tilespmem:v24+s14+$0x0], $0xffff;
	v31 =	vor.u32 v0, v20  }
0x123: {  	s18 =	sadd.s32 $0x40, s24;
	v30 =	vmov s25;
	v27 =	vor.u32 v0, v16;
	v17 =	vadd.f32 v17, v11  }
0x124: {  	v32 =	vmov s18;
	s0 =	sadd.s32 $0x42, s24;
	v28 =	vor.u32 v3, v13;
	v15 =	vmul.f32 $8.000000000e+00, v15  }
0x125: {  	v33 =	vor.u32 v4, v14;
	s26 =	sadd.s32 $0x41, s24;
	v26 =	vor.u32 v3, v9;
	v34 =	vmov s0;
	v25 =	vld.idx.msk [tilespmem:v25+s14+$0x0], $0xffff;
	[tilespmem:s1+$0x20] =	vst v17  }
0x126: {  	v22 =	vmul.f32 $8.000000000e+00, v22;
	v15 =	vadd.f32 v15, v10;
	v17 =	vmov s26;
	v23 =	vld.idx.msk [tilespmem:v23+s14+$0x0], $0xffff  }
0x127: {  	v29 =	vor.u32 v0, v19;
	v17 =	vand.u32 $0xFFFFFFFD, v17;
	v24 =	vmul.f32 $8.000000000e+00, v24;
	v31 =	vld.idx.msk [tilespmem:v31+s14+$0x0], $0xffff  }
0x128: {  	v22 =	vadd.f32 v22, v8;
	[tilespmem:s8+$0x20] =	vst v15;
	v15 =	vand.u32 $0xFFFFFFFE, v34;
	v17 =	vbroadcast v17, $0x0;
	v27 =	vld.idx.msk [tilespmem:v27+s14+$0x0], $0xffff  }
0x129: {  	v32 =	vand.u32 $0xFFFFFFFC, v32;
	v28 =	vld.idx.msk [tilespmem:v28+s14+$0x0], $0xffff;
	v34 =	vbroadcast v15, $0x0;
	v24 =	vadd.f32 v24, v18  }
0x12a: {  	v15 =	vld.idx.msk [tilespmem:v30+s12+$0x0], $0xffff;
	[tilespmem:s3+$0xFFFFFFB0] =	vst v22;
	v22 =	vbroadcast v32, $0x0  }
0x12b: {  	v26 =	vld.idx.msk [tilespmem:v26+s14+$0x0], $0xffff;
	[tilespmem:s11+$0x30] =	vst v24  }
0x12c: {  	v48 =	vor.u32 v4, v21;
	v23 =	vmul.f32 $8.000000000e+00, v23;
	v30 =	vld.idx.msk [tilespmem:v33+s14+$0x0], $0xffff  }
0x12d: {  	s29 =	simm.s32 $0x200;
	v35 =	vor.u32 v1, v16;
	v29 =	vld.idx.msk [tilespmem:v29+s14+$0x0], $0xffff;
	v27 =	vmul.f32 $8.000000000e+00, v27  }
0x12e: {  	s30 =	simm.s32 $0x8;
	s0 =	sand.u32 $0x1C00, s29;
	v37 =	vor.u32 v4, v13;
	s26 =	simm.s32 $0x380;
	v17 =	vld.idx.msk [tilespmem:v17+s12+$0x0], $0xffff;
	v36 =	vadd.f32 v23, v11;
	v28 =	vmul.f32 $8.000000000e+00, v28  }
0x12f: {  	v49 =	vmov s30;
	v38 =	vor.u32 v4, v9;
	s2 =	sadd.s32 $0x13600, s0;
	s24 =	sand.u32 $0x380, s26;
	v24 =	vld.idx.msk [tilespmem:v34+s12+$0x0], $0xffff;
	v27 =	vadd.f32 v27, v15  }
0x130: {  	v59 =	vor.u32 v5, v13;
	s23 =	simm.s32 $0xA;
	s0 =	sadd.s32 s24, s2;
	v26 =	vmul.f32 $8.000000000e+00, v26;
	v23 =	vld.idx.msk [tilespmem:v22+s12+$0x0], $0xffff;
	[tilespmem:s1+$0x30] =	vst v36;
	v22 =	vadd.f32 v28, v10  }
0x131: {  	v55 =	vmov s23;
	v28 =	vmul.f32 $8.000000000e+00, v30;
	v30 =	vor.u32 v5, v14;
	[tilespmem:s0+$0x0] =	vst v27;
	v27 =	vld.idx.msk [tilespmem:v48+s14+$0x0], $0xffff  }
0x132: {  	v50 =	vor.u32 v1, v19;
	v29 =	vmul.f32 $8.000000000e+00, v29;
	v26 =	vadd.f32 v26, v8;
	[tilespmem:s8+$0x30] =	vst v22;
	v35 =	vld.idx.msk [tilespmem:v35+s14+$0x0], $0xffff  }
0x133: {  	s25 =	simm.s32 $0x280;
	v51 =	vor.u32 v1, v20;
	v22 =	vmul.f32 $8.000000000e+00, v31;
	v31 =	vld.idx.msk [tilespmem:v37+s14+$0x0], $0xffff;
	v28 =	vadd.f32 v28, v18  }
0x134: {  	s21 =	simm.s32 $0x300;
	s18 =	sand.u32 $0x280, s25;
	v52 =	vor.u32 v1, v12;
	v25 =	vmul.f32 $8.000000000e+00, v25;
	v29 =	vadd.f32 v29, v17;
	[tilespmem:s3+$0xFFFFFFC0] =	vst v26  }
0x135: {  	s22 =	sand.u32 $0x300, s21;
	s21 =	sadd.s32 s18, s2;
	v57 =	vor.u32 v2, v16;
	v26 =	vand.u32 $0x3C, v49;
	v53 =	vadd.f32 v22, v24;
	v54 =	vld.idx.msk [tilespmem:v38+s14+$0x0], $0xffff;
	[tilespmem:s11+$0x40] =	vst v28  }
0x136: {  	s29 =	simm.s32 $0x9;
	s24 =	sadd.s32 s22, s2;
	v25 =	vadd.f32 v25, v23;
	[tilespmem:s21+$0x0] =	vst v29;
	v29 =	vld.idx.msk [tilespmem:v30+s14+$0x0], $0xffff;
	v27 =	vmul.f32 $8.000000000e+00, v27;
	v30 =	vor.u32 v5, v21  }
0x137: {  	s23 =	simm.s32 $0x13870;
	v22 =	vbroadcast v26, $0x0;
	v28 =	vmov s29;
	v26 =	vld.idx.msk [tilespmem:v50+s14+$0x0], $0xffff;
	[tilespmem:s24+$0x0] =	vst v53;
	v56 =	vmul.f32 $8.000000000e+00, v35  }
0x138: {  	[tilespmem:s23+$0xFFFFFF90] =	vst v25;
	v28 =	vand.u32 $0x3D, v28;
	v32 =	vld.idx.msk [tilespmem:v51+s14+$0x0], $0xffff;
	v31 =	vmul.f32 $8.000000000e+00, v31;
	v27 =	vadd.f32 v27, v11  }
0x139: {  	v61 =	vor.u32 v5, v9;
	v58 =	vld.idx.msk [tilespmem:v52+s14+$0x0], $0xffff;
	v25 =	vbroadcast v28, $0x0;
	v28 =	vadd.f32 v56, v15  }
0x13a: {  	v42 =	vor.u32 v2, v12;
	v60 =	vmul.f32 $8.000000000e+00, v54;
	[tilespmem:s1+$0x40] =	vst v27;
	v27 =	vadd.f32 v31, v10  }
0x13b: {  	v62 =	vor.u32 v2, v20;
	[tilespmem:s0+$0x10] =	vst v28;
	v28 =	vld.idx.msk [tilespmem:v30+s14+$0x0], $0xffff;
	v29 =	vmul.f32 $8.000000000e+00, v29;
	v30 =	vor.u32 v6, v14  }
0x13c: {  	v26 =	vmul.f32 $8.000000000e+00, v26;
	v31 =	vor.u32 v2, v19;
	v33 =	vadd.f32 v60, v8;
	v34 =	vld.idx.msk [tilespmem:v57+s14+$0x0], $0xffff;
	[tilespmem:s8+$0x40] =	vst v27  }
0x13d: {  	v36 =	vor.u32 v6, v21;
	v27 =	vmul.f32 $8.000000000e+00, v32;
	v39 =	vld.idx.msk [tilespmem:v59+s14+$0x0], $0xffff;
	v29 =	vadd.f32 v29, v18  }
0x13e: {  	v38 =	vand.u32 $0x3E, v55;
	v35 =	vmul.f32 $8.000000000e+00, v58;
	v63 =	vadd.f32 v26, v17;
	[tilespmem:s3+$0xFFFFFFD0] =	vst v33  }
0x13f: {  	v26 =	vbroadcast v38, $0x0;
	v33 =	vor.u32 v3, v12;
	v37 =	vld.idx.msk [tilespmem:v61+s14+$0x0], $0xffff;
	v41 =	vadd.f32 v27, v24;
	[tilespmem:s11+$0x50] =	vst v29  }
0x140: {  	v38 =	vor.u32 v3, v19;
	[tilespmem:s21+$0x10] =	vst v63;
	v29 =	vadd.f32 v35, v23;
	v35 =	vld.idx.msk [tilespmem:v30+s14+$0x0], $0xffff;
	v28 =	vmul.f32 $8.000000000e+00, v28  }
0x141: {  	v27 =	vor.u32 v6, v9;
	v40 =	vld.idx.msk [tilespmem:v31+s14+$0x0], $0xffff;
	[tilespmem:s24+$0x10] =	vst v41;
	v41 =	vor.u32 v3, v16;
	v45 =	vmul.f32 $8.000000000e+00, v34  }
0x142: {  	s28 =	sor.u32 $0x1, s6;
	[tilespmem:s23+$0xFFFFFFA0] =	vst v29;
	v43 =	vld.idx.msk [tilespmem:v62+s14+$0x0], $0xffff;
	v34 =	vor.u32 v6, v13;
	v44 =	vadd.f32 v28, v11;
	v39 =	vmul.f32 $8.000000000e+00, v39  }
0x143: {  	s31 =	simm.s32 $0x13870;
	s18 =	simm.s32 $0xB;
	s9 =	simm.s32 $0xC;
	v31 =	vor.u32 v0, v22;
	v30 =	vor.u32 v0, v25;
	v42 =	vld.idx.msk [tilespmem:v42+s14+$0x0], $0xffff;
	v45 =	vadd.f32 v45, v15  }
.LBB2_9:
0x144: {  	p2 =	slt.u32 s9, $0x3C;
	v32 =	vmov s18;
	v37 =	vmul.f32 $8.000000000e+00, v37;
	[tilespmem:s1+$0x50] =	vst v44;
	v39 =	vadd.f32 v39, v10;
	v28 =	vmovc v23;
	v29 =	vmovc v24  }
0x145: {  	v23 =	vand.u32 $0x3F, v32;
	[tilespmem:s0+$0x20] =	vst v45;
	v24 =	vld.idx.msk [tilespmem:v36+s14+$0x0], $0xffff;
	v32 =	vmul.f32 $8.000000000e+00, v35;
	v35 =	vor.u32 v7, v14;
	v14 =	vmovc v16  }
0x146: {  	v16 =	vbroadcast v23, $0x0;
	v23 =	vmul.f32 $8.000000000e+00, v40;
	v36 =	vld.idx.msk [tilespmem:v41+s14+$0x0], $0xffff;
	v37 =	vadd.f32 v37, v8;
	[tilespmem:s8+$0x50] =	vst v39  }
0x147: {  	v39 =	vmul.f32 $8.000000000e+00, v43;
	v40 =	vor.u32 v3, v20;
	v34 =	vld.idx.msk [tilespmem:v34+s14+$0x0], $0xffff;
	v32 =	vadd.f32 v32, v18  }
0x148: {  	s18 =	sadd.s32 s30, s10;
	s30 =	smov.u32 s9;
	v42 =	vmul.f32 $8.000000000e+00, v42;
	v31 =	vld.idx.msk [tilespmem:v31+s14+$0x0], $0xffff;
	v41 =	vor.u32 v0, v16;
	v23 =	vadd.f32 v23, v17;
	[tilespmem:s3+$0xFFFFFFE0] =	vst v37  }
0x149: {  	s22 =	sadd.s32 $0x40, s18;
	s25 =	sadd.s32 $0x41, s18;
	s29 =	sadd.s32 $0x43, s18;
	v37 =	vor.u32 v0, v26;
	v39 =	vadd.f32 v39, v29;
	v27 =	vld.idx.msk [tilespmem:v27+s14+$0x0], $0xffff;
	[tilespmem:s11+$0x60] =	vst v32  }
0x14a: {  	s18 =	sadd.s32 $0x42, s18;
	v43 =	vmov s25;
	v44 =	vmov s29;
	v32 =	vmov s22;
	v35 =	vld.idx.msk [tilespmem:v35+s14+$0x0], $0xffff  }
0x14b: {  	v45 =	vmov s18;
	v43 =	vand.u32 $0xFFFFFFFD, v43;
	v32 =	vand.u32 $0xFFFFFFFC, v32;
	v30 =	vld.idx.msk [tilespmem:v30+s14+$0x0], $0xffff;
	[tilespmem:s21+$0x20] =	vst v23  }
0x14c: {  	v23 =	vand.u32 $0xFFFFFFFE, v45;
	v36 =	vmul.f32 $8.000000000e+00, v36;
	v38 =	vld.idx.msk [tilespmem:v38+s14+$0x0], $0xffff;
	[tilespmem:s24+$0x20] =	vst v39;
	v39 =	vor.u32 v4, v14  }
0x14d: {  	v43 =	vbroadcast v43, $0x0;
	v42 =	vadd.f32 v42, v28;
	v32 =	vbroadcast v32, $0x0;
	v41 =	vld.idx.msk [tilespmem:v41+s14+$0x0], $0xffff  }
0x14e: {  	v24 =	vmul.f32 $8.000000000e+00, v24;
	v45 =	vbroadcast v23, $0x0;
	v23 =	vadd.f32 v36, v15;
	v40 =	vld.idx.msk [tilespmem:v40+s14+$0x0], $0xffff  }
0x14f: {  	v34 =	vmul.f32 $8.000000000e+00, v34;
	v27 =	vmul.f32 $8.000000000e+00, v27;
	v36 =	vld.idx.msk [tilespmem:v44+s12+$0x0], $0xffff;
	[tilespmem:s23+$0xFFFFFFB0] =	vst v42  }
0x150: {  	v42 =	vmov s9;
	v33 =	vld.idx.msk [tilespmem:v33+s14+$0x0], $0xffff;
	[tilespmem:s0+$0x30] =	vst v23;
	v23 =	vadd.f32 v24, v11;
	v24 =	vmul.f32 $8.000000000e+00, v35  }
0x151: {  	v21 =	vor.u32 v7, v21;
	v34 =	vadd.f32 v34, v10;
	v27 =	vadd.f32 v27, v8;
	v35 =	vld.idx.msk [tilespmem:v39+s14+$0x0], $0xffff  }
0x152: {  	s26 =	sadd.s32 $0x200, s26;
	v38 =	vmul.f32 $8.000000000e+00, v38;
	v39 =	vor.u32 v4, v19;
	v37 =	vld.idx.msk [tilespmem:v37+s14+$0x0], $0xffff;
	[tilespmem:s1+$0x60] =	vst v23;
	v18 =	vadd.f32 v24, v18  }
0x153: {  	s18 =	sadd.s32 $0xFFFFFE80, s26;
	s25 =	sadd.s32 $0xFFFFFF80, s26;
	s22 =	sadd.s32 $0xFFFFFF00, s26;
	v44 =	vor.u32 v4, v12;
	v23 =	vld.idx.msk [tilespmem:v32+s12+$0x0], $0xffff;
	v32 =	vmul.f32 $8.000000000e+00, v41;
	v41 =	vor.u32 v1, v16;
	[tilespmem:s8+$0x60] =	vst v34  }
0x154: {  	s18 =	sand.u32 $0x1C00, s18;
	s25 =	sand.u32 $0x300, s25;
	s22 =	sand.u32 $0x280, s22;
	v38 =	vadd.f32 v38, v17;
	v40 =	vmul.f32 $8.000000000e+00, v40;
	v34 =	vld.idx.msk [tilespmem:v43+s12+$0x0], $0xffff;
	v43 =	vor.u32 v4, v20;
	[tilespmem:s11+$0x70] =	vst v18  }
0x155: {  	v13 =	vor.u32 v7, v13;
	s2 =	sand.u32 $0x380, s26;
	s29 =	sadd.s32 $0x13600, s18;
	v42 =	vand.u32 $0x3C, v42;
	s11 =	smov.u32 s0;
	v24 =	vld.idx.msk [tilespmem:v45+s12+$0x0], $0xffff;
	v45 =	vadd.f32 v32, v36;
	[tilespmem:s3+$0xFFFFFFF0] =	vst v27  }
0x156: {  	s18 =	sadd.s32 s25, s29;
	s22 =	sadd.s32 s22, s29;
	s0 =	sadd.s32 s2, s29;
	v27 =	vor.u32 v1, v25;
	v32 =	vmul.f32 $8.000000000e+00, v33;
	v33 =	vadd.f32 v40, v29;
	[tilespmem:s21+$0x30] =	vst v38;
	v38 =	vld.idx.msk [tilespmem:v21+s14+$0x0], $0xffff  }
0x157: {  	v46 =	vmul.f32 $8.000000000e+00, v31;
	v35 =	vmul.f32 $8.000000000e+00, v35;
	v18 =	vmovc v15;
	[tilespmem:s0+$0x0] =	vst v45;
	v31 =	vld.idx.msk [tilespmem:v39+s14+$0x0], $0xffff;
	v39 =	vor.u32 v5, v14  }
0x158: {  	v30 =	vmul.f32 $8.000000000e+00, v30;
	v40 =	vor.u32 v1, v26;
	v32 =	vadd.f32 v32, v28;
	v41 =	vld.idx.msk [tilespmem:v41+s14+$0x0], $0xffff;
	[tilespmem:s24+$0x30] =	vst v33  }
0x159: {  	s2 =	sadd.s32 $0x1, s9;
	v15 =	vmovc v36;
	v37 =	vmul.f32 $8.000000000e+00, v37;
	v33 =	vadd.f32 v46, v23;
	v35 =	vadd.f32 v35, v18;
	v43 =	vld.idx.msk [tilespmem:v43+s14+$0x0], $0xffff  }
0x15a: {  	v36 =	vmov s2;
	s2 =	sadd.s32 $0x2, s9;
	v21 =	vmovc v19;
	v45 =	vor.u32 v1, v22;
	v30 =	vadd.f32 v30, v34;
	[tilespmem:s23+$0xFFFFFFC0] =	vst v32;
	v32 =	vld.idx.msk [tilespmem:v13+s14+$0x0], $0xffff  }
0x15b: {  	v46 =	vmov s2;
	v37 =	vadd.f32 v37, v24;
	v44 =	vld.idx.msk [tilespmem:v44+s14+$0x0], $0xffff;
	[tilespmem:s11+$0x40] =	vst v35;
	v35 =	vor.u32 v7, v9;
	v9 =	vmovc v12  }
0x15c: {  	v19 =	vmovc v25;
	v36 =	vand.u32 $0x3D, v36;
	v38 =	vmul.f32 $8.000000000e+00, v38;
	v12 =	vmovc v22;
	v22 =	vbroadcast v42, $0x0;
	[tilespmem:s22+$0x0] =	vst v30;
	v30 =	vld.idx.msk [tilespmem:v39+s14+$0x0], $0xffff  }
0x15d: {  	s23 =	sadd.s32 $0x200, s23;
	v13 =	vmovc v20;
	v39 =	vand.u32 $0x3E, v46;
	v25 =	vmul.f32 $8.000000000e+00, v31;
	v31 =	vor.u32 v5, v21;
	v27 =	vld.idx.msk [tilespmem:v27+s14+$0x0], $0xffff;
	[tilespmem:s18+$0x0] =	vst v37  }
0x15e: {  	v46 =	vmul.f32 $8.000000000e+00, v41;
	v37 =	vor.u32 v2, v16;
	v38 =	vadd.f32 v38, v11;
	[tilespmem:s23+$0xFFFFFF90] =	vst v33;
	v33 =	vld.idx.msk [tilespmem:v40+s14+$0x0], $0xffff  }
0x15f: {  	v11 =	vmovc v17;
	v41 =	vadd.f32 v25, v17;
	v42 =	vmul.f32 $8.000000000e+00, v43;
	v43 =	vor.u32 v5, v13;
	v40 =	vld.idx.msk [tilespmem:v45+s14+$0x0], $0xffff  }
0x160: {  	v25 =	vbroadcast v36, $0x0;
	v17 =	vmovc v34;
	v36 =	vadd.f32 v46, v15;
	v32 =	vmul.f32 $8.000000000e+00, v32;
	v35 =	vld.idx.msk [tilespmem:v35+s14+$0x0], $0xffff;
	[tilespmem:s1+$0x70] =	vst v38;
	s1 =	smov.u32 s21;
	s21 =	smov.u32 s22  }
0x161: {  	v20 =	vmovc v26;
	v34 =	vmul.f32 $8.000000000e+00, v44;
	v38 =	vor.u32 v5, v9;
	[tilespmem:s1+$0x40] =	vst v41;
	v41 =	vadd.f32 v42, v29  }
0x162: {  	v26 =	vmul.f32 $8.000000000e+00, v30;
	v30 =	vor.u32 v6, v14;
	v46 =	vadd.f32 v32, v10;
	[tilespmem:s0+$0x10] =	vst v36;
	v31 =	vld.idx.msk [tilespmem:v31+s14+$0x0], $0xffff  }
0x163: {  	v32 =	vor.u32 v2, v19;
	v27 =	vmul.f32 $8.000000000e+00, v27;
	v34 =	vadd.f32 v34, v28;
	v42 =	vld.idx.msk [tilespmem:v37+s14+$0x0], $0xffff;
	[tilespmem:s24+$0x40] =	vst v41  }
0x164: {  	v33 =	vmul.f32 $8.000000000e+00, v33;
	v41 =	vor.u32 v2, v20;
	v26 =	vadd.f32 v26, v18;
	v45 =	vld.idx.msk [tilespmem:v43+s14+$0x0], $0xffff;
	[tilespmem:s8+$0x70] =	vst v46;
	s8 =	smov.u32 s24;
	s24 =	smov.u32 s18  }
0x165: {  	v44 =	vor.u32 v2, v12;
	v10 =	vmovc v29;
	v36 =	vmul.f32 $8.000000000e+00, v40;
	v40 =	vadd.f32 v27, v17;
	[tilespmem:s31+$0xFFFFFFD0] =	vst v34  }
0x166: {  	v27 =	vor.u32 v6, v9;
	v29 =	vadd.f32 v33, v24;
	v34 =	vmul.f32 $8.000000000e+00, v35;
	v37 =	vld.idx.msk [tilespmem:v38+s14+$0x0], $0xffff;
	[tilespmem:s11+$0x50] =	vst v26  }
.Ltmp4:
0x167: {  	v33 =	vor.u32 v3, v12;
	v26 =	vbroadcast v39, $0x0;
	v38 =	vadd.f32 v36, v23;
	[tilespmem:s21+$0x10] =	vst v40;
	v35 =	vld.idx.msk [tilespmem:v30+s14+$0x0], $0xffff;
	(pc) =	sbr.rel @p2 .LBB2_9-.Ltmp4, $4  }
0x168: {  	v36 =	vor.u32 v6, v21;
	v46 =	vadd.f32 v34, v8;
	v40 =	vld.idx.msk [tilespmem:v32+s14+$0x0], $0xffff;
	[tilespmem:s24+$0x10] =	vst v29;
	v29 =	vmul.f32 $8.000000000e+00, v31  }
0x169: {  	v31 =	vor.u32 v0, v22;
	v32 =	vmul.f32 $8.000000000e+00, v42;
	[tilespmem:s23+$0xFFFFFFA0] =	vst v38;
	v43 =	vld.idx.msk [tilespmem:v41+s14+$0x0], $0xffff;
	v41 =	vor.u32 v3, v16  }
0x16a: {  	v34 =	vor.u32 v6, v13;
	v39 =	vmul.f32 $8.000000000e+00, v45;
	v42 =	vld.idx.msk [tilespmem:v44+s14+$0x0], $0xffff;
	v44 =	vadd.f32 v29, v11;
	[tilespmem:s3+$0x0] =	vst v46;
	s3 =	smov.u32 s31;
	s31 =	smov.u32 s23  }
0x16b: {  	s9 =	sadd.s32 $0x4, s9;
	s18 =	sadd.s32 $0x3, s30;
	v30 =	vor.u32 v0, v25;
	v8 =	vmovc v28;
	v38 =	vor.u32 v3, v19;
	v45 =	vadd.f32 v32, v15  }
0x16c: {  	v28 =	vmov s18  }
0x16d: {  	v28 =	vand.u32 $0x3F, v28  }
0x16e: {  	s2 =	sadd.s32 s30, s10;
	v32 =	vbroadcast v28, $0x0  }
0x16f: {  	s9 =	sadd.s32 $0x41, s2  }
0x170: {  	v29 =	vor.u32 v0, v26;
	s29 =	sadd.s32 $0x43, s2;
	s30 =	sadd.s32 $0x42, s2;
	v46 =	vmov s9;
	v28 =	vor.u32 v0, v32  }
0x171: {  	s2 =	sadd.s32 $0x40, s2;
	v47 =	vmov s29;
	v48 =	vmov s30;
	v46 =	vand.u32 $0xFFFFFFFD, v46  }
0x172: {  	v49 =	vmov s2;
	v48 =	vand.u32 $0xFFFFFFFE, v48;
	v46 =	vbroadcast v46, $0x0  }
0x173: {  	v50 =	vld.idx.msk [tilespmem:v31+s14+$0x0], $0xffff;
	v58 =	vand.u32 $0xFFFFFFFC, v49;
	v48 =	vbroadcast v48, $0x0  }
0x174: {  	v59 =	vld.idx.msk [tilespmem:v30+s14+$0x0], $0xffff;
	v51 =	vbroadcast v58, $0x0  }
0x175: {  	v52 =	vld.idx.msk [tilespmem:v28+s14+$0x0], $0xffff  }
0x176: {  	v60 =	vld.idx.msk [tilespmem:v29+s14+$0x0], $0xffff  }
0x177: {  	v31 =	vld.idx.msk [tilespmem:v47+s12+$0x0], $0xffff  }
0x178: {  	v30 =	vld.idx.msk [tilespmem:v46+s12+$0x0], $0xffff  }
0x179: {  	s18 =	sadd.s32 $0x200, s26;
	v29 =	vld.idx.msk [tilespmem:v48+s12+$0x0], $0xffff  }
0x17a: {  	s25 =	sadd.s32 $0xFFFFFE80, s18;
	v62 =	vor.u32 v1, v32;
	v28 =	vld.idx.msk [tilespmem:v51+s12+$0x0], $0xffff;
	v61 =	vmul.f32 $8.000000000e+00, v52  }
0x17b: {  	v63 =	vor.u32 v1, v25;
	s9 =	sand.u32 $0x1C00, s25;
	v49 =	vmul.f32 $8.000000000e+00, v59  }
0x17c: {  	v56 =	vor.u32 v1, v26;
	s26 =	sadd.s32 $0xFFFFFF00, s18;
	s22 =	sand.u32 $0x380, s18;
	s9 =	sadd.s32 $0x13600, s9;
	v47 =	vmul.f32 $8.000000000e+00, v60;
	v46 =	vadd.f32 v61, v31  }
0x17d: {  	v53 =	vor.u32 v1, v22;
	s2 =	sadd.s32 $0xFFFFFF80, s18;
	s18 =	sand.u32 $0x280, s26;
	s29 =	sadd.s32 s22, s9;
	v50 =	vmul.f32 $8.000000000e+00, v50;
	v49 =	vadd.f32 v49, v30  }
0x17e: {  	s2 =	sand.u32 $0x300, s2;
	s22 =	sadd.s32 s18, s9;
	v57 =	vadd.f32 v47, v29;
	[tilespmem:s29+$0x0] =	vst v46  }
0x17f: {  	s9 =	sadd.s32 s2, s9;
	v59 =	vadd.f32 v50, v28;
	[tilespmem:s22+$0x0] =	vst v49;
	v58 =	vld.idx.msk [tilespmem:v62+s14+$0x0], $0xffff  }
0x180: {  	s25 =	sadd.s32 $0x200, s23;
	[tilespmem:s9+$0x0] =	vst v57;
	v49 =	vld.idx.msk [tilespmem:v63+s14+$0x0], $0xffff  }
0x181: {  	[tilespmem:s25+$0xFFFFFF90] =	vst v59;
	v46 =	vld.idx.msk [tilespmem:v56+s14+$0x0], $0xffff  }
0x182: {  	v48 =	vld.idx.msk [tilespmem:v53+s14+$0x0], $0xffff;
	_ =	sdelay $0x1  }
0x183: {  	v60 =	vor.u32 v2, v32;
	v47 =	vmul.f32 $8.000000000e+00, v58  }
0x184: {  	v61 =	vor.u32 v2, v25;
	v49 =	vmul.f32 $8.000000000e+00, v49  }
0x185: {  	v62 =	vor.u32 v2, v26;
	v46 =	vmul.f32 $8.000000000e+00, v46;
	v47 =	vadd.f32 v47, v31  }
0x186: {  	v63 =	vor.u32 v2, v22;
	v48 =	vmul.f32 $8.000000000e+00, v48;
	v49 =	vadd.f32 v49, v30  }
0x187: {  	v46 =	vadd.f32 v46, v29;
	[tilespmem:s29+$0x10] =	vst v47  }
0x188: {  	v48 =	vadd.f32 v48, v28;
	[tilespmem:s22+$0x10] =	vst v49;
	v47 =	vld.idx.msk [tilespmem:v60+s14+$0x0], $0xffff  }
0x189: {  	v40 =	vmul.f32 $8.000000000e+00, v40;
	[tilespmem:s9+$0x10] =	vst v46;
	v55 =	vld.idx.msk [tilespmem:v61+s14+$0x0], $0xffff  }
0x18a: {  	[tilespmem:s25+$0xFFFFFFA0] =	vst v48;
	v56 =	vld.idx.msk [tilespmem:v62+s14+$0x0], $0xffff  }
0x18b: {  	v43 =	vmul.f32 $8.000000000e+00, v43;
	v40 =	vadd.f32 v40, v17;
	v57 =	vor.u32 v3, v20;
	v58 =	vld.idx.msk [tilespmem:v63+s14+$0x0], $0xffff  }
0x18c: {  	[tilespmem:s1+$0x50] =	vst v44;
	v42 =	vmul.f32 $8.000000000e+00, v42  }
0x18d: {  	v43 =	vadd.f32 v43, v24;
	[tilespmem:s21+$0x20] =	vst v40;
	v60 =	vor.u32 v3, v32;
	v59 =	vmul.f32 $8.000000000e+00, v47  }
0x18e: {  	[tilespmem:s0+$0x20] =	vst v45;
	v38 =	vld.idx.msk [tilespmem:v38+s14+$0x0], $0xffff;
	v61 =	vadd.f32 v42, v23;
	v62 =	vor.u32 v3, v25;
	v46 =	vmul.f32 $8.000000000e+00, v55  }
0x18f: {  	v41 =	vld.idx.msk [tilespmem:v41+s14+$0x0], $0xffff;
	[tilespmem:s24+$0x20] =	vst v43;
	v53 =	vor.u32 v3, v26;
	v52 =	vmul.f32 $8.000000000e+00, v56;
	v63 =	vadd.f32 v59, v31  }
0x190: {  	v54 =	vld.idx.msk [tilespmem:v57+s14+$0x0], $0xffff;
	[tilespmem:s23+$0xFFFFFFB0] =	vst v61;
	v55 =	vor.u32 v3, v22;
	v56 =	vmul.f32 $8.000000000e+00, v58;
	v46 =	vadd.f32 v46, v30  }
0x191: {  	v33 =	vld.idx.msk [tilespmem:v33+s14+$0x0], $0xffff;
	v57 =	vadd.f32 v52, v29;
	[tilespmem:s29+$0x20] =	vst v63  }
0x192: {  	v37 =	vmul.f32 $8.000000000e+00, v37;
	v59 =	vadd.f32 v56, v28;
	[tilespmem:s22+$0x20] =	vst v46;
	v58 =	vld.idx.msk [tilespmem:v60+s14+$0x0], $0xffff  }
0x193: {  	v39 =	vadd.f32 v39, v10;
	v38 =	vmul.f32 $8.000000000e+00, v38;
	v61 =	vor.u32 v4, v19;
	[tilespmem:s9+$0x20] =	vst v57;
	v42 =	vld.idx.msk [tilespmem:v62+s14+$0x0], $0xffff  }
0x194: {  	v37 =	vadd.f32 v37, v8;
	v41 =	vmul.f32 $8.000000000e+00, v41;
	[tilespmem:s25+$0xFFFFFFB0] =	vst v59;
	v62 =	vld.idx.msk [tilespmem:v53+s14+$0x0], $0xffff;
	v60 =	vor.u32 v4, v16  }
0x195: {  	[tilespmem:s8+$0x50] =	vst v39;
	v38 =	vadd.f32 v38, v17;
	v48 =	vmul.f32 $8.000000000e+00, v54;
	v49 =	vor.u32 v4, v20;
	v40 =	vld.idx.msk [tilespmem:v55+s14+$0x0], $0xffff  }
0x196: {  	v36 =	vld.idx.msk [tilespmem:v36+s14+$0x0], $0xffff;
	[tilespmem:s3+$0xFFFFFFE0] =	vst v37;
	v50 =	vor.u32 v4, v12;
	v33 =	vmul.f32 $8.000000000e+00, v33;
	v63 =	vadd.f32 v41, v15  }
0x197: {  	v34 =	vld.idx.msk [tilespmem:v34+s14+$0x0], $0xffff;
	[tilespmem:s21+$0x30] =	vst v38;
	v51 =	vadd.f32 v48, v24;
	v53 =	vor.u32 v4, v32;
	v52 =	vmul.f32 $8.000000000e+00, v58  }
0x198: {  	v45 =	vld.idx.msk [tilespmem:v61+s14+$0x0], $0xffff;
	v33 =	vadd.f32 v33, v23;
	v55 =	vor.u32 v4, v25;
	[tilespmem:s0+$0x30] =	vst v63;
	v54 =	vmul.f32 $8.000000000e+00, v42  }
0x199: {  	[tilespmem:s24+$0x30] =	vst v51;
	v57 =	vmul.f32 $8.000000000e+00, v62;
	v43 =	vld.idx.msk [tilespmem:v60+s14+$0x0], $0xffff;
	v58 =	vor.u32 v4, v26;
	v56 =	vadd.f32 v52, v31  }
0x19a: {  	v47 =	vld.idx.msk [tilespmem:v49+s14+$0x0], $0xffff;
	v59 =	vor.u32 v4, v22;
	[tilespmem:s23+$0xFFFFFFC0] =	vst v33;
	v40 =	vmul.f32 $8.000000000e+00, v40;
	v38 =	vadd.f32 v54, v30  }
0x19b: {  	v35 =	vmul.f32 $8.000000000e+00, v35;
	v14 =	vor.u32 v7, v14;
	v37 =	vld.idx.msk [tilespmem:v50+s14+$0x0], $0xffff;
	v60 =	vadd.f32 v57, v29;
	[tilespmem:s29+$0x30] =	vst v56  }
0x19c: {  	v21 =	vor.u32 v7, v21;
	v36 =	vmul.f32 $8.000000000e+00, v36;
	v40 =	vadd.f32 v40, v28;
	[tilespmem:s22+$0x30] =	vst v38;
	v61 =	vld.idx.msk [tilespmem:v53+s14+$0x0], $0xffff  }
0x19d: {  	v35 =	vadd.f32 v35, v18;
	v49 =	vor.u32 v5, v19;
	v48 =	vmul.f32 $8.000000000e+00, v45;
	[tilespmem:s9+$0x30] =	vst v60;
	v42 =	vld.idx.msk [tilespmem:v55+s14+$0x0], $0xffff  }
0x19e: {  	v36 =	vadd.f32 v36, v11;
	v63 =	vor.u32 v5, v16;
	[tilespmem:s25+$0xFFFFFFC0] =	vst v40;
	v62 =	vmul.f32 $8.000000000e+00, v43;
	v50 =	vld.idx.msk [tilespmem:v58+s14+$0x0], $0xffff  }
0x19f: {  	[tilespmem:s11+$0x60] =	vst v35;
	v54 =	vadd.f32 v48, v17;
	v52 =	vmul.f32 $8.000000000e+00, v47;
	v53 =	vor.u32 v5, v20;
	v33 =	vld.idx.msk [tilespmem:v59+s14+$0x0], $0xffff  }
0x1a0: {  	v27 =	vld.idx.msk [tilespmem:v27+s14+$0x0], $0xffff;
	[tilespmem:s1+$0x60] =	vst v36;
	v37 =	vmul.f32 $8.000000000e+00, v37;
	v55 =	vor.u32 v5, v12;
	v51 =	vadd.f32 v62, v15  }
0x1a1: {  	v14 =	vld.idx.msk [tilespmem:v14+s14+$0x0], $0xffff;
	v57 =	vor.u32 v5, v32;
	[tilespmem:s21+$0x40] =	vst v54;
	v56 =	vadd.f32 v52, v24;
	v38 =	vmul.f32 $8.000000000e+00, v61  }
0x1a2: {  	v60 =	vor.u32 v5, v25;
	v40 =	vld.idx.msk [tilespmem:v49+s14+$0x0], $0xffff;
	v58 =	vadd.f32 v37, v23;
	[tilespmem:s0+$0x40] =	vst v51;
	v59 =	vmul.f32 $8.000000000e+00, v42  }
0x1a3: {  	[tilespmem:s24+$0x40] =	vst v56;
	v39 =	vld.idx.msk [tilespmem:v63+s14+$0x0], $0xffff;
	v62 =	vmul.f32 $8.000000000e+00, v50;
	v63 =	vor.u32 v5, v26;
	v61 =	vadd.f32 v38, v31  }
0x1a4: {  	v48 =	vor.u32 v5, v22;
	[tilespmem:s31+$0xFFFFFFD0] =	vst v58;
	v45 =	vld.idx.msk [tilespmem:v53+s14+$0x0], $0xffff;
	v33 =	vmul.f32 $8.000000000e+00, v33;
	v47 =	vadd.f32 v59, v30  }
0x1a5: {  	v9 =	vor.u32 v7, v9;
	v27 =	vmul.f32 $8.000000000e+00, v27;
	v43 =	vld.idx.msk [tilespmem:v55+s14+$0x0], $0xffff;
	v49 =	vadd.f32 v62, v29;
	[tilespmem:s29+$0x40] =	vst v61  }
0x1a6: {  	v34 =	vmul.f32 $8.000000000e+00, v34;
	v14 =	vmul.f32 $8.000000000e+00, v14;
	v33 =	vadd.f32 v33, v28;
	[tilespmem:s22+$0x40] =	vst v47;
	v50 =	vld.idx.msk [tilespmem:v57+s14+$0x0], $0xffff  }
0x1a7: {  	v27 =	vadd.f32 v27, v8;
	v54 =	vmul.f32 $8.000000000e+00, v40;
	v55 =	vor.u32 v6, v19;
	v53 =	vld.idx.msk [tilespmem:v60+s14+$0x0], $0xffff;
	[tilespmem:s9+$0x40] =	vst v49  }
0x1a8: {  	v14 =	vadd.f32 v14, v18;
	v52 =	vor.u32 v6, v16;
	[tilespmem:s25+$0xFFFFFFD0] =	vst v33;
	v51 =	vmul.f32 $8.000000000e+00, v39;
	v56 =	vld.idx.msk [tilespmem:v63+s14+$0x0], $0xffff  }
0x1a9: {  	[tilespmem:s3+$0xFFFFFFF0] =	vst v27;
	v59 =	vor.u32 v6, v20;
	v18 =	vadd.f32 v54, v17;
	v58 =	vmul.f32 $8.000000000e+00, v45;
	v37 =	vld.idx.msk [tilespmem:v48+s14+$0x0], $0xffff  }
0x1aa: {  	[tilespmem:s11+$0x70] =	vst v14;
	v9 =	vld.idx.msk [tilespmem:v9+s14+$0x0], $0xffff;
	v60 =	vor.u32 v6, v12;
	v61 =	vmul.f32 $8.000000000e+00, v43;
	v57 =	vadd.f32 v51, v15  }
0x1ab: {  	v21 =	vld.idx.msk [tilespmem:v21+s14+$0x0], $0xffff;
	[tilespmem:s21+$0x50] =	vst v18;
	v45 =	vor.u32 v6, v32;
	v62 =	vadd.f32 v58, v24;
	v63 =	vmul.f32 $8.000000000e+00, v50  }
0x1ac: {  	v47 =	vor.u32 v6, v25;
	v35 =	vld.idx.msk [tilespmem:v55+s14+$0x0], $0xffff;
	v46 =	vadd.f32 v61, v23;
	[tilespmem:s0+$0x50] =	vst v57;
	v41 =	vmul.f32 $8.000000000e+00, v53  }
0x1ad: {  	[tilespmem:s24+$0x50] =	vst v62;
	v39 =	vld.idx.msk [tilespmem:v52+s14+$0x0], $0xffff;
	v49 =	vmul.f32 $8.000000000e+00, v56;
	v50 =	vor.u32 v6, v26;
	v48 =	vadd.f32 v63, v31  }
0x1ae: {  	v51 =	vor.u32 v6, v22;
	[tilespmem:s31+$0xFFFFFFE0] =	vst v46;
	v36 =	vld.idx.msk [tilespmem:v59+s14+$0x0], $0xffff;
	v37 =	vmul.f32 $8.000000000e+00, v37;
	v41 =	vadd.f32 v41, v30  }
0x1af: {  	v13 =	vor.u32 v7, v13;
	v9 =	vmul.f32 $8.000000000e+00, v9;
	v14 =	vld.idx.msk [tilespmem:v60+s14+$0x0], $0xffff;
	v52 =	vadd.f32 v49, v29;
	[tilespmem:s29+$0x50] =	vst v48  }
0x1b0: {  	v34 =	vadd.f32 v34, v10;
	v21 =	vmul.f32 $8.000000000e+00, v21;
	v37 =	vadd.f32 v37, v28;
	[tilespmem:s22+$0x50] =	vst v41;
	v53 =	vld.idx.msk [tilespmem:v45+s14+$0x0], $0xffff  }
0x1b1: {  	v8 =	vadd.f32 v9, v8;
	v58 =	vmul.f32 $8.000000000e+00, v35;
	v59 =	vor.u32 v7, v19;
	v56 =	vld.idx.msk [tilespmem:v47+s14+$0x0], $0xffff;
	[tilespmem:s9+$0x50] =	vst v52  }
0x1b2: {  	v42 =	vor.u32 v7, v25;
	v55 =	vor.u32 v7, v16;
	[tilespmem:s25+$0xFFFFFFE0] =	vst v37;
	v54 =	vmul.f32 $8.000000000e+00, v39;
	v33 =	vld.idx.msk [tilespmem:v50+s14+$0x0], $0xffff  }
0x1b3: {  	[tilespmem:s8+$0x60] =	vst v34;
	v62 =	vor.u32 v7, v20;
	v61 =	vmul.f32 $8.000000000e+00, v36;
	v18 =	vld.idx.msk [tilespmem:v51+s14+$0x0], $0xffff;
	v36 =	vadd.f32 v58, v17  }
0x1b4: {  	[tilespmem:s3+$0x0] =	vst v8;
	v63 =	vmul.f32 $8.000000000e+00, v14;
	v37 =	vor.u32 v7, v12;
	v60 =	vadd.f32 v54, v15  }
0x1b5: {  	v13 =	vld.idx.msk [tilespmem:v13+s14+$0x0], $0xffff;
	v32 =	vor.u32 v7, v32;
	v38 =	vadd.f32 v61, v24;
	[tilespmem:s21+$0x60] =	vst v36;
	v40 =	vmul.f32 $8.000000000e+00, v53  }
0x1b6: {  	v57 =	vadd.f32 v21, v11;
	v11 =	vadd.f32 v63, v23;
	v19 =	vld.idx.msk [tilespmem:v59+s14+$0x0], $0xffff;
	[tilespmem:s0+$0x60] =	vst v60;
	v41 =	vmul.f32 $8.000000000e+00, v56  }
0x1b7: {  	v45 =	vor.u32 v7, v26;
	[tilespmem:s24+$0x60] =	vst v38;
	v16 =	vld.idx.msk [tilespmem:v55+s14+$0x0], $0xffff;
	v44 =	vmul.f32 $8.000000000e+00, v33;
	v43 =	vadd.f32 v40, v31  }
0x1b8: {  	v47 =	vor.u32 v7, v22;
	[tilespmem:s31+$0xFFFFFFF0] =	vst v11;
	v46 =	vld.idx.msk [tilespmem:v62+s14+$0x0], $0xffff;
	v18 =	vmul.f32 $8.000000000e+00, v18;
	v14 =	vadd.f32 v41, v30  }
0x1b9: {  	v12 =	vld.idx.msk [tilespmem:v37+s14+$0x0], $0xffff;
	v48 =	vadd.f32 v44, v29;
	[tilespmem:s29+$0x60] =	vst v43  }
0x1ba: {  	v13 =	vmul.f32 $8.000000000e+00, v13;
	v18 =	vadd.f32 v18, v28;
	[tilespmem:s22+$0x60] =	vst v14;
	v49 =	vld.idx.msk [tilespmem:v32+s14+$0x0], $0xffff  }
0x1bb: {  	v52 =	vmul.f32 $8.000000000e+00, v19;
	[tilespmem:s9+$0x60] =	vst v48;
	v14 =	vld.idx.msk [tilespmem:v42+s14+$0x0], $0xffff  }
0x1bc: {  	v50 =	vadd.f32 v13, v10;
	[tilespmem:s25+$0xFFFFFFF0] =	vst v18;
	v51 =	vmul.f32 $8.000000000e+00, v16;
	v53 =	vld.idx.msk [tilespmem:v45+s14+$0x0], $0xffff  }
0x1bd: {  	[tilespmem:s1+$0x70] =	vst v57;
	v11 =	vmul.f32 $8.000000000e+00, v46;
	v55 =	vld.idx.msk [tilespmem:v47+s14+$0x0], $0xffff;
	v8 =	vadd.f32 v52, v17  }
0x1be: {  	[tilespmem:s8+$0x70] =	vst v50;
	v56 =	vmul.f32 $8.000000000e+00, v12;
	v54 =	vadd.f32 v51, v15  }
0x1bf: {  	v57 =	vadd.f32 v11, v24;
	[tilespmem:s21+$0x70] =	vst v8;
	v58 =	vmul.f32 $8.000000000e+00, v49  }
0x1c0: {  	v8 =	vadd.f32 v56, v23;
	[tilespmem:s0+$0x70] =	vst v54;
	v59 =	vmul.f32 $8.000000000e+00, v14  }
0x1c1: {  	[tilespmem:s24+$0x70] =	vst v57;
	v61 =	vmul.f32 $8.000000000e+00, v53;
	v60 =	vadd.f32 v58, v31  }
0x1c2: {  	[tilespmem:s31+$0x0] =	vst v8;
	v62 =	vmul.f32 $8.000000000e+00, v55;
	v8 =	vadd.f32 v59, v30  }
.Ltmp5:
0x1c3: {  	v63 =	vadd.f32 v61, v29;
	[tilespmem:s29+$0x70] =	vst v60;
	s29 =	sshll.u32 s28, $0x12;
	(pc) =	sbr.rel @p1 .LBB2_12-.Ltmp5, $4  }
0x1c4: {  	[tilespmem:s22+$0x70] =	vst v8;
	v8 =	vadd.f32 v62, v28;
	s0 =	sor.u32 s7, s29  }
0x1c5: {  	s30 =	simm.s32 $0x13600;
	[tilespmem:s9+$0x70] =	vst v63;
	s0 =	sshrl.u32 s0, $0x3  }
0x1c6: {  	s31 =	smov.u32 s19;
	[tilespmem:s25+$0x0] =	vst v8;
	s0 =	sadd.s32 s19, s0;
	s19 =	simm.s32 $0x400  }
0x1c7: {  	[hbm4b:s0+s19] =	stream.strided.scatter [tilespmem:s30], [sflag:$0x6], $0x2000, s20, s19, $0x38;
	[tilespmem:$0x19600] =	vst v63  }
.Ltmp6:
0x1c8: {  	(pc) =	sbr.rel .LBB2_13-.Ltmp6, $4  }
0x1c9: {  	s0 =	simm.s32 $0x3  }
0x1ca: {  	_ =	swait.ge [sflag:s0], $0x2000  }
0x1cb: {  	[sflag:s0] =	ssyncset.done $0x0  }
0x1cc: {  	[sflag:s0] =	ssyncadd.s32 $0xFFFFE000  }
.LBB2_12:
0x1cd: {  	s0 =	sshll.u32 s15, $0x9  }
0x1ce: {  	s1 =	simm.s32 $0x80;
	s0 =	sand.u32 $0x3FFFFE00, s0  }
.Ltmp7:
0x1cf: {  	s30 =	simm.s32 $0x3;
	s0 =	sadd.s32 $0x280, s0;
	(pc) =	sbr.rel @p0 .LBB2_14-.Ltmp7, $4  }
0x1d0: {  	[tilespmem:s14], [sflag:$0x2] =	stream.indirect.gather [hbm4b:s4+s1], $0x40, s0, s1, $0xb8;
	[tilespmem:$0x19600] =	vst v63  }
0x1d1: {  	_ =	swait.ge [sflag:s30], $0x2000  }
0x1d2: {  	[sflag:s30] =	ssyncset.done $0x0  }
0x1d3: {  	[sflag:s30] =	ssyncadd.s32 $0xFFFFE000  }
.LBB2_13:
0x1d4: {  	s0 =	simm.s32 $0x7  }
0x1d5: {  	_ =	swait.ge [sflag:s0], $0x2000  }
0x1d6: {  	[sflag:s0] =	ssyncset.done $0x0  }
0x1d7: {  	[sflag:s0] =	ssyncadd.s32 $0xFFFFE000  }
.LBB2_14:
0x1d8: {  	s0 =	simm.s32 $0x3  }
0x1d9: {  	v8 =	vmov s0  }
0x1da: {  	v8 =	vand.u32 $0x3F, v8  }
0x1db: {  	s29 =	simm.s32 $0x0;
	v14 =	vbroadcast v8, $0x0  }
0x1dc: {  	s1 =	simm.s32 $0x1;
	v8 =	vmov s29  }
0x1dd: {  	v10 =	vmov s1;
	s1 =	sadd.s32 $0x0, s10;
	v8 =	vand.u32 $0x3C, v8;
	v11 =	vor.u32 v0, v14  }
0x1de: {  	s2 =	simm.s32 $0x2;
	s3 =	sadd.s32 $0x83, s1;
	v9 =	vbroadcast v8, $0x0;
	v8 =	vand.u32 $0x3D, v10  }
0x1df: {  	v12 =	vmov s2;
	s8 =	sadd.s32 $0x81, s1;
	v21 =	vbroadcast v8, $0x0;
	v8 =	vmov s3  }
0x1e0: {  	s2 =	sadd.s32 $0x80, s1;
	v15 =	vmov s8;
	v10 =	vand.u32 $0x3E, v12  }
0x1e1: {  	s9 =	sadd.s32 $0x82, s1;
	v17 =	vmov s2;
	v13 =	vbroadcast v10, $0x0;
	v10 =	vor.u32 v0, v9  }
0x1e2: {  	v18 =	vmov s9;
	v15 =	vand.u32 $0xFFFFFFFD, v15;
	v12 =	vor.u32 v0, v21;
	v11 =	vld.idx.msk [tilespmem:v11+s16+$0x0], $0xffff  }
0x1e3: {  	v19 =	vand.u32 $0xFFFFFFFE, v18;
	v15 =	vbroadcast v15, $0x0;
	v16 =	vor.u32 v0, v13  }
0x1e4: {  	v17 =	vand.u32 $0xFFFFFFFC, v17;
	v19 =	vbroadcast v19, $0x0;
	v18 =	vld.idx.msk [tilespmem:v8+s12+$0x0], $0xffff  }
0x1e5: {  	v17 =	vbroadcast v17, $0x0  }
0x1e6: {  	v20 =	vld.idx.msk [tilespmem:v10+s16+$0x0], $0xffff  }
0x1e7: {  	s11 =	simm.s32 $0x0;
	v22 =	vor.u32 v1, v14;
	v12 =	vld.idx.msk [tilespmem:v12+s16+$0x0], $0xffff;
	v8 =	vmul.f32 $8.000000000e+00, v11  }
0x1e8: {  	s18 =	simm.s32 $0x180;
	s0 =	sand.u32 $0x1C00, s11;
	v16 =	vld.idx.msk [tilespmem:v16+s16+$0x0], $0xffff  }
0x1e9: {  	s0 =	sadd.s32 $0x15600, s0;
	s1 =	sand.u32 $0x380, s18;
	v11 =	vld.idx.msk [tilespmem:v15+s12+$0x0], $0xffff;
	v15 =	vadd.f32 v8, v18  }
0x1ea: {  	s11 =	sadd.s32 s1, s0;
	v10 =	vld.idx.msk [tilespmem:v19+s12+$0x0], $0xffff  }
0x1eb: {  	v8 =	vld.idx.msk [tilespmem:v17+s12+$0x0], $0xffff;
	[tilespmem:s11+$0x0] =	vst v15  }
0x1ec: {  	v12 =	vmul.f32 $8.000000000e+00, v12;
	v15 =	vor.u32 v1, v21;
	v17 =	vld.idx.msk [tilespmem:v22+s16+$0x0], $0xffff  }
0x1ed: {  	s21 =	simm.s32 $0x80  }
0x1ee: {  	s1 =	sand.u32 $0x280, s21;
	v19 =	vor.u32 v1, v13;
	v16 =	vmul.f32 $8.000000000e+00, v16;
	v12 =	vadd.f32 v12, v11  }
0x1ef: {  	s22 =	simm.s32 $0x100;
	s1 =	sadd.s32 s1, s0;
	v20 =	vmul.f32 $8.000000000e+00, v20;
	v22 =	vor.u32 v1, v9  }
0x1f0: {  	s2 =	sand.u32 $0x300, s22;
	v16 =	vadd.f32 v16, v10;
	[tilespmem:s1+$0x0] =	vst v12  }
0x1f1: {  	s8 =	sadd.s32 s2, s0;
	v12 =	vadd.f32 v20, v8;
	v20 =	vor.u32 v2, v14;
	v15 =	vld.idx.msk [tilespmem:v15+s16+$0x0], $0xffff;
	v17 =	vmul.f32 $8.000000000e+00, v17  }
0x1f2: {  	s3 =	simm.s32 $0x15670;
	[tilespmem:s8+$0x0] =	vst v16  }
0x1f3: {  	[tilespmem:s3+$0xFFFFFF90] =	vst v12;
	v12 =	vld.idx.msk [tilespmem:v19+s16+$0x0], $0xffff;
	v16 =	vadd.f32 v17, v18  }
0x1f4: {  	v17 =	vld.idx.msk [tilespmem:v22+s16+$0x0], $0xffff  }
0x1f5: {  	[tilespmem:s11+$0x10] =	vst v16  }
0x1f6: {  	v15 =	vmul.f32 $8.000000000e+00, v15;
	v16 =	vor.u32 v2, v21;
	v19 =	vld.idx.msk [tilespmem:v20+s16+$0x0], $0xffff;
	_ =	sdelay $0x1  }
0x1f7: {  	v12 =	vmul.f32 $8.000000000e+00, v12;
	v20 =	vor.u32 v2, v13;
	v15 =	vadd.f32 v15, v11  }
0x1f8: {  	s23 =	simm.s32 $0x4;
	v17 =	vmul.f32 $8.000000000e+00, v17  }
0x1f9: {  	v23 =	vmov s23;
	v22 =	vor.u32 v2, v9;
	v12 =	vadd.f32 v12, v10;
	[tilespmem:s1+$0x10] =	vst v15  }
0x1fa: {  	s24 =	simm.s32 $0x5;
	v15 =	vadd.f32 v17, v8;
	v17 =	vld.idx.msk [tilespmem:v16+s16+$0x0], $0xffff;
	v16 =	vmul.f32 $8.000000000e+00, v19;
	v19 =	vand.u32 $0x3C, v23  }
0x1fb: {  	s25 =	simm.s32 $0x7;
	s26 =	simm.s32 $0x6;
	v24 =	vor.u32 v3, v14;
	[tilespmem:s8+$0x10] =	vst v12;
	v23 =	vmov s24;
	v12 =	vbroadcast v19, $0x0  }
0x1fc: {  	[tilespmem:s3+$0xFFFFFFA0] =	vst v15;
	v15 =	vld.idx.msk [tilespmem:v20+s16+$0x0], $0xffff;
	v19 =	vmov s25;
	v20 =	vmov s26;
	v16 =	vadd.f32 v16, v18  }
0x1fd: {  	v23 =	vand.u32 $0x3D, v23;
	v19 =	vand.u32 $0x3F, v19;
	v20 =	vand.u32 $0x3E, v20  }
0x1fe: {  	v25 =	vor.u32 v0, v12;
	v20 =	vbroadcast v20, $0x0;
	[tilespmem:s11+$0x20] =	vst v16;
	v16 =	vbroadcast v19, $0x0  }
0x1ff: {  	s29 =	sadd.s32 $0x4, s10;
	v22 =	vld.idx.msk [tilespmem:v22+s16+$0x0], $0xffff;
	v19 =	vbroadcast v23, $0x0;
	v23 =	vor.u32 v3, v21;
	v17 =	vmul.f32 $8.000000000e+00, v17  }
0x200: {  	s18 =	sadd.s32 $0x83, s29;
	v24 =	vld.idx.msk [tilespmem:v24+s16+$0x0], $0xffff;
	v31 =	vor.u32 v0, v20  }
0x201: {  	s9 =	sadd.s32 $0x80, s29;
	v30 =	vmov s18;
	v27 =	vor.u32 v0, v16;
	v17 =	vadd.f32 v17, v11  }
0x202: {  	s0 =	sadd.s32 $0x82, s29;
	v32 =	vmov s9;
	v28 =	vor.u32 v3, v13;
	v15 =	vmul.f32 $8.000000000e+00, v15  }
0x203: {  	s21 =	sadd.s32 $0x81, s29;
	v33 =	vor.u32 v4, v14;
	v34 =	vmov s0;
	v26 =	vor.u32 v3, v9;
	v25 =	vld.idx.msk [tilespmem:v25+s16+$0x0], $0xffff;
	[tilespmem:s1+$0x20] =	vst v17  }
0x204: {  	v22 =	vmul.f32 $8.000000000e+00, v22;
	v15 =	vadd.f32 v15, v10;
	v17 =	vmov s21;
	v23 =	vld.idx.msk [tilespmem:v23+s16+$0x0], $0xffff  }
0x205: {  	v29 =	vor.u32 v0, v19;
	v17 =	vand.u32 $0xFFFFFFFD, v17;
	v24 =	vmul.f32 $8.000000000e+00, v24;
	v31 =	vld.idx.msk [tilespmem:v31+s16+$0x0], $0xffff  }
0x206: {  	v22 =	vadd.f32 v22, v8;
	[tilespmem:s8+$0x20] =	vst v15;
	v15 =	vand.u32 $0xFFFFFFFE, v34;
	v17 =	vbroadcast v17, $0x0;
	v27 =	vld.idx.msk [tilespmem:v27+s16+$0x0], $0xffff  }
0x207: {  	v32 =	vand.u32 $0xFFFFFFFC, v32;
	v28 =	vld.idx.msk [tilespmem:v28+s16+$0x0], $0xffff;
	v34 =	vbroadcast v15, $0x0;
	v24 =	vadd.f32 v24, v18  }
0x208: {  	v15 =	vld.idx.msk [tilespmem:v30+s12+$0x0], $0xffff;
	[tilespmem:s3+$0xFFFFFFB0] =	vst v22;
	v22 =	vbroadcast v32, $0x0  }
0x209: {  	v26 =	vld.idx.msk [tilespmem:v26+s16+$0x0], $0xffff;
	[tilespmem:s11+$0x30] =	vst v24  }
0x20a: {  	v48 =	vor.u32 v4, v21;
	v23 =	vmul.f32 $8.000000000e+00, v23;
	v30 =	vld.idx.msk [tilespmem:v33+s16+$0x0], $0xffff  }
0x20b: {  	s30 =	simm.s32 $0x8;
	s22 =	simm.s32 $0x200;
	v35 =	vor.u32 v1, v16;
	v29 =	vld.idx.msk [tilespmem:v29+s16+$0x0], $0xffff;
	v27 =	vmul.f32 $8.000000000e+00, v27  }
0x20c: {  	s0 =	sand.u32 $0x1C00, s22;
	s22 =	simm.s32 $0xA;
	v37 =	vor.u32 v4, v13;
	s26 =	simm.s32 $0x380;
	v17 =	vld.idx.msk [tilespmem:v17+s12+$0x0], $0xffff;
	v36 =	vadd.f32 v23, v11;
	v28 =	vmul.f32 $8.000000000e+00, v28  }
0x20d: {  	v49 =	vmov s30;
	s23 =	sadd.s32 $0x15600, s0;
	v55 =	vmov s22;
	s24 =	sand.u32 $0x380, s26;
	v24 =	vld.idx.msk [tilespmem:v34+s12+$0x0], $0xffff;
	v27 =	vadd.f32 v27, v15  }
0x20e: {  	v38 =	vor.u32 v4, v9;
	s0 =	sadd.s32 s24, s23;
	v26 =	vmul.f32 $8.000000000e+00, v26;
	v23 =	vld.idx.msk [tilespmem:v22+s12+$0x0], $0xffff;
	[tilespmem:s1+$0x30] =	vst v36;
	v22 =	vadd.f32 v28, v10  }
0x20f: {  	v59 =	vor.u32 v5, v13;
	v28 =	vmul.f32 $8.000000000e+00, v30;
	v30 =	vor.u32 v5, v14;
	[tilespmem:s0+$0x0] =	vst v27;
	v27 =	vld.idx.msk [tilespmem:v48+s16+$0x0], $0xffff  }
0x210: {  	v50 =	vor.u32 v1, v19;
	v29 =	vmul.f32 $8.000000000e+00, v29;
	v26 =	vadd.f32 v26, v8;
	[tilespmem:s8+$0x30] =	vst v22;
	v35 =	vld.idx.msk [tilespmem:v35+s16+$0x0], $0xffff  }
0x211: {  	s25 =	simm.s32 $0x280;
	v51 =	vor.u32 v1, v20;
	v22 =	vmul.f32 $8.000000000e+00, v31;
	v31 =	vld.idx.msk [tilespmem:v37+s16+$0x0], $0xffff;
	v28 =	vadd.f32 v28, v18  }
0x212: {  	s18 =	simm.s32 $0x300;
	s9 =	sand.u32 $0x280, s25;
	v52 =	vor.u32 v1, v12;
	v25 =	vmul.f32 $8.000000000e+00, v25;
	v29 =	vadd.f32 v29, v17;
	[tilespmem:s3+$0xFFFFFFC0] =	vst v26  }
0x213: {  	s18 =	sand.u32 $0x300, s18;
	v57 =	vor.u32 v2, v16;
	s21 =	sadd.s32 s9, s23;
	v26 =	vand.u32 $0x3C, v49;
	v53 =	vadd.f32 v22, v24;
	v54 =	vld.idx.msk [tilespmem:v38+s16+$0x0], $0xffff;
	[tilespmem:s11+$0x40] =	vst v28  }
0x214: {  	s29 =	simm.s32 $0x9;
	s24 =	sadd.s32 s18, s23;
	v25 =	vadd.f32 v25, v23;
	[tilespmem:s21+$0x0] =	vst v29;
	v29 =	vld.idx.msk [tilespmem:v30+s16+$0x0], $0xffff;
	v27 =	vmul.f32 $8.000000000e+00, v27;
	v30 =	vor.u32 v5, v21  }
0x215: {  	s23 =	simm.s32 $0x15870;
	v22 =	vbroadcast v26, $0x0;
	v28 =	vmov s29;
	v26 =	vld.idx.msk [tilespmem:v50+s16+$0x0], $0xffff;
	[tilespmem:s24+$0x0] =	vst v53;
	v56 =	vmul.f32 $8.000000000e+00, v35  }
0x216: {  	[tilespmem:s23+$0xFFFFFF90] =	vst v25;
	v28 =	vand.u32 $0x3D, v28;
	v32 =	vld.idx.msk [tilespmem:v51+s16+$0x0], $0xffff;
	v31 =	vmul.f32 $8.000000000e+00, v31;
	v27 =	vadd.f32 v27, v11  }
0x217: {  	v61 =	vor.u32 v5, v9;
	v58 =	vld.idx.msk [tilespmem:v52+s16+$0x0], $0xffff;
	v25 =	vbroadcast v28, $0x0;
	v28 =	vadd.f32 v56, v15  }
0x218: {  	v42 =	vor.u32 v2, v12;
	v60 =	vmul.f32 $8.000000000e+00, v54;
	[tilespmem:s1+$0x40] =	vst v27;
	v27 =	vadd.f32 v31, v10  }
0x219: {  	v62 =	vor.u32 v2, v20;
	[tilespmem:s0+$0x10] =	vst v28;
	v28 =	vld.idx.msk [tilespmem:v30+s16+$0x0], $0xffff;
	v29 =	vmul.f32 $8.000000000e+00, v29;
	v30 =	vor.u32 v6, v14  }
0x21a: {  	v26 =	vmul.f32 $8.000000000e+00, v26;
	v31 =	vor.u32 v2, v19;
	v33 =	vadd.f32 v60, v8;
	v34 =	vld.idx.msk [tilespmem:v57+s16+$0x0], $0xffff;
	[tilespmem:s8+$0x40] =	vst v27  }
0x21b: {  	v36 =	vor.u32 v6, v21;
	v27 =	vmul.f32 $8.000000000e+00, v32;
	v39 =	vld.idx.msk [tilespmem:v59+s16+$0x0], $0xffff;
	v29 =	vadd.f32 v29, v18  }
0x21c: {  	v38 =	vand.u32 $0x3E, v55;
	v35 =	vmul.f32 $8.000000000e+00, v58;
	v63 =	vadd.f32 v26, v17;
	[tilespmem:s3+$0xFFFFFFD0] =	vst v33  }
0x21d: {  	v26 =	vbroadcast v38, $0x0;
	v33 =	vor.u32 v3, v12;
	v37 =	vld.idx.msk [tilespmem:v61+s16+$0x0], $0xffff;
	v41 =	vadd.f32 v27, v24;
	[tilespmem:s11+$0x50] =	vst v29  }
0x21e: {  	v38 =	vor.u32 v3, v19;
	[tilespmem:s21+$0x10] =	vst v63;
	v29 =	vadd.f32 v35, v23;
	v35 =	vld.idx.msk [tilespmem:v30+s16+$0x0], $0xffff;
	v28 =	vmul.f32 $8.000000000e+00, v28  }
0x21f: {  	v27 =	vor.u32 v6, v9;
	v40 =	vld.idx.msk [tilespmem:v31+s16+$0x0], $0xffff;
	[tilespmem:s24+$0x10] =	vst v41;
	v41 =	vor.u32 v3, v16;
	v45 =	vmul.f32 $8.000000000e+00, v34  }
0x220: {  	s6 =	sor.u32 $0x2, s6;
	[tilespmem:s23+$0xFFFFFFA0] =	vst v29;
	v43 =	vld.idx.msk [tilespmem:v62+s16+$0x0], $0xffff;
	v34 =	vor.u32 v6, v13;
	v44 =	vadd.f32 v28, v11;
	v39 =	vmul.f32 $8.000000000e+00, v39  }
0x221: {  	s28 =	simm.s32 $0x15870;
	s18 =	simm.s32 $0xB;
	s9 =	simm.s32 $0xC;
	v31 =	vor.u32 v0, v22;
	v30 =	vor.u32 v0, v25;
	v42 =	vld.idx.msk [tilespmem:v42+s16+$0x0], $0xffff;
	v45 =	vadd.f32 v45, v15  }
.LBB2_15:
0x222: {  	p2 =	slt.u32 s9, $0x3C;
	v32 =	vmov s18;
	v37 =	vmul.f32 $8.000000000e+00, v37;
	[tilespmem:s1+$0x50] =	vst v44;
	v39 =	vadd.f32 v39, v10;
	v28 =	vmovc v23;
	v29 =	vmovc v24  }
0x223: {  	v23 =	vand.u32 $0x3F, v32;
	[tilespmem:s0+$0x20] =	vst v45;
	v24 =	vld.idx.msk [tilespmem:v36+s16+$0x0], $0xffff;
	v32 =	vmul.f32 $8.000000000e+00, v35;
	v35 =	vor.u32 v7, v14;
	v14 =	vmovc v16  }
0x224: {  	v16 =	vbroadcast v23, $0x0;
	v23 =	vmul.f32 $8.000000000e+00, v40;
	v36 =	vld.idx.msk [tilespmem:v41+s16+$0x0], $0xffff;
	v37 =	vadd.f32 v37, v8;
	[tilespmem:s8+$0x50] =	vst v39  }
0x225: {  	v39 =	vmul.f32 $8.000000000e+00, v43;
	v40 =	vor.u32 v3, v20;
	v34 =	vld.idx.msk [tilespmem:v34+s16+$0x0], $0xffff;
	v32 =	vadd.f32 v32, v18  }
0x226: {  	s2 =	sadd.s32 s30, s10;
	s30 =	smov.u32 s9;
	v42 =	vmul.f32 $8.000000000e+00, v42;
	v31 =	vld.idx.msk [tilespmem:v31+s16+$0x0], $0xffff;
	v41 =	vor.u32 v0, v16;
	v23 =	vadd.f32 v23, v17;
	[tilespmem:s3+$0xFFFFFFE0] =	vst v37  }
0x227: {  	s18 =	sadd.s32 $0x80, s2;
	s22 =	sadd.s32 $0x81, s2;
	s25 =	sadd.s32 $0x83, s2;
	v37 =	vor.u32 v0, v26;
	v39 =	vadd.f32 v39, v29;
	v27 =	vld.idx.msk [tilespmem:v27+s16+$0x0], $0xffff;
	[tilespmem:s11+$0x60] =	vst v32  }
0x228: {  	s2 =	sadd.s32 $0x82, s2;
	v43 =	vmov s22;
	v44 =	vmov s25;
	v32 =	vmov s18;
	v35 =	vld.idx.msk [tilespmem:v35+s16+$0x0], $0xffff  }
0x229: {  	v45 =	vmov s2;
	v43 =	vand.u32 $0xFFFFFFFD, v43;
	v32 =	vand.u32 $0xFFFFFFFC, v32;
	v30 =	vld.idx.msk [tilespmem:v30+s16+$0x0], $0xffff;
	[tilespmem:s21+$0x20] =	vst v23  }
0x22a: {  	v23 =	vand.u32 $0xFFFFFFFE, v45;
	v36 =	vmul.f32 $8.000000000e+00, v36;
	v38 =	vld.idx.msk [tilespmem:v38+s16+$0x0], $0xffff;
	[tilespmem:s24+$0x20] =	vst v39;
	v39 =	vor.u32 v4, v14  }
0x22b: {  	v43 =	vbroadcast v43, $0x0;
	v42 =	vadd.f32 v42, v28;
	v32 =	vbroadcast v32, $0x0;
	v41 =	vld.idx.msk [tilespmem:v41+s16+$0x0], $0xffff  }
0x22c: {  	v24 =	vmul.f32 $8.000000000e+00, v24;
	v45 =	vbroadcast v23, $0x0;
	v23 =	vadd.f32 v36, v15;
	v40 =	vld.idx.msk [tilespmem:v40+s16+$0x0], $0xffff  }
0x22d: {  	v34 =	vmul.f32 $8.000000000e+00, v34;
	v27 =	vmul.f32 $8.000000000e+00, v27;
	v36 =	vld.idx.msk [tilespmem:v44+s12+$0x0], $0xffff;
	[tilespmem:s23+$0xFFFFFFB0] =	vst v42  }
0x22e: {  	v42 =	vmov s9;
	v33 =	vld.idx.msk [tilespmem:v33+s16+$0x0], $0xffff;
	[tilespmem:s0+$0x30] =	vst v23;
	v23 =	vadd.f32 v24, v11;
	v24 =	vmul.f32 $8.000000000e+00, v35  }
0x22f: {  	v21 =	vor.u32 v7, v21;
	v34 =	vadd.f32 v34, v10;
	v27 =	vadd.f32 v27, v8;
	v35 =	vld.idx.msk [tilespmem:v39+s16+$0x0], $0xffff  }
0x230: {  	s26 =	sadd.s32 $0x200, s26;
	v38 =	vmul.f32 $8.000000000e+00, v38;
	v39 =	vor.u32 v4, v19;
	v37 =	vld.idx.msk [tilespmem:v37+s16+$0x0], $0xffff;
	[tilespmem:s1+$0x60] =	vst v23;
	v18 =	vadd.f32 v24, v18  }
0x231: {  	s2 =	sadd.s32 $0xFFFFFE80, s26;
	s22 =	sadd.s32 $0xFFFFFF80, s26;
	s18 =	sadd.s32 $0xFFFFFF00, s26;
	v44 =	vor.u32 v4, v12;
	v23 =	vld.idx.msk [tilespmem:v32+s12+$0x0], $0xffff;
	v32 =	vmul.f32 $8.000000000e+00, v41;
	v41 =	vor.u32 v1, v16;
	[tilespmem:s8+$0x60] =	vst v34  }
0x232: {  	s2 =	sand.u32 $0x1C00, s2;
	s25 =	sand.u32 $0x300, s22;
	s18 =	sand.u32 $0x280, s18;
	v38 =	vadd.f32 v38, v17;
	v40 =	vmul.f32 $8.000000000e+00, v40;
	v34 =	vld.idx.msk [tilespmem:v43+s12+$0x0], $0xffff;
	v43 =	vor.u32 v4, v20;
	[tilespmem:s11+$0x70] =	vst v18  }
0x233: {  	v13 =	vor.u32 v7, v13;
	s29 =	sand.u32 $0x380, s26;
	s2 =	sadd.s32 $0x15600, s2;
	v42 =	vand.u32 $0x3C, v42;
	s11 =	smov.u32 s0;
	v24 =	vld.idx.msk [tilespmem:v45+s12+$0x0], $0xffff;
	v45 =	vadd.f32 v32, v36;
	[tilespmem:s3+$0xFFFFFFF0] =	vst v27  }
0x234: {  	s22 =	sadd.s32 s18, s2;
	s18 =	sadd.s32 s25, s2;
	s0 =	sadd.s32 s29, s2;
	v27 =	vor.u32 v1, v25;
	v32 =	vmul.f32 $8.000000000e+00, v33;
	v33 =	vadd.f32 v40, v29;
	[tilespmem:s21+$0x30] =	vst v38;
	v38 =	vld.idx.msk [tilespmem:v21+s16+$0x0], $0xffff  }
0x235: {  	v46 =	vmul.f32 $8.000000000e+00, v31;
	v35 =	vmul.f32 $8.000000000e+00, v35;
	v18 =	vmovc v15;
	[tilespmem:s0+$0x0] =	vst v45;
	v31 =	vld.idx.msk [tilespmem:v39+s16+$0x0], $0xffff;
	v39 =	vor.u32 v5, v14  }
0x236: {  	v30 =	vmul.f32 $8.000000000e+00, v30;
	v40 =	vor.u32 v1, v26;
	v32 =	vadd.f32 v32, v28;
	v41 =	vld.idx.msk [tilespmem:v41+s16+$0x0], $0xffff;
	[tilespmem:s24+$0x30] =	vst v33  }
0x237: {  	s2 =	sadd.s32 $0x1, s9;
	v15 =	vmovc v36;
	v37 =	vmul.f32 $8.000000000e+00, v37;
	v33 =	vadd.f32 v46, v23;
	v35 =	vadd.f32 v35, v18;
	v43 =	vld.idx.msk [tilespmem:v43+s16+$0x0], $0xffff  }
0x238: {  	v36 =	vmov s2;
	s2 =	sadd.s32 $0x2, s9;
	v21 =	vmovc v19;
	v45 =	vor.u32 v1, v22;
	v30 =	vadd.f32 v30, v34;
	[tilespmem:s23+$0xFFFFFFC0] =	vst v32;
	v32 =	vld.idx.msk [tilespmem:v13+s16+$0x0], $0xffff  }
0x239: {  	v46 =	vmov s2;
	v37 =	vadd.f32 v37, v24;
	v44 =	vld.idx.msk [tilespmem:v44+s16+$0x0], $0xffff;
	[tilespmem:s11+$0x40] =	vst v35;
	v35 =	vor.u32 v7, v9;
	v9 =	vmovc v12  }
0x23a: {  	v19 =	vmovc v25;
	v36 =	vand.u32 $0x3D, v36;
	v38 =	vmul.f32 $8.000000000e+00, v38;
	v12 =	vmovc v22;
	v22 =	vbroadcast v42, $0x0;
	[tilespmem:s22+$0x0] =	vst v30;
	v30 =	vld.idx.msk [tilespmem:v39+s16+$0x0], $0xffff  }
0x23b: {  	s23 =	sadd.s32 $0x200, s23;
	v13 =	vmovc v20;
	v39 =	vand.u32 $0x3E, v46;
	v25 =	vmul.f32 $8.000000000e+00, v31;
	v31 =	vor.u32 v5, v21;
	v27 =	vld.idx.msk [tilespmem:v27+s16+$0x0], $0xffff;
	[tilespmem:s18+$0x0] =	vst v37  }
0x23c: {  	v46 =	vmul.f32 $8.000000000e+00, v41;
	v37 =	vor.u32 v2, v16;
	v38 =	vadd.f32 v38, v11;
	[tilespmem:s23+$0xFFFFFF90] =	vst v33;
	v33 =	vld.idx.msk [tilespmem:v40+s16+$0x0], $0xffff  }
0x23d: {  	v11 =	vmovc v17;
	v41 =	vadd.f32 v25, v17;
	v42 =	vmul.f32 $8.000000000e+00, v43;
	v43 =	vor.u32 v5, v13;
	v40 =	vld.idx.msk [tilespmem:v45+s16+$0x0], $0xffff  }
0x23e: {  	v25 =	vbroadcast v36, $0x0;
	v17 =	vmovc v34;
	v36 =	vadd.f32 v46, v15;
	v32 =	vmul.f32 $8.000000000e+00, v32;
	v35 =	vld.idx.msk [tilespmem:v35+s16+$0x0], $0xffff;
	[tilespmem:s1+$0x70] =	vst v38;
	s1 =	smov.u32 s21;
	s21 =	smov.u32 s22  }
0x23f: {  	v20 =	vmovc v26;
	v34 =	vmul.f32 $8.000000000e+00, v44;
	v38 =	vor.u32 v5, v9;
	[tilespmem:s1+$0x40] =	vst v41;
	v41 =	vadd.f32 v42, v29  }
0x240: {  	v26 =	vmul.f32 $8.000000000e+00, v30;
	v30 =	vor.u32 v6, v14;
	v46 =	vadd.f32 v32, v10;
	[tilespmem:s0+$0x10] =	vst v36;
	v31 =	vld.idx.msk [tilespmem:v31+s16+$0x0], $0xffff  }
0x241: {  	v32 =	vor.u32 v2, v19;
	v27 =	vmul.f32 $8.000000000e+00, v27;
	v34 =	vadd.f32 v34, v28;
	v42 =	vld.idx.msk [tilespmem:v37+s16+$0x0], $0xffff;
	[tilespmem:s24+$0x40] =	vst v41  }
0x242: {  	v33 =	vmul.f32 $8.000000000e+00, v33;
	v41 =	vor.u32 v2, v20;
	v26 =	vadd.f32 v26, v18;
	v45 =	vld.idx.msk [tilespmem:v43+s16+$0x0], $0xffff;
	[tilespmem:s8+$0x70] =	vst v46;
	s8 =	smov.u32 s24;
	s24 =	smov.u32 s18  }
0x243: {  	v44 =	vor.u32 v2, v12;
	v10 =	vmovc v29;
	v36 =	vmul.f32 $8.000000000e+00, v40;
	v40 =	vadd.f32 v27, v17;
	[tilespmem:s28+$0xFFFFFFD0] =	vst v34  }
0x244: {  	v27 =	vor.u32 v6, v9;
	v29 =	vadd.f32 v33, v24;
	v34 =	vmul.f32 $8.000000000e+00, v35;
	v37 =	vld.idx.msk [tilespmem:v38+s16+$0x0], $0xffff;
	[tilespmem:s11+$0x50] =	vst v26  }
.Ltmp8:
0x245: {  	v33 =	vor.u32 v3, v12;
	v26 =	vbroadcast v39, $0x0;
	v38 =	vadd.f32 v36, v23;
	[tilespmem:s21+$0x10] =	vst v40;
	v35 =	vld.idx.msk [tilespmem:v30+s16+$0x0], $0xffff;
	(pc) =	sbr.rel @p2 .LBB2_15-.Ltmp8, $4  }
0x246: {  	v36 =	vor.u32 v6, v21;
	v46 =	vadd.f32 v34, v8;
	v40 =	vld.idx.msk [tilespmem:v32+s16+$0x0], $0xffff;
	[tilespmem:s24+$0x10] =	vst v29;
	v29 =	vmul.f32 $8.000000000e+00, v31  }
0x247: {  	v31 =	vor.u32 v0, v22;
	v32 =	vmul.f32 $8.000000000e+00, v42;
	[tilespmem:s23+$0xFFFFFFA0] =	vst v38;
	v43 =	vld.idx.msk [tilespmem:v41+s16+$0x0], $0xffff;
	v41 =	vor.u32 v3, v16  }
0x248: {  	v34 =	vor.u32 v6, v13;
	v39 =	vmul.f32 $8.000000000e+00, v45;
	v42 =	vld.idx.msk [tilespmem:v44+s16+$0x0], $0xffff;
	v44 =	vadd.f32 v29, v11;
	[tilespmem:s3+$0x0] =	vst v46;
	s3 =	smov.u32 s28;
	s28 =	smov.u32 s23  }
0x249: {  	s9 =	sadd.s32 $0x4, s9;
	s18 =	sadd.s32 $0x3, s30;
	v30 =	vor.u32 v0, v25;
	v8 =	vmovc v28;
	v38 =	vor.u32 v3, v19;
	v45 =	vadd.f32 v32, v15  }
0x24a: {  	v28 =	vmov s18;
	s2 =	sadd.s32 s30, s10  }
0x24b: {  	v28 =	vand.u32 $0x3F, v28;
	s9 =	sadd.s32 $0x81, s2  }
0x24c: {  	v32 =	vbroadcast v28, $0x0;
	v46 =	vmov s9  }
0x24d: {  	v29 =	vor.u32 v0, v26;
	s22 =	sadd.s32 $0x82, s2;
	v46 =	vand.u32 $0xFFFFFFFD, v46  }
0x24e: {  	s30 =	sadd.s32 $0x83, s2;
	s2 =	sadd.s32 $0x80, s2;
	v48 =	vmov s22;
	v28 =	vor.u32 v0, v32;
	v46 =	vbroadcast v46, $0x0  }
0x24f: {  	v49 =	vmov s2;
	v48 =	vand.u32 $0xFFFFFFFE, v48  }
0x250: {  	v50 =	vld.idx.msk [tilespmem:v31+s16+$0x0], $0xffff;
	v47 =	vmov s30;
	v58 =	vand.u32 $0xFFFFFFFC, v49;
	v48 =	vbroadcast v48, $0x0  }
0x251: {  	v59 =	vld.idx.msk [tilespmem:v30+s16+$0x0], $0xffff;
	v51 =	vbroadcast v58, $0x0  }
0x252: {  	v60 =	vld.idx.msk [tilespmem:v29+s16+$0x0], $0xffff  }
0x253: {  	v52 =	vld.idx.msk [tilespmem:v28+s16+$0x0], $0xffff  }
0x254: {  	v30 =	vld.idx.msk [tilespmem:v46+s12+$0x0], $0xffff  }
0x255: {  	v31 =	vld.idx.msk [tilespmem:v47+s12+$0x0], $0xffff  }
0x256: {  	s25 =	sadd.s32 $0x200, s26;
	v29 =	vld.idx.msk [tilespmem:v48+s12+$0x0], $0xffff  }
0x257: {  	v63 =	vor.u32 v1, v25;
	s26 =	sadd.s32 $0xFFFFFE80, s25;
	v49 =	vmul.f32 $8.000000000e+00, v59;
	v28 =	vld.idx.msk [tilespmem:v51+s12+$0x0], $0xffff  }
0x258: {  	s29 =	sadd.s32 $0xFFFFFF00, s25;
	s9 =	sand.u32 $0x1C00, s26;
	v62 =	vor.u32 v1, v32;
	v61 =	vmul.f32 $8.000000000e+00, v52  }
0x259: {  	v56 =	vor.u32 v1, v26;
	s18 =	sand.u32 $0x280, s29;
	s22 =	sadd.s32 $0x15600, s9;
	v47 =	vmul.f32 $8.000000000e+00, v60;
	v49 =	vadd.f32 v49, v30  }
0x25a: {  	v53 =	vor.u32 v1, v22;
	s30 =	sand.u32 $0x380, s25;
	s2 =	sadd.s32 $0xFFFFFF80, s25;
	s18 =	sadd.s32 s18, s22;
	v50 =	vmul.f32 $8.000000000e+00, v50;
	v46 =	vadd.f32 v61, v31  }
0x25b: {  	s2 =	sand.u32 $0x300, s2;
	s9 =	sadd.s32 s30, s22;
	v57 =	vadd.f32 v47, v29;
	[tilespmem:s18+$0x0] =	vst v49  }
0x25c: {  	s22 =	sadd.s32 s2, s22;
	v59 =	vadd.f32 v50, v28;
	[tilespmem:s9+$0x0] =	vst v46;
	v49 =	vld.idx.msk [tilespmem:v63+s16+$0x0], $0xffff  }
0x25d: {  	s25 =	sadd.s32 $0x200, s23;
	[tilespmem:s22+$0x0] =	vst v57;
	v58 =	vld.idx.msk [tilespmem:v62+s16+$0x0], $0xffff  }
0x25e: {  	[tilespmem:s25+$0xFFFFFF90] =	vst v59;
	v46 =	vld.idx.msk [tilespmem:v56+s16+$0x0], $0xffff  }
0x25f: {  	v48 =	vld.idx.msk [tilespmem:v53+s16+$0x0], $0xffff;
	_ =	sdelay $0x1  }
0x260: {  	v61 =	vor.u32 v2, v25;
	v49 =	vmul.f32 $8.000000000e+00, v49  }
0x261: {  	v60 =	vor.u32 v2, v32;
	v47 =	vmul.f32 $8.000000000e+00, v58  }
0x262: {  	v62 =	vor.u32 v2, v26;
	v46 =	vmul.f32 $8.000000000e+00, v46;
	v49 =	vadd.f32 v49, v30  }
0x263: {  	v63 =	vor.u32 v2, v22;
	v48 =	vmul.f32 $8.000000000e+00, v48;
	v47 =	vadd.f32 v47, v31  }
0x264: {  	v46 =	vadd.f32 v46, v29;
	[tilespmem:s18+$0x10] =	vst v49  }
0x265: {  	v40 =	vmul.f32 $8.000000000e+00, v40;
	v48 =	vadd.f32 v48, v28;
	[tilespmem:s9+$0x10] =	vst v47;
	v55 =	vld.idx.msk [tilespmem:v61+s16+$0x0], $0xffff  }
0x266: {  	v42 =	vmul.f32 $8.000000000e+00, v42;
	[tilespmem:s22+$0x10] =	vst v46;
	v47 =	vld.idx.msk [tilespmem:v60+s16+$0x0], $0xffff  }
0x267: {  	v40 =	vadd.f32 v40, v17;
	[tilespmem:s25+$0xFFFFFFA0] =	vst v48;
	v56 =	vld.idx.msk [tilespmem:v62+s16+$0x0], $0xffff  }
0x268: {  	[tilespmem:s1+$0x50] =	vst v44;
	v43 =	vmul.f32 $8.000000000e+00, v43;
	v57 =	vor.u32 v3, v20;
	v58 =	vld.idx.msk [tilespmem:v63+s16+$0x0], $0xffff;
	v61 =	vadd.f32 v42, v23  }
0x269: {  	[tilespmem:s21+$0x20] =	vst v40  }
0x26a: {  	v43 =	vadd.f32 v43, v24;
	v38 =	vld.idx.msk [tilespmem:v38+s16+$0x0], $0xffff;
	v62 =	vor.u32 v3, v25;
	[tilespmem:s23+$0xFFFFFFB0] =	vst v61;
	v46 =	vmul.f32 $8.000000000e+00, v55  }
0x26b: {  	v39 =	vadd.f32 v39, v10;
	[tilespmem:s0+$0x20] =	vst v45;
	v60 =	vor.u32 v3, v32;
	v33 =	vld.idx.msk [tilespmem:v33+s16+$0x0], $0xffff;
	v59 =	vmul.f32 $8.000000000e+00, v47  }
0x26c: {  	v41 =	vld.idx.msk [tilespmem:v41+s16+$0x0], $0xffff;
	[tilespmem:s24+$0x20] =	vst v43;
	v53 =	vor.u32 v3, v26;
	v52 =	vmul.f32 $8.000000000e+00, v56;
	v46 =	vadd.f32 v46, v30  }
0x26d: {  	[tilespmem:s8+$0x50] =	vst v39;
	v54 =	vld.idx.msk [tilespmem:v57+s16+$0x0], $0xffff;
	v55 =	vor.u32 v3, v22;
	v56 =	vmul.f32 $8.000000000e+00, v58;
	v63 =	vadd.f32 v59, v31  }
0x26e: {  	v37 =	vmul.f32 $8.000000000e+00, v37;
	v36 =	vld.idx.msk [tilespmem:v36+s16+$0x0], $0xffff;
	v57 =	vadd.f32 v52, v29;
	[tilespmem:s18+$0x20] =	vst v46  }
0x26f: {  	v38 =	vmul.f32 $8.000000000e+00, v38;
	v61 =	vor.u32 v4, v19;
	v59 =	vadd.f32 v56, v28;
	[tilespmem:s9+$0x20] =	vst v63;
	v42 =	vld.idx.msk [tilespmem:v62+s16+$0x0], $0xffff  }
0x270: {  	v37 =	vadd.f32 v37, v8;
	v50 =	vor.u32 v4, v12;
	v33 =	vmul.f32 $8.000000000e+00, v33;
	[tilespmem:s22+$0x20] =	vst v57;
	v58 =	vld.idx.msk [tilespmem:v60+s16+$0x0], $0xffff  }
0x271: {  	v41 =	vmul.f32 $8.000000000e+00, v41;
	v38 =	vadd.f32 v38, v17;
	[tilespmem:s25+$0xFFFFFFB0] =	vst v59;
	v62 =	vld.idx.msk [tilespmem:v53+s16+$0x0], $0xffff;
	v60 =	vor.u32 v4, v16  }
0x272: {  	[tilespmem:s3+$0xFFFFFFE0] =	vst v37;
	v48 =	vmul.f32 $8.000000000e+00, v54;
	v49 =	vor.u32 v4, v20;
	v33 =	vadd.f32 v33, v23;
	v40 =	vld.idx.msk [tilespmem:v55+s16+$0x0], $0xffff  }
0x273: {  	v35 =	vmul.f32 $8.000000000e+00, v35;
	v14 =	vor.u32 v7, v14;
	v34 =	vld.idx.msk [tilespmem:v34+s16+$0x0], $0xffff;
	[tilespmem:s21+$0x30] =	vst v38;
	v63 =	vadd.f32 v41, v15  }
0x274: {  	v51 =	vadd.f32 v48, v24;
	v45 =	vld.idx.msk [tilespmem:v61+s16+$0x0], $0xffff;
	v55 =	vor.u32 v4, v25;
	[tilespmem:s23+$0xFFFFFFC0] =	vst v33;
	v54 =	vmul.f32 $8.000000000e+00, v42  }
0x275: {  	v35 =	vadd.f32 v35, v18;
	v53 =	vor.u32 v4, v32;
	[tilespmem:s0+$0x30] =	vst v63;
	v37 =	vld.idx.msk [tilespmem:v50+s16+$0x0], $0xffff;
	v52 =	vmul.f32 $8.000000000e+00, v58  }
0x276: {  	[tilespmem:s24+$0x30] =	vst v51;
	v57 =	vmul.f32 $8.000000000e+00, v62;
	v43 =	vld.idx.msk [tilespmem:v60+s16+$0x0], $0xffff;
	v58 =	vor.u32 v4, v26;
	v38 =	vadd.f32 v54, v30  }
0x277: {  	[tilespmem:s11+$0x60] =	vst v35;
	v47 =	vld.idx.msk [tilespmem:v49+s16+$0x0], $0xffff;
	v59 =	vor.u32 v4, v22;
	v40 =	vmul.f32 $8.000000000e+00, v40;
	v56 =	vadd.f32 v52, v31  }
0x278: {  	v14 =	vld.idx.msk [tilespmem:v14+s16+$0x0], $0xffff;
	v36 =	vmul.f32 $8.000000000e+00, v36;
	v60 =	vadd.f32 v57, v29;
	[tilespmem:s18+$0x30] =	vst v38  }
0x279: {  	v49 =	vor.u32 v5, v19;
	v48 =	vmul.f32 $8.000000000e+00, v45;
	v40 =	vadd.f32 v40, v28;
	[tilespmem:s9+$0x30] =	vst v56;
	v42 =	vld.idx.msk [tilespmem:v55+s16+$0x0], $0xffff  }
0x27a: {  	v36 =	vadd.f32 v36, v11;
	v37 =	vmul.f32 $8.000000000e+00, v37;
	[tilespmem:s22+$0x30] =	vst v60;
	v55 =	vor.u32 v5, v12;
	v61 =	vld.idx.msk [tilespmem:v53+s16+$0x0], $0xffff  }
0x27b: {  	v63 =	vor.u32 v5, v16;
	v54 =	vadd.f32 v48, v17;
	[tilespmem:s25+$0xFFFFFFC0] =	vst v40;
	v62 =	vmul.f32 $8.000000000e+00, v43;
	v50 =	vld.idx.msk [tilespmem:v58+s16+$0x0], $0xffff  }
0x27c: {  	[tilespmem:s1+$0x60] =	vst v36;
	v52 =	vmul.f32 $8.000000000e+00, v47;
	v53 =	vor.u32 v5, v20;
	v33 =	vld.idx.msk [tilespmem:v59+s16+$0x0], $0xffff;
	v58 =	vadd.f32 v37, v23  }
0x27d: {  	v21 =	vor.u32 v7, v21;
	v27 =	vld.idx.msk [tilespmem:v27+s16+$0x0], $0xffff;
	v14 =	vmul.f32 $8.000000000e+00, v14;
	[tilespmem:s21+$0x40] =	vst v54;
	v51 =	vadd.f32 v62, v15  }
0x27e: {  	v60 =	vor.u32 v5, v25;
	v56 =	vadd.f32 v52, v24;
	v40 =	vld.idx.msk [tilespmem:v49+s16+$0x0], $0xffff;
	[tilespmem:s28+$0xFFFFFFD0] =	vst v58;
	v59 =	vmul.f32 $8.000000000e+00, v42  }
0x27f: {  	v14 =	vadd.f32 v14, v18;
	v57 =	vor.u32 v5, v32;
	[tilespmem:s0+$0x40] =	vst v51;
	v43 =	vld.idx.msk [tilespmem:v55+s16+$0x0], $0xffff;
	v38 =	vmul.f32 $8.000000000e+00, v61  }
0x280: {  	[tilespmem:s24+$0x40] =	vst v56;
	v39 =	vld.idx.msk [tilespmem:v63+s16+$0x0], $0xffff;
	v62 =	vmul.f32 $8.000000000e+00, v50;
	v63 =	vor.u32 v5, v26;
	v47 =	vadd.f32 v59, v30  }
0x281: {  	[tilespmem:s11+$0x70] =	vst v14;
	v48 =	vor.u32 v5, v22;
	v45 =	vld.idx.msk [tilespmem:v53+s16+$0x0], $0xffff;
	v33 =	vmul.f32 $8.000000000e+00, v33;
	v61 =	vadd.f32 v38, v31  }
0x282: {  	v9 =	vor.u32 v7, v9;
	v27 =	vmul.f32 $8.000000000e+00, v27;
	v21 =	vld.idx.msk [tilespmem:v21+s16+$0x0], $0xffff;
	v49 =	vadd.f32 v62, v29;
	[tilespmem:s18+$0x40] =	vst v47  }
0x283: {  	v54 =	vmul.f32 $8.000000000e+00, v40;
	v55 =	vor.u32 v6, v19;
	v33 =	vadd.f32 v33, v28;
	[tilespmem:s9+$0x40] =	vst v61;
	v53 =	vld.idx.msk [tilespmem:v60+s16+$0x0], $0xffff  }
0x284: {  	v27 =	vadd.f32 v27, v8;
	[tilespmem:s22+$0x40] =	vst v49;
	v60 =	vor.u32 v6, v12;
	v61 =	vmul.f32 $8.000000000e+00, v43;
	v50 =	vld.idx.msk [tilespmem:v57+s16+$0x0], $0xffff  }
0x285: {  	v52 =	vor.u32 v6, v16;
	v18 =	vadd.f32 v54, v17;
	[tilespmem:s25+$0xFFFFFFD0] =	vst v33;
	v51 =	vmul.f32 $8.000000000e+00, v39;
	v56 =	vld.idx.msk [tilespmem:v63+s16+$0x0], $0xffff  }
0x286: {  	[tilespmem:s3+$0xFFFFFFF0] =	vst v27;
	v59 =	vor.u32 v6, v20;
	v58 =	vmul.f32 $8.000000000e+00, v45;
	v37 =	vld.idx.msk [tilespmem:v48+s16+$0x0], $0xffff;
	v46 =	vadd.f32 v61, v23  }
0x287: {  	v9 =	vld.idx.msk [tilespmem:v9+s16+$0x0], $0xffff;
	[tilespmem:s21+$0x50] =	vst v18;
	v57 =	vadd.f32 v51, v15  }
0x288: {  	v47 =	vor.u32 v6, v25;
	v35 =	vld.idx.msk [tilespmem:v55+s16+$0x0], $0xffff;
	v62 =	vadd.f32 v58, v24;
	[tilespmem:s28+$0xFFFFFFE0] =	vst v46;
	v41 =	vmul.f32 $8.000000000e+00, v53  }
0x289: {  	v34 =	vmul.f32 $8.000000000e+00, v34;
	v45 =	vor.u32 v6, v32;
	[tilespmem:s0+$0x50] =	vst v57;
	v14 =	vld.idx.msk [tilespmem:v60+s16+$0x0], $0xffff;
	v63 =	vmul.f32 $8.000000000e+00, v50  }
0x28a: {  	[tilespmem:s24+$0x50] =	vst v62;
	v39 =	vld.idx.msk [tilespmem:v52+s16+$0x0], $0xffff;
	v49 =	vmul.f32 $8.000000000e+00, v56;
	v50 =	vor.u32 v6, v26;
	v41 =	vadd.f32 v41, v30  }
0x28b: {  	v51 =	vor.u32 v6, v22;
	v36 =	vld.idx.msk [tilespmem:v59+s16+$0x0], $0xffff;
	v37 =	vmul.f32 $8.000000000e+00, v37;
	v48 =	vadd.f32 v63, v31  }
0x28c: {  	v13 =	vor.u32 v7, v13;
	v9 =	vmul.f32 $8.000000000e+00, v9;
	v52 =	vadd.f32 v49, v29;
	[tilespmem:s18+$0x50] =	vst v41  }
0x28d: {  	v34 =	vadd.f32 v34, v10;
	v21 =	vmul.f32 $8.000000000e+00, v21;
	v37 =	vadd.f32 v37, v28;
	[tilespmem:s9+$0x50] =	vst v48;
	v56 =	vld.idx.msk [tilespmem:v47+s16+$0x0], $0xffff  }
0x28e: {  	v8 =	vadd.f32 v9, v8;
	v58 =	vmul.f32 $8.000000000e+00, v35;
	v59 =	vor.u32 v7, v19;
	[tilespmem:s22+$0x50] =	vst v52;
	v53 =	vld.idx.msk [tilespmem:v45+s16+$0x0], $0xffff  }
0x28f: {  	v55 =	vor.u32 v7, v16;
	[tilespmem:s25+$0xFFFFFFE0] =	vst v37;
	v63 =	vmul.f32 $8.000000000e+00, v14;
	v54 =	vmul.f32 $8.000000000e+00, v39;
	v33 =	vld.idx.msk [tilespmem:v50+s16+$0x0], $0xffff  }
0x290: {  	[tilespmem:s8+$0x60] =	vst v34;
	v37 =	vor.u32 v7, v12;
	v61 =	vmul.f32 $8.000000000e+00, v36;
	v18 =	vld.idx.msk [tilespmem:v51+s16+$0x0], $0xffff;
	v36 =	vadd.f32 v58, v17  }
0x291: {  	[tilespmem:s3+$0x0] =	vst v8;
	v42 =	vor.u32 v7, v25;
	v62 =	vor.u32 v7, v20;
	v60 =	vadd.f32 v54, v15  }
0x292: {  	v13 =	vld.idx.msk [tilespmem:v13+s16+$0x0], $0xffff;
	v57 =	vadd.f32 v21, v11;
	v11 =	vadd.f32 v63, v23;
	[tilespmem:s21+$0x60] =	vst v36;
	v41 =	vmul.f32 $8.000000000e+00, v56  }
0x293: {  	v32 =	vor.u32 v7, v32;
	v38 =	vadd.f32 v61, v24;
	v19 =	vld.idx.msk [tilespmem:v59+s16+$0x0], $0xffff;
	[tilespmem:s0+$0x60] =	vst v60;
	v40 =	vmul.f32 $8.000000000e+00, v53  }
0x294: {  	v45 =	vor.u32 v7, v26;
	[tilespmem:s28+$0xFFFFFFF0] =	vst v11;
	v16 =	vld.idx.msk [tilespmem:v55+s16+$0x0], $0xffff;
	v44 =	vmul.f32 $8.000000000e+00, v33;
	v14 =	vadd.f32 v41, v30  }
0x295: {  	v47 =	vor.u32 v7, v22;
	[tilespmem:s24+$0x60] =	vst v38;
	v12 =	vld.idx.msk [tilespmem:v37+s16+$0x0], $0xffff;
	v18 =	vmul.f32 $8.000000000e+00, v18;
	v43 =	vadd.f32 v40, v31  }
0x296: {  	v46 =	vld.idx.msk [tilespmem:v62+s16+$0x0], $0xffff;
	v48 =	vadd.f32 v44, v29;
	[tilespmem:s18+$0x60] =	vst v14  }
0x297: {  	v13 =	vmul.f32 $8.000000000e+00, v13;
	v18 =	vadd.f32 v18, v28;
	[tilespmem:s9+$0x60] =	vst v43;
	v14 =	vld.idx.msk [tilespmem:v42+s16+$0x0], $0xffff  }
0x298: {  	v52 =	vmul.f32 $8.000000000e+00, v19;
	[tilespmem:s22+$0x60] =	vst v48;
	v49 =	vld.idx.msk [tilespmem:v32+s16+$0x0], $0xffff  }
0x299: {  	v50 =	vadd.f32 v13, v10;
	[tilespmem:s25+$0xFFFFFFF0] =	vst v18;
	v51 =	vmul.f32 $8.000000000e+00, v16;
	v53 =	vld.idx.msk [tilespmem:v45+s16+$0x0], $0xffff  }
0x29a: {  	[tilespmem:s1+$0x70] =	vst v57;
	v56 =	vmul.f32 $8.000000000e+00, v12;
	v55 =	vld.idx.msk [tilespmem:v47+s16+$0x0], $0xffff;
	v8 =	vadd.f32 v52, v17  }
0x29b: {  	[tilespmem:s8+$0x70] =	vst v50;
	v11 =	vmul.f32 $8.000000000e+00, v46;
	v54 =	vadd.f32 v51, v15  }
0x29c: {  	[tilespmem:s21+$0x70] =	vst v8;
	v8 =	vadd.f32 v56, v23;
	v59 =	vmul.f32 $8.000000000e+00, v14  }
0x29d: {  	v57 =	vadd.f32 v11, v24;
	[tilespmem:s0+$0x70] =	vst v54;
	v58 =	vmul.f32 $8.000000000e+00, v49  }
0x29e: {  	[tilespmem:s28+$0x0] =	vst v8;
	v61 =	vmul.f32 $8.000000000e+00, v53;
	v8 =	vadd.f32 v59, v30  }
0x29f: {  	[tilespmem:s24+$0x70] =	vst v57;
	v62 =	vmul.f32 $8.000000000e+00, v55;
	v60 =	vadd.f32 v58, v31  }
.Ltmp9:
0x2a0: {  	s29 =	sshll.u32 s6, $0x12;
	v63 =	vadd.f32 v61, v29;
	[tilespmem:s18+$0x70] =	vst v8;
	(pc) =	sbr.rel @p1 .LBB2_18-.Ltmp9, $4  }
0x2a1: {  	s0 =	sor.u32 s7, s29;
	v8 =	vadd.f32 v62, v28;
	[tilespmem:s9+$0x70] =	vst v60  }
0x2a2: {  	s0 =	sshrl.u32 s0, $0x3;
	[tilespmem:s22+$0x70] =	vst v63  }
0x2a3: {  	s30 =	simm.s32 $0x15600;
	s0 =	sadd.s32 s31, s0;
	[tilespmem:s25+$0x0] =	vst v8  }
0x2a4: {  	[hbm4b:s0+s19] =	stream.strided.scatter [tilespmem:s30], [sflag:$0x7], $0x2000, s20, s19, $0x38;
	[tilespmem:$0x19600] =	vst v63  }
.Ltmp10:
0x2a5: {  	(pc) =	sbr.rel .LBB2_19-.Ltmp10, $4  }
0x2a6: {  	s0 =	simm.s32 $0x4  }
0x2a7: {  	_ =	swait.ge [sflag:s0], $0x2000  }
0x2a8: {  	[sflag:s0] =	ssyncset.done $0x0  }
0x2a9: {  	[sflag:s0] =	ssyncadd.s32 $0xFFFFE000  }
.LBB2_18:
0x2aa: {  	s0 =	sshll.u32 s15, $0x9  }
0x2ab: {  	s1 =	simm.s32 $0x80;
	s0 =	sand.u32 $0x3FFFFE00, s0  }
.Ltmp11:
0x2ac: {  	s30 =	simm.s32 $0x4;
	s0 =	sadd.s32 $0x300, s0;
	(pc) =	sbr.rel @p0 .LBB2_20-.Ltmp11, $4  }
0x2ad: {  	[tilespmem:s16], [sflag:$0x3] =	stream.indirect.gather [hbm4b:s4+s1], $0x40, s0, s1, $0xb8;
	[tilespmem:$0x19600] =	vst v63  }
0x2ae: {  	_ =	swait.ge [sflag:s30], $0x2000  }
0x2af: {  	[sflag:s30] =	ssyncset.done $0x0  }
0x2b0: {  	[sflag:s30] =	ssyncadd.s32 $0xFFFFE000  }
.LBB2_19:
0x2b1: {  	s0 =	simm.s32 $0x8  }
0x2b2: {  	_ =	swait.ge [sflag:s0], $0x2000  }
0x2b3: {  	[sflag:s0] =	ssyncset.done $0x0  }
0x2b4: {  	[sflag:s0] =	ssyncadd.s32 $0xFFFFE000  }
.LBB2_20:
0x2b5: {  	s0 =	simm.s32 $0x3  }
0x2b6: {  	v8 =	vmov s0  }
0x2b7: {  	v8 =	vand.u32 $0x3F, v8  }
0x2b8: {  	s9 =	simm.s32 $0x0;
	v14 =	vbroadcast v8, $0x0  }
0x2b9: {  	s11 =	simm.s32 $0x1;
	v8 =	vmov s9  }
0x2ba: {  	s1 =	sadd.s32 $0x0, s10;
	v10 =	vmov s11;
	v8 =	vand.u32 $0x3C, v8;
	v11 =	vor.u32 v0, v14  }
0x2bb: {  	s18 =	simm.s32 $0x2;
	s21 =	sadd.s32 $0xC3, s1;
	v9 =	vbroadcast v8, $0x0;
	v8 =	vand.u32 $0x3D, v10  }
0x2bc: {  	v12 =	vmov s18;
	s22 =	sadd.s32 $0xC1, s1;
	v21 =	vbroadcast v8, $0x0;
	v8 =	vmov s21  }
0x2bd: {  	s2 =	sadd.s32 $0xC0, s1;
	v15 =	vmov s22;
	v10 =	vand.u32 $0x3E, v12  }
0x2be: {  	s23 =	sadd.s32 $0xC2, s1;
	v17 =	vmov s2;
	v13 =	vbroadcast v10, $0x0;
	v10 =	vor.u32 v0, v9  }
0x2bf: {  	v18 =	vmov s23;
	v15 =	vand.u32 $0xFFFFFFFD, v15;
	v12 =	vor.u32 v0, v21;
	v11 =	vld.idx.msk [tilespmem:v11+s17+$0x0], $0xffff  }
0x2c0: {  	v19 =	vand.u32 $0xFFFFFFFE, v18;
	v15 =	vbroadcast v15, $0x0;
	v16 =	vor.u32 v0, v13  }
0x2c1: {  	v17 =	vand.u32 $0xFFFFFFFC, v17;
	v19 =	vbroadcast v19, $0x0;
	v18 =	vld.idx.msk [tilespmem:v8+s12+$0x0], $0xffff  }
0x2c2: {  	v17 =	vbroadcast v17, $0x0  }
0x2c3: {  	v20 =	vld.idx.msk [tilespmem:v10+s17+$0x0], $0xffff  }
0x2c4: {  	s24 =	simm.s32 $0x0;
	v22 =	vor.u32 v1, v14;
	v12 =	vld.idx.msk [tilespmem:v12+s17+$0x0], $0xffff;
	v8 =	vmul.f32 $8.000000000e+00, v11  }
0x2c5: {  	s25 =	simm.s32 $0x180;
	s0 =	sand.u32 $0x1C00, s24;
	v16 =	vld.idx.msk [tilespmem:v16+s17+$0x0], $0xffff  }
0x2c6: {  	s1 =	sand.u32 $0x380, s25;
	s0 =	sadd.s32 $0x17600, s0;
	v11 =	vld.idx.msk [tilespmem:v15+s12+$0x0], $0xffff;
	v15 =	vadd.f32 v8, v18  }
0x2c7: {  	s8 =	sadd.s32 s1, s0;
	v10 =	vld.idx.msk [tilespmem:v19+s12+$0x0], $0xffff  }
0x2c8: {  	v8 =	vld.idx.msk [tilespmem:v17+s12+$0x0], $0xffff;
	[tilespmem:s8+$0x0] =	vst v15  }
0x2c9: {  	v12 =	vmul.f32 $8.000000000e+00, v12;
	v15 =	vor.u32 v1, v21;
	v17 =	vld.idx.msk [tilespmem:v22+s17+$0x0], $0xffff  }
0x2ca: {  	s26 =	simm.s32 $0x80  }
0x2cb: {  	s1 =	sand.u32 $0x280, s26;
	v19 =	vor.u32 v1, v13;
	v16 =	vmul.f32 $8.000000000e+00, v16;
	v12 =	vadd.f32 v12, v11  }
0x2cc: {  	s29 =	simm.s32 $0x100;
	s1 =	sadd.s32 s1, s0;
	v20 =	vmul.f32 $8.000000000e+00, v20;
	v22 =	vor.u32 v1, v9  }
0x2cd: {  	s2 =	sand.u32 $0x300, s29;
	v16 =	vadd.f32 v16, v10;
	[tilespmem:s1+$0x0] =	vst v12  }
0x2ce: {  	s3 =	sadd.s32 s2, s0;
	v12 =	vadd.f32 v20, v8;
	v20 =	vor.u32 v2, v14;
	v15 =	vld.idx.msk [tilespmem:v15+s17+$0x0], $0xffff;
	v17 =	vmul.f32 $8.000000000e+00, v17  }
0x2cf: {  	s6 =	simm.s32 $0x17670;
	[tilespmem:s3+$0x0] =	vst v16  }
0x2d0: {  	[tilespmem:s6+$0xFFFFFF90] =	vst v12;
	v12 =	vld.idx.msk [tilespmem:v19+s17+$0x0], $0xffff;
	v16 =	vadd.f32 v17, v18  }
0x2d1: {  	v17 =	vld.idx.msk [tilespmem:v22+s17+$0x0], $0xffff  }
0x2d2: {  	[tilespmem:s8+$0x10] =	vst v16  }
0x2d3: {  	v15 =	vmul.f32 $8.000000000e+00, v15;
	v16 =	vor.u32 v2, v21;
	v19 =	vld.idx.msk [tilespmem:v20+s17+$0x0], $0xffff;
	_ =	sdelay $0x1  }
0x2d4: {  	v12 =	vmul.f32 $8.000000000e+00, v12;
	v20 =	vor.u32 v2, v13;
	v15 =	vadd.f32 v15, v11  }
0x2d5: {  	s30 =	simm.s32 $0x4;
	v17 =	vmul.f32 $8.000000000e+00, v17  }
0x2d6: {  	v23 =	vmov s30;
	v22 =	vor.u32 v2, v9;
	v12 =	vadd.f32 v12, v10;
	[tilespmem:s1+$0x10] =	vst v15  }
0x2d7: {  	s2 =	simm.s32 $0x5;
	v15 =	vadd.f32 v17, v8;
	v17 =	vld.idx.msk [tilespmem:v16+s17+$0x0], $0xffff;
	v16 =	vmul.f32 $8.000000000e+00, v19;
	v19 =	vand.u32 $0x3C, v23  }
0x2d8: {  	s11 =	simm.s32 $0x6;
	s9 =	simm.s32 $0x7;
	v24 =	vor.u32 v3, v14;
	[tilespmem:s3+$0x10] =	vst v12;
	v23 =	vmov s2;
	v12 =	vbroadcast v19, $0x0  }
0x2d9: {  	[tilespmem:s6+$0xFFFFFFA0] =	vst v15;
	v15 =	vld.idx.msk [tilespmem:v20+s17+$0x0], $0xffff;
	v19 =	vmov s9;
	v20 =	vmov s11;
	v16 =	vadd.f32 v16, v18  }
0x2da: {  	v23 =	vand.u32 $0x3D, v23;
	v19 =	vand.u32 $0x3F, v19;
	v20 =	vand.u32 $0x3E, v20  }
0x2db: {  	v25 =	vor.u32 v0, v12;
	v20 =	vbroadcast v20, $0x0;
	[tilespmem:s8+$0x20] =	vst v16;
	v16 =	vbroadcast v19, $0x0  }
0x2dc: {  	v22 =	vld.idx.msk [tilespmem:v22+s17+$0x0], $0xffff;
	v19 =	vbroadcast v23, $0x0;
	v23 =	vor.u32 v3, v21;
	v17 =	vmul.f32 $8.000000000e+00, v17  }
0x2dd: {  	s18 =	sadd.s32 $0x4, s10;
	v24 =	vld.idx.msk [tilespmem:v24+s17+$0x0], $0xffff;
	v31 =	vor.u32 v0, v20  }
0x2de: {  	s0 =	sadd.s32 $0xC2, s18;
	v33 =	vor.u32 v4, v14;
	v27 =	vor.u32 v0, v16;
	v17 =	vadd.f32 v17, v11  }
0x2df: {  	v34 =	vmov s0;
	s21 =	sadd.s32 $0xC3, s18;
	v28 =	vor.u32 v3, v13;
	s9 =	sadd.s32 $0xC0, s18;
	v15 =	vmul.f32 $8.000000000e+00, v15  }
0x2e0: {  	s22 =	sadd.s32 $0xC1, s18;
	v26 =	vor.u32 v3, v9;
	v30 =	vmov s21;
	v32 =	vmov s9;
	v25 =	vld.idx.msk [tilespmem:v25+s17+$0x0], $0xffff;
	[tilespmem:s1+$0x20] =	vst v17  }
0x2e1: {  	v22 =	vmul.f32 $8.000000000e+00, v22;
	v15 =	vadd.f32 v15, v10;
	v17 =	vmov s22;
	v23 =	vld.idx.msk [tilespmem:v23+s17+$0x0], $0xffff  }
0x2e2: {  	v29 =	vor.u32 v0, v19;
	v17 =	vand.u32 $0xFFFFFFFD, v17;
	v24 =	vmul.f32 $8.000000000e+00, v24;
	v31 =	vld.idx.msk [tilespmem:v31+s17+$0x0], $0xffff  }
0x2e3: {  	v22 =	vadd.f32 v22, v8;
	[tilespmem:s3+$0x20] =	vst v15;
	v15 =	vand.u32 $0xFFFFFFFE, v34;
	v17 =	vbroadcast v17, $0x0;
	v27 =	vld.idx.msk [tilespmem:v27+s17+$0x0], $0xffff  }
0x2e4: {  	v32 =	vand.u32 $0xFFFFFFFC, v32;
	v28 =	vld.idx.msk [tilespmem:v28+s17+$0x0], $0xffff;
	v34 =	vbroadcast v15, $0x0;
	v24 =	vadd.f32 v24, v18  }
0x2e5: {  	v15 =	vld.idx.msk [tilespmem:v30+s12+$0x0], $0xffff;
	[tilespmem:s6+$0xFFFFFFB0] =	vst v22;
	v22 =	vbroadcast v32, $0x0  }
0x2e6: {  	v26 =	vld.idx.msk [tilespmem:v26+s17+$0x0], $0xffff;
	[tilespmem:s8+$0x30] =	vst v24  }
0x2e7: {  	v48 =	vor.u32 v4, v21;
	v23 =	vmul.f32 $8.000000000e+00, v23;
	v30 =	vld.idx.msk [tilespmem:v33+s17+$0x0], $0xffff  }
0x2e8: {  	s23 =	simm.s32 $0x200;
	v35 =	vor.u32 v1, v16;
	v29 =	vld.idx.msk [tilespmem:v29+s17+$0x0], $0xffff;
	v27 =	vmul.f32 $8.000000000e+00, v27  }
0x2e9: {  	s28 =	simm.s32 $0x8;
	s26 =	simm.s32 $0x380;
	s0 =	sand.u32 $0x1C00, s23;
	v37 =	vor.u32 v4, v13;
	v17 =	vld.idx.msk [tilespmem:v17+s12+$0x0], $0xffff;
	v36 =	vadd.f32 v23, v11;
	v28 =	vmul.f32 $8.000000000e+00, v28  }
0x2ea: {  	v49 =	vmov s28;
	s25 =	sand.u32 $0x380, s26;
	s24 =	sadd.s32 $0x17600, s0;
	v38 =	vor.u32 v4, v9;
	v24 =	vld.idx.msk [tilespmem:v34+s12+$0x0], $0xffff;
	v27 =	vadd.f32 v27, v15  }
0x2eb: {  	s0 =	sadd.s32 s25, s24;
	v61 =	vor.u32 v5, v9;
	v26 =	vmul.f32 $8.000000000e+00, v26;
	v23 =	vld.idx.msk [tilespmem:v22+s12+$0x0], $0xffff;
	[tilespmem:s1+$0x30] =	vst v36;
	v22 =	vadd.f32 v28, v10  }
0x2ec: {  	v59 =	vor.u32 v5, v13;
	v28 =	vmul.f32 $8.000000000e+00, v30;
	v30 =	vor.u32 v5, v14;
	[tilespmem:s0+$0x0] =	vst v27;
	v27 =	vld.idx.msk [tilespmem:v48+s17+$0x0], $0xffff  }
0x2ed: {  	v50 =	vor.u32 v1, v19;
	v29 =	vmul.f32 $8.000000000e+00, v29;
	v26 =	vadd.f32 v26, v8;
	[tilespmem:s3+$0x30] =	vst v22;
	v35 =	vld.idx.msk [tilespmem:v35+s17+$0x0], $0xffff  }
0x2ee: {  	s29 =	simm.s32 $0x280;
	v51 =	vor.u32 v1, v20;
	v22 =	vmul.f32 $8.000000000e+00, v31;
	v31 =	vld.idx.msk [tilespmem:v37+s17+$0x0], $0xffff;
	v28 =	vadd.f32 v28, v18  }
0x2ef: {  	s11 =	simm.s32 $0x300;
	s9 =	sand.u32 $0x280, s29;
	v52 =	vor.u32 v1, v12;
	v25 =	vmul.f32 $8.000000000e+00, v25;
	v29 =	vadd.f32 v29, v17;
	[tilespmem:s6+$0xFFFFFFC0] =	vst v26  }
0x2f0: {  	s18 =	sand.u32 $0x300, s11;
	s11 =	sadd.s32 s9, s24;
	v57 =	vor.u32 v2, v16;
	v26 =	vand.u32 $0x3C, v49;
	v53 =	vadd.f32 v22, v24;
	v54 =	vld.idx.msk [tilespmem:v38+s17+$0x0], $0xffff;
	[tilespmem:s8+$0x40] =	vst v28  }
0x2f1: {  	s30 =	simm.s32 $0x9;
	s21 =	sadd.s32 s18, s24;
	v25 =	vadd.f32 v25, v23;
	[tilespmem:s11+$0x0] =	vst v29;
	v29 =	vld.idx.msk [tilespmem:v30+s17+$0x0], $0xffff;
	v27 =	vmul.f32 $8.000000000e+00, v27;
	v30 =	vor.u32 v5, v21  }
0x2f2: {  	s23 =	simm.s32 $0x17870;
	v22 =	vbroadcast v26, $0x0;
	v28 =	vmov s30;
	v26 =	vld.idx.msk [tilespmem:v50+s17+$0x0], $0xffff;
	[tilespmem:s21+$0x0] =	vst v53;
	v56 =	vmul.f32 $8.000000000e+00, v35  }
0x2f3: {  	[tilespmem:s23+$0xFFFFFF90] =	vst v25;
	v28 =	vand.u32 $0x3D, v28;
	v32 =	vld.idx.msk [tilespmem:v51+s17+$0x0], $0xffff;
	v31 =	vmul.f32 $8.000000000e+00, v31;
	v27 =	vadd.f32 v27, v11  }
0x2f4: {  	v42 =	vor.u32 v2, v12;
	v58 =	vld.idx.msk [tilespmem:v52+s17+$0x0], $0xffff;
	v25 =	vbroadcast v28, $0x0;
	v28 =	vadd.f32 v56, v15  }
0x2f5: {  	v62 =	vor.u32 v2, v20;
	s22 =	simm.s32 $0xA;
	v60 =	vmul.f32 $8.000000000e+00, v54;
	[tilespmem:s1+$0x40] =	vst v27;
	v27 =	vadd.f32 v31, v10  }
0x2f6: {  	v55 =	vmov s22;
	[tilespmem:s0+$0x10] =	vst v28;
	v28 =	vld.idx.msk [tilespmem:v30+s17+$0x0], $0xffff;
	v29 =	vmul.f32 $8.000000000e+00, v29;
	v30 =	vor.u32 v6, v14  }
0x2f7: {  	v26 =	vmul.f32 $8.000000000e+00, v26;
	v31 =	vor.u32 v2, v19;
	v33 =	vadd.f32 v60, v8;
	v34 =	vld.idx.msk [tilespmem:v57+s17+$0x0], $0xffff;
	[tilespmem:s3+$0x40] =	vst v27  }
0x2f8: {  	v36 =	vor.u32 v6, v21;
	v27 =	vmul.f32 $8.000000000e+00, v32;
	v39 =	vld.idx.msk [tilespmem:v59+s17+$0x0], $0xffff;
	v29 =	vadd.f32 v29, v18  }
0x2f9: {  	v38 =	vand.u32 $0x3E, v55;
	v35 =	vmul.f32 $8.000000000e+00, v58;
	v63 =	vadd.f32 v26, v17;
	[tilespmem:s6+$0xFFFFFFD0] =	vst v33  }
0x2fa: {  	v26 =	vbroadcast v38, $0x0;
	v33 =	vor.u32 v3, v12;
	v37 =	vld.idx.msk [tilespmem:v61+s17+$0x0], $0xffff;
	v41 =	vadd.f32 v27, v24;
	[tilespmem:s8+$0x50] =	vst v29  }
0x2fb: {  	v38 =	vor.u32 v3, v19;
	[tilespmem:s11+$0x10] =	vst v63;
	v29 =	vadd.f32 v35, v23;
	v35 =	vld.idx.msk [tilespmem:v30+s17+$0x0], $0xffff;
	v28 =	vmul.f32 $8.000000000e+00, v28  }
0x2fc: {  	v27 =	vor.u32 v6, v9;
	v40 =	vld.idx.msk [tilespmem:v31+s17+$0x0], $0xffff;
	[tilespmem:s21+$0x10] =	vst v41;
	v41 =	vor.u32 v3, v16;
	v45 =	vmul.f32 $8.000000000e+00, v34  }
0x2fd: {  	[tilespmem:s23+$0xFFFFFFA0] =	vst v29;
	v43 =	vld.idx.msk [tilespmem:v62+s17+$0x0], $0xffff;
	v34 =	vor.u32 v6, v13;
	v44 =	vadd.f32 v28, v11;
	v39 =	vmul.f32 $8.000000000e+00, v39  }
0x2fe: {  	s18 =	simm.s32 $0xB;
	s9 =	simm.s32 $0xC;
	s24 =	simm.s32 $0x17870;
	v31 =	vor.u32 v0, v22;
	v30 =	vor.u32 v0, v25;
	v42 =	vld.idx.msk [tilespmem:v42+s17+$0x0], $0xffff;
	v45 =	vadd.f32 v45, v15  }
.LBB2_21:
0x2ff: {  	p0 =	slt.u32 s9, $0x3C;
	v32 =	vmov s18;
	v37 =	vmul.f32 $8.000000000e+00, v37;
	[tilespmem:s1+$0x50] =	vst v44;
	v39 =	vadd.f32 v39, v10;
	v28 =	vmovc v23;
	v29 =	vmovc v24  }
0x300: {  	v23 =	vand.u32 $0x3F, v32;
	[tilespmem:s0+$0x20] =	vst v45;
	v24 =	vld.idx.msk [tilespmem:v36+s17+$0x0], $0xffff;
	v32 =	vmul.f32 $8.000000000e+00, v35;
	v35 =	vor.u32 v7, v14;
	v14 =	vmovc v16  }
0x301: {  	v16 =	vbroadcast v23, $0x0;
	v23 =	vmul.f32 $8.000000000e+00, v40;
	v36 =	vld.idx.msk [tilespmem:v41+s17+$0x0], $0xffff;
	v37 =	vadd.f32 v37, v8;
	[tilespmem:s3+$0x50] =	vst v39  }
0x302: {  	v39 =	vmul.f32 $8.000000000e+00, v43;
	v40 =	vor.u32 v3, v20;
	v34 =	vld.idx.msk [tilespmem:v34+s17+$0x0], $0xffff;
	v32 =	vadd.f32 v32, v18  }
0x303: {  	s2 =	sadd.s32 s28, s10;
	s28 =	smov.u32 s9;
	v42 =	vmul.f32 $8.000000000e+00, v42;
	v31 =	vld.idx.msk [tilespmem:v31+s17+$0x0], $0xffff;
	v41 =	vor.u32 v0, v16;
	v23 =	vadd.f32 v23, v17;
	[tilespmem:s6+$0xFFFFFFE0] =	vst v37  }
0x304: {  	s18 =	sadd.s32 $0xC0, s2;
	s22 =	sadd.s32 $0xC1, s2;
	s25 =	sadd.s32 $0xC3, s2;
	v37 =	vor.u32 v0, v26;
	v39 =	vadd.f32 v39, v29;
	v27 =	vld.idx.msk [tilespmem:v27+s17+$0x0], $0xffff;
	[tilespmem:s8+$0x60] =	vst v32  }
0x305: {  	s2 =	sadd.s32 $0xC2, s2;
	v43 =	vmov s22;
	v44 =	vmov s25;
	v32 =	vmov s18;
	v35 =	vld.idx.msk [tilespmem:v35+s17+$0x0], $0xffff  }
0x306: {  	v45 =	vmov s2;
	v43 =	vand.u32 $0xFFFFFFFD, v43;
	v32 =	vand.u32 $0xFFFFFFFC, v32;
	v30 =	vld.idx.msk [tilespmem:v30+s17+$0x0], $0xffff;
	[tilespmem:s11+$0x20] =	vst v23  }
0x307: {  	v23 =	vand.u32 $0xFFFFFFFE, v45;
	v36 =	vmul.f32 $8.000000000e+00, v36;
	v38 =	vld.idx.msk [tilespmem:v38+s17+$0x0], $0xffff;
	[tilespmem:s21+$0x20] =	vst v39;
	v39 =	vor.u32 v4, v14  }
0x308: {  	v43 =	vbroadcast v43, $0x0;
	v42 =	vadd.f32 v42, v28;
	v32 =	vbroadcast v32, $0x0;
	v41 =	vld.idx.msk [tilespmem:v41+s17+$0x0], $0xffff  }
0x309: {  	v24 =	vmul.f32 $8.000000000e+00, v24;
	v45 =	vbroadcast v23, $0x0;
	v23 =	vadd.f32 v36, v15;
	v40 =	vld.idx.msk [tilespmem:v40+s17+$0x0], $0xffff  }
0x30a: {  	v34 =	vmul.f32 $8.000000000e+00, v34;
	v27 =	vmul.f32 $8.000000000e+00, v27;
	v36 =	vld.idx.msk [tilespmem:v44+s12+$0x0], $0xffff;
	[tilespmem:s23+$0xFFFFFFB0] =	vst v42  }
0x30b: {  	v42 =	vmov s9;
	v33 =	vld.idx.msk [tilespmem:v33+s17+$0x0], $0xffff;
	[tilespmem:s0+$0x30] =	vst v23;
	v23 =	vadd.f32 v24, v11;
	v24 =	vmul.f32 $8.000000000e+00, v35  }
0x30c: {  	v21 =	vor.u32 v7, v21;
	v34 =	vadd.f32 v34, v10;
	v27 =	vadd.f32 v27, v8;
	v35 =	vld.idx.msk [tilespmem:v39+s17+$0x0], $0xffff  }
0x30d: {  	s26 =	sadd.s32 $0x200, s26;
	v38 =	vmul.f32 $8.000000000e+00, v38;
	v39 =	vor.u32 v4, v19;
	v37 =	vld.idx.msk [tilespmem:v37+s17+$0x0], $0xffff;
	[tilespmem:s1+$0x60] =	vst v23;
	v18 =	vadd.f32 v24, v18  }
0x30e: {  	s2 =	sadd.s32 $0xFFFFFE80, s26;
	s22 =	sadd.s32 $0xFFFFFF80, s26;
	s18 =	sadd.s32 $0xFFFFFF00, s26;
	v44 =	vor.u32 v4, v12;
	v23 =	vld.idx.msk [tilespmem:v32+s12+$0x0], $0xffff;
	v32 =	vmul.f32 $8.000000000e+00, v41;
	v41 =	vor.u32 v1, v16;
	[tilespmem:s3+$0x60] =	vst v34  }
0x30f: {  	s2 =	sand.u32 $0x1C00, s2;
	s25 =	sand.u32 $0x300, s22;
	s18 =	sand.u32 $0x280, s18;
	v38 =	vadd.f32 v38, v17;
	v40 =	vmul.f32 $8.000000000e+00, v40;
	v34 =	vld.idx.msk [tilespmem:v43+s12+$0x0], $0xffff;
	v43 =	vor.u32 v4, v20;
	[tilespmem:s8+$0x70] =	vst v18  }
0x310: {  	v13 =	vor.u32 v7, v13;
	s29 =	sand.u32 $0x380, s26;
	s2 =	sadd.s32 $0x17600, s2;
	v42 =	vand.u32 $0x3C, v42;
	s8 =	smov.u32 s0;
	v24 =	vld.idx.msk [tilespmem:v45+s12+$0x0], $0xffff;
	v45 =	vadd.f32 v32, v36;
	[tilespmem:s6+$0xFFFFFFF0] =	vst v27  }
0x311: {  	s22 =	sadd.s32 s18, s2;
	s18 =	sadd.s32 s25, s2;
	s0 =	sadd.s32 s29, s2;
	v27 =	vor.u32 v1, v25;
	v32 =	vmul.f32 $8.000000000e+00, v33;
	v33 =	vadd.f32 v40, v29;
	[tilespmem:s11+$0x30] =	vst v38;
	v38 =	vld.idx.msk [tilespmem:v21+s17+$0x0], $0xffff  }
0x312: {  	v46 =	vmul.f32 $8.000000000e+00, v31;
	v35 =	vmul.f32 $8.000000000e+00, v35;
	v18 =	vmovc v15;
	[tilespmem:s0+$0x0] =	vst v45;
	v31 =	vld.idx.msk [tilespmem:v39+s17+$0x0], $0xffff;
	v39 =	vor.u32 v5, v14  }
0x313: {  	v30 =	vmul.f32 $8.000000000e+00, v30;
	v40 =	vor.u32 v1, v26;
	v32 =	vadd.f32 v32, v28;
	v41 =	vld.idx.msk [tilespmem:v41+s17+$0x0], $0xffff;
	[tilespmem:s21+$0x30] =	vst v33  }
0x314: {  	s2 =	sadd.s32 $0x1, s9;
	v15 =	vmovc v36;
	v37 =	vmul.f32 $8.000000000e+00, v37;
	v33 =	vadd.f32 v46, v23;
	v35 =	vadd.f32 v35, v18;
	v43 =	vld.idx.msk [tilespmem:v43+s17+$0x0], $0xffff  }
0x315: {  	v36 =	vmov s2;
	s2 =	sadd.s32 $0x2, s9;
	v21 =	vmovc v19;
	v45 =	vor.u32 v1, v22;
	v30 =	vadd.f32 v30, v34;
	[tilespmem:s23+$0xFFFFFFC0] =	vst v32;
	v32 =	vld.idx.msk [tilespmem:v13+s17+$0x0], $0xffff  }
0x316: {  	v46 =	vmov s2;
	v37 =	vadd.f32 v37, v24;
	v44 =	vld.idx.msk [tilespmem:v44+s17+$0x0], $0xffff;
	[tilespmem:s8+$0x40] =	vst v35;
	v35 =	vor.u32 v7, v9;
	v9 =	vmovc v12  }
0x317: {  	v19 =	vmovc v25;
	v36 =	vand.u32 $0x3D, v36;
	v38 =	vmul.f32 $8.000000000e+00, v38;
	v12 =	vmovc v22;
	v22 =	vbroadcast v42, $0x0;
	[tilespmem:s22+$0x0] =	vst v30;
	v30 =	vld.idx.msk [tilespmem:v39+s17+$0x0], $0xffff  }
0x318: {  	s23 =	sadd.s32 $0x200, s23;
	v13 =	vmovc v20;
	v39 =	vand.u32 $0x3E, v46;
	v25 =	vmul.f32 $8.000000000e+00, v31;
	v31 =	vor.u32 v5, v21;
	v27 =	vld.idx.msk [tilespmem:v27+s17+$0x0], $0xffff;
	[tilespmem:s18+$0x0] =	vst v37  }
0x319: {  	v46 =	vmul.f32 $8.000000000e+00, v41;
	v37 =	vor.u32 v2, v16;
	v38 =	vadd.f32 v38, v11;
	[tilespmem:s23+$0xFFFFFF90] =	vst v33;
	v33 =	vld.idx.msk [tilespmem:v40+s17+$0x0], $0xffff  }
0x31a: {  	v11 =	vmovc v17;
	v41 =	vadd.f32 v25, v17;
	v42 =	vmul.f32 $8.000000000e+00, v43;
	v43 =	vor.u32 v5, v13;
	v40 =	vld.idx.msk [tilespmem:v45+s17+$0x0], $0xffff  }
0x31b: {  	v25 =	vbroadcast v36, $0x0;
	v17 =	vmovc v34;
	v36 =	vadd.f32 v46, v15;
	v32 =	vmul.f32 $8.000000000e+00, v32;
	v35 =	vld.idx.msk [tilespmem:v35+s17+$0x0], $0xffff;
	[tilespmem:s1+$0x70] =	vst v38;
	s1 =	smov.u32 s11;
	s11 =	smov.u32 s22  }
0x31c: {  	v20 =	vmovc v26;
	v34 =	vmul.f32 $8.000000000e+00, v44;
	v38 =	vor.u32 v5, v9;
	[tilespmem:s1+$0x40] =	vst v41;
	v41 =	vadd.f32 v42, v29  }
0x31d: {  	v26 =	vmul.f32 $8.000000000e+00, v30;
	v30 =	vor.u32 v6, v14;
	v46 =	vadd.f32 v32, v10;
	[tilespmem:s0+$0x10] =	vst v36;
	v31 =	vld.idx.msk [tilespmem:v31+s17+$0x0], $0xffff  }
0x31e: {  	v32 =	vor.u32 v2, v19;
	v27 =	vmul.f32 $8.000000000e+00, v27;
	v34 =	vadd.f32 v34, v28;
	v42 =	vld.idx.msk [tilespmem:v37+s17+$0x0], $0xffff;
	[tilespmem:s21+$0x40] =	vst v41  }
0x31f: {  	v33 =	vmul.f32 $8.000000000e+00, v33;
	v41 =	vor.u32 v2, v20;
	v26 =	vadd.f32 v26, v18;
	v45 =	vld.idx.msk [tilespmem:v43+s17+$0x0], $0xffff;
	[tilespmem:s3+$0x70] =	vst v46;
	s3 =	smov.u32 s21;
	s21 =	smov.u32 s18  }
0x320: {  	v44 =	vor.u32 v2, v12;
	v10 =	vmovc v29;
	v36 =	vmul.f32 $8.000000000e+00, v40;
	v40 =	vadd.f32 v27, v17;
	[tilespmem:s24+$0xFFFFFFD0] =	vst v34  }
0x321: {  	v27 =	vor.u32 v6, v9;
	v29 =	vadd.f32 v33, v24;
	v34 =	vmul.f32 $8.000000000e+00, v35;
	v37 =	vld.idx.msk [tilespmem:v38+s17+$0x0], $0xffff;
	[tilespmem:s8+$0x50] =	vst v26  }
.Ltmp12:
0x322: {  	v33 =	vor.u32 v3, v12;
	v26 =	vbroadcast v39, $0x0;
	v38 =	vadd.f32 v36, v23;
	[tilespmem:s11+$0x10] =	vst v40;
	v35 =	vld.idx.msk [tilespmem:v30+s17+$0x0], $0xffff;
	(pc) =	sbr.rel @p0 .LBB2_21-.Ltmp12, $4  }
0x323: {  	v36 =	vor.u32 v6, v21;
	v46 =	vadd.f32 v34, v8;
	v40 =	vld.idx.msk [tilespmem:v32+s17+$0x0], $0xffff;
	[tilespmem:s21+$0x10] =	vst v29;
	v29 =	vmul.f32 $8.000000000e+00, v31  }
0x324: {  	v31 =	vor.u32 v0, v22;
	v32 =	vmul.f32 $8.000000000e+00, v42;
	[tilespmem:s23+$0xFFFFFFA0] =	vst v38;
	v43 =	vld.idx.msk [tilespmem:v41+s17+$0x0], $0xffff;
	v41 =	vor.u32 v3, v16  }
0x325: {  	v34 =	vor.u32 v6, v13;
	v39 =	vmul.f32 $8.000000000e+00, v45;
	v42 =	vld.idx.msk [tilespmem:v44+s17+$0x0], $0xffff;
	v44 =	vadd.f32 v29, v11;
	[tilespmem:s6+$0x0] =	vst v46;
	s6 =	smov.u32 s24;
	s24 =	smov.u32 s23  }
0x326: {  	s9 =	sadd.s32 $0x4, s9;
	s18 =	sadd.s32 $0x3, s28;
	v30 =	vor.u32 v0, v25;
	v8 =	vmovc v28;
	v38 =	vor.u32 v3, v19;
	v45 =	vadd.f32 v32, v15  }
0x327: {  	v28 =	vmov s18;
	s2 =	sadd.s32 s28, s10  }
0x328: {  	v28 =	vand.u32 $0x3F, v28;
	s9 =	sadd.s32 $0xC1, s2  }
0x329: {  	v32 =	vbroadcast v28, $0x0;
	v46 =	vmov s9  }
0x32a: {  	v29 =	vor.u32 v0, v26;
	s25 =	sadd.s32 $0xC2, s2;
	v46 =	vand.u32 $0xFFFFFFFD, v46  }
0x32b: {  	s22 =	sadd.s32 $0xC3, s2;
	s2 =	sadd.s32 $0xC0, s2;
	v48 =	vmov s25;
	v28 =	vor.u32 v0, v32;
	v46 =	vbroadcast v46, $0x0  }
0x32c: {  	v49 =	vmov s2;
	v48 =	vand.u32 $0xFFFFFFFE, v48  }
0x32d: {  	v50 =	vld.idx.msk [tilespmem:v31+s17+$0x0], $0xffff;
	v47 =	vmov s22;
	v58 =	vand.u32 $0xFFFFFFFC, v49;
	v48 =	vbroadcast v48, $0x0  }
0x32e: {  	v59 =	vld.idx.msk [tilespmem:v30+s17+$0x0], $0xffff;
	v51 =	vbroadcast v58, $0x0  }
0x32f: {  	v60 =	vld.idx.msk [tilespmem:v29+s17+$0x0], $0xffff  }
0x330: {  	v52 =	vld.idx.msk [tilespmem:v28+s17+$0x0], $0xffff  }
0x331: {  	v30 =	vld.idx.msk [tilespmem:v46+s12+$0x0], $0xffff  }
0x332: {  	v31 =	vld.idx.msk [tilespmem:v47+s12+$0x0], $0xffff  }
0x333: {  	s26 =	sadd.s32 $0x200, s26;
	v29 =	vld.idx.msk [tilespmem:v48+s12+$0x0], $0xffff  }
0x334: {  	v63 =	vor.u32 v1, v25;
	s28 =	sadd.s32 $0xFFFFFE80, s26;
	v49 =	vmul.f32 $8.000000000e+00, v59;
	v28 =	vld.idx.msk [tilespmem:v51+s12+$0x0], $0xffff  }
0x335: {  	s29 =	sadd.s32 $0xFFFFFF00, s26;
	s9 =	sand.u32 $0x1C00, s28;
	v62 =	vor.u32 v1, v32;
	v61 =	vmul.f32 $8.000000000e+00, v52  }
0x336: {  	v56 =	vor.u32 v1, v26;
	s18 =	sand.u32 $0x280, s29;
	s22 =	sadd.s32 $0x17600, s9;
	v47 =	vmul.f32 $8.000000000e+00, v60;
	v49 =	vadd.f32 v49, v30  }
0x337: {  	v53 =	vor.u32 v1, v22;
	s30 =	sand.u32 $0x380, s26;
	s2 =	sadd.s32 $0xFFFFFF80, s26;
	s18 =	sadd.s32 s18, s22;
	v50 =	vmul.f32 $8.000000000e+00, v50;
	v46 =	vadd.f32 v61, v31  }
0x338: {  	s2 =	sand.u32 $0x300, s2;
	s9 =	sadd.s32 s30, s22;
	v57 =	vadd.f32 v47, v29;
	[tilespmem:s18+$0x0] =	vst v49  }
0x339: {  	s22 =	sadd.s32 s2, s22;
	v59 =	vadd.f32 v50, v28;
	[tilespmem:s9+$0x0] =	vst v46;
	v49 =	vld.idx.msk [tilespmem:v63+s17+$0x0], $0xffff  }
0x33a: {  	s25 =	sadd.s32 $0x200, s23;
	[tilespmem:s22+$0x0] =	vst v57;
	v58 =	vld.idx.msk [tilespmem:v62+s17+$0x0], $0xffff  }
0x33b: {  	[tilespmem:s25+$0xFFFFFF90] =	vst v59;
	v46 =	vld.idx.msk [tilespmem:v56+s17+$0x0], $0xffff  }
0x33c: {  	v48 =	vld.idx.msk [tilespmem:v53+s17+$0x0], $0xffff;
	_ =	sdelay $0x1  }
0x33d: {  	v61 =	vor.u32 v2, v25;
	v49 =	vmul.f32 $8.000000000e+00, v49  }
0x33e: {  	v60 =	vor.u32 v2, v32;
	v47 =	vmul.f32 $8.000000000e+00, v58  }
0x33f: {  	v62 =	vor.u32 v2, v26;
	v46 =	vmul.f32 $8.000000000e+00, v46;
	v49 =	vadd.f32 v49, v30  }
0x340: {  	v63 =	vor.u32 v2, v22;
	v48 =	vmul.f32 $8.000000000e+00, v48;
	v47 =	vadd.f32 v47, v31  }
0x341: {  	v46 =	vadd.f32 v46, v29;
	[tilespmem:s18+$0x10] =	vst v49  }
0x342: {  	v40 =	vmul.f32 $8.000000000e+00, v40;
	v48 =	vadd.f32 v48, v28;
	[tilespmem:s9+$0x10] =	vst v47;
	v55 =	vld.idx.msk [tilespmem:v61+s17+$0x0], $0xffff  }
0x343: {  	v42 =	vmul.f32 $8.000000000e+00, v42;
	[tilespmem:s22+$0x10] =	vst v46;
	v47 =	vld.idx.msk [tilespmem:v60+s17+$0x0], $0xffff  }
0x344: {  	v40 =	vadd.f32 v40, v17;
	[tilespmem:s25+$0xFFFFFFA0] =	vst v48;
	v56 =	vld.idx.msk [tilespmem:v62+s17+$0x0], $0xffff  }
0x345: {  	[tilespmem:s1+$0x50] =	vst v44;
	v43 =	vmul.f32 $8.000000000e+00, v43;
	v57 =	vor.u32 v3, v20;
	v58 =	vld.idx.msk [tilespmem:v63+s17+$0x0], $0xffff;
	v61 =	vadd.f32 v42, v23  }
0x346: {  	[tilespmem:s11+$0x20] =	vst v40  }
0x347: {  	v43 =	vadd.f32 v43, v24;
	v38 =	vld.idx.msk [tilespmem:v38+s17+$0x0], $0xffff;
	v62 =	vor.u32 v3, v25;
	[tilespmem:s23+$0xFFFFFFB0] =	vst v61;
	v46 =	vmul.f32 $8.000000000e+00, v55  }
0x348: {  	v39 =	vadd.f32 v39, v10;
	[tilespmem:s0+$0x20] =	vst v45;
	v60 =	vor.u32 v3, v32;
	v33 =	vld.idx.msk [tilespmem:v33+s17+$0x0], $0xffff;
	v59 =	vmul.f32 $8.000000000e+00, v47  }
0x349: {  	v41 =	vld.idx.msk [tilespmem:v41+s17+$0x0], $0xffff;
	[tilespmem:s21+$0x20] =	vst v43;
	v53 =	vor.u32 v3, v26;
	v52 =	vmul.f32 $8.000000000e+00, v56;
	v46 =	vadd.f32 v46, v30  }
0x34a: {  	[tilespmem:s3+$0x50] =	vst v39;
	v54 =	vld.idx.msk [tilespmem:v57+s17+$0x0], $0xffff;
	v55 =	vor.u32 v3, v22;
	v56 =	vmul.f32 $8.000000000e+00, v58;
	v63 =	vadd.f32 v59, v31  }
0x34b: {  	v37 =	vmul.f32 $8.000000000e+00, v37;
	v36 =	vld.idx.msk [tilespmem:v36+s17+$0x0], $0xffff;
	v57 =	vadd.f32 v52, v29;
	[tilespmem:s18+$0x20] =	vst v46  }
0x34c: {  	v38 =	vmul.f32 $8.000000000e+00, v38;
	v61 =	vor.u32 v4, v19;
	v59 =	vadd.f32 v56, v28;
	[tilespmem:s9+$0x20] =	vst v63;
	v42 =	vld.idx.msk [tilespmem:v62+s17+$0x0], $0xffff  }
0x34d: {  	v37 =	vadd.f32 v37, v8;
	v50 =	vor.u32 v4, v12;
	v33 =	vmul.f32 $8.000000000e+00, v33;
	[tilespmem:s22+$0x20] =	vst v57;
	v58 =	vld.idx.msk [tilespmem:v60+s17+$0x0], $0xffff  }
0x34e: {  	v41 =	vmul.f32 $8.000000000e+00, v41;
	v38 =	vadd.f32 v38, v17;
	[tilespmem:s25+$0xFFFFFFB0] =	vst v59;
	v62 =	vld.idx.msk [tilespmem:v53+s17+$0x0], $0xffff;
	v60 =	vor.u32 v4, v16  }
0x34f: {  	[tilespmem:s6+$0xFFFFFFE0] =	vst v37;
	v48 =	vmul.f32 $8.000000000e+00, v54;
	v49 =	vor.u32 v4, v20;
	v33 =	vadd.f32 v33, v23;
	v40 =	vld.idx.msk [tilespmem:v55+s17+$0x0], $0xffff  }
0x350: {  	v35 =	vmul.f32 $8.000000000e+00, v35;
	v14 =	vor.u32 v7, v14;
	v34 =	vld.idx.msk [tilespmem:v34+s17+$0x0], $0xffff;
	[tilespmem:s11+$0x30] =	vst v38;
	v63 =	vadd.f32 v41, v15  }
0x351: {  	v51 =	vadd.f32 v48, v24;
	v45 =	vld.idx.msk [tilespmem:v61+s17+$0x0], $0xffff;
	v55 =	vor.u32 v4, v25;
	[tilespmem:s23+$0xFFFFFFC0] =	vst v33;
	v54 =	vmul.f32 $8.000000000e+00, v42  }
0x352: {  	v35 =	vadd.f32 v35, v18;
	v53 =	vor.u32 v4, v32;
	[tilespmem:s0+$0x30] =	vst v63;
	v37 =	vld.idx.msk [tilespmem:v50+s17+$0x0], $0xffff;
	v52 =	vmul.f32 $8.000000000e+00, v58  }
0x353: {  	[tilespmem:s21+$0x30] =	vst v51;
	v57 =	vmul.f32 $8.000000000e+00, v62;
	v43 =	vld.idx.msk [tilespmem:v60+s17+$0x0], $0xffff;
	v58 =	vor.u32 v4, v26;
	v38 =	vadd.f32 v54, v30  }
0x354: {  	[tilespmem:s8+$0x60] =	vst v35;
	v47 =	vld.idx.msk [tilespmem:v49+s17+$0x0], $0xffff;
	v59 =	vor.u32 v4, v22;
	v40 =	vmul.f32 $8.000000000e+00, v40;
	v56 =	vadd.f32 v52, v31  }
0x355: {  	v14 =	vld.idx.msk [tilespmem:v14+s17+$0x0], $0xffff;
	v36 =	vmul.f32 $8.000000000e+00, v36;
	v60 =	vadd.f32 v57, v29;
	[tilespmem:s18+$0x30] =	vst v38  }
0x356: {  	v49 =	vor.u32 v5, v19;
	v48 =	vmul.f32 $8.000000000e+00, v45;
	v40 =	vadd.f32 v40, v28;
	[tilespmem:s9+$0x30] =	vst v56;
	v42 =	vld.idx.msk [tilespmem:v55+s17+$0x0], $0xffff  }
0x357: {  	v36 =	vadd.f32 v36, v11;
	v37 =	vmul.f32 $8.000000000e+00, v37;
	[tilespmem:s22+$0x30] =	vst v60;
	v55 =	vor.u32 v5, v12;
	v61 =	vld.idx.msk [tilespmem:v53+s17+$0x0], $0xffff  }
0x358: {  	v63 =	vor.u32 v5, v16;
	v54 =	vadd.f32 v48, v17;
	[tilespmem:s25+$0xFFFFFFC0] =	vst v40;
	v62 =	vmul.f32 $8.000000000e+00, v43;
	v50 =	vld.idx.msk [tilespmem:v58+s17+$0x0], $0xffff  }
0x359: {  	[tilespmem:s1+$0x60] =	vst v36;
	v52 =	vmul.f32 $8.000000000e+00, v47;
	v53 =	vor.u32 v5, v20;
	v33 =	vld.idx.msk [tilespmem:v59+s17+$0x0], $0xffff;
	v58 =	vadd.f32 v37, v23  }
0x35a: {  	v21 =	vor.u32 v7, v21;
	v27 =	vld.idx.msk [tilespmem:v27+s17+$0x0], $0xffff;
	v14 =	vmul.f32 $8.000000000e+00, v14;
	[tilespmem:s11+$0x40] =	vst v54;
	v51 =	vadd.f32 v62, v15  }
0x35b: {  	v60 =	vor.u32 v5, v25;
	v56 =	vadd.f32 v52, v24;
	v40 =	vld.idx.msk [tilespmem:v49+s17+$0x0], $0xffff;
	[tilespmem:s24+$0xFFFFFFD0] =	vst v58;
	v59 =	vmul.f32 $8.000000000e+00, v42  }
0x35c: {  	v14 =	vadd.f32 v14, v18;
	v57 =	vor.u32 v5, v32;
	[tilespmem:s0+$0x40] =	vst v51;
	v43 =	vld.idx.msk [tilespmem:v55+s17+$0x0], $0xffff;
	v38 =	vmul.f32 $8.000000000e+00, v61  }
0x35d: {  	[tilespmem:s21+$0x40] =	vst v56;
	v39 =	vld.idx.msk [tilespmem:v63+s17+$0x0], $0xffff;
	v62 =	vmul.f32 $8.000000000e+00, v50;
	v63 =	vor.u32 v5, v26;
	v47 =	vadd.f32 v59, v30  }
0x35e: {  	[tilespmem:s8+$0x70] =	vst v14;
	v48 =	vor.u32 v5, v22;
	v45 =	vld.idx.msk [tilespmem:v53+s17+$0x0], $0xffff;
	v33 =	vmul.f32 $8.000000000e+00, v33;
	v61 =	vadd.f32 v38, v31  }
0x35f: {  	v9 =	vor.u32 v7, v9;
	v27 =	vmul.f32 $8.000000000e+00, v27;
	v21 =	vld.idx.msk [tilespmem:v21+s17+$0x0], $0xffff;
	v49 =	vadd.f32 v62, v29;
	[tilespmem:s18+$0x40] =	vst v47  }
0x360: {  	v54 =	vmul.f32 $8.000000000e+00, v40;
	v55 =	vor.u32 v6, v19;
	v33 =	vadd.f32 v33, v28;
	[tilespmem:s9+$0x40] =	vst v61;
	v53 =	vld.idx.msk [tilespmem:v60+s17+$0x0], $0xffff  }
0x361: {  	v27 =	vadd.f32 v27, v8;
	[tilespmem:s22+$0x40] =	vst v49;
	v60 =	vor.u32 v6, v12;
	v61 =	vmul.f32 $8.000000000e+00, v43;
	v50 =	vld.idx.msk [tilespmem:v57+s17+$0x0], $0xffff  }
0x362: {  	v52 =	vor.u32 v6, v16;
	v18 =	vadd.f32 v54, v17;
	[tilespmem:s25+$0xFFFFFFD0] =	vst v33;
	v51 =	vmul.f32 $8.000000000e+00, v39;
	v56 =	vld.idx.msk [tilespmem:v63+s17+$0x0], $0xffff  }
0x363: {  	[tilespmem:s6+$0xFFFFFFF0] =	vst v27;
	v59 =	vor.u32 v6, v20;
	v58 =	vmul.f32 $8.000000000e+00, v45;
	v37 =	vld.idx.msk [tilespmem:v48+s17+$0x0], $0xffff;
	v46 =	vadd.f32 v61, v23  }
0x364: {  	v9 =	vld.idx.msk [tilespmem:v9+s17+$0x0], $0xffff;
	[tilespmem:s11+$0x50] =	vst v18;
	v57 =	vadd.f32 v51, v15  }
0x365: {  	v47 =	vor.u32 v6, v25;
	v35 =	vld.idx.msk [tilespmem:v55+s17+$0x0], $0xffff;
	v62 =	vadd.f32 v58, v24;
	[tilespmem:s24+$0xFFFFFFE0] =	vst v46;
	v41 =	vmul.f32 $8.000000000e+00, v53  }
0x366: {  	v34 =	vmul.f32 $8.000000000e+00, v34;
	v45 =	vor.u32 v6, v32;
	[tilespmem:s0+$0x50] =	vst v57;
	v14 =	vld.idx.msk [tilespmem:v60+s17+$0x0], $0xffff;
	v63 =	vmul.f32 $8.000000000e+00, v50  }
0x367: {  	[tilespmem:s21+$0x50] =	vst v62;
	v39 =	vld.idx.msk [tilespmem:v52+s17+$0x0], $0xffff;
	v49 =	vmul.f32 $8.000000000e+00, v56;
	v50 =	vor.u32 v6, v26;
	v41 =	vadd.f32 v41, v30  }
0x368: {  	v51 =	vor.u32 v6, v22;
	v36 =	vld.idx.msk [tilespmem:v59+s17+$0x0], $0xffff;
	v37 =	vmul.f32 $8.000000000e+00, v37;
	v48 =	vadd.f32 v63, v31  }
0x369: {  	v13 =	vor.u32 v7, v13;
	v9 =	vmul.f32 $8.000000000e+00, v9;
	v52 =	vadd.f32 v49, v29;
	[tilespmem:s18+$0x50] =	vst v41  }
0x36a: {  	v34 =	vadd.f32 v34, v10;
	v21 =	vmul.f32 $8.000000000e+00, v21;
	v37 =	vadd.f32 v37, v28;
	[tilespmem:s9+$0x50] =	vst v48;
	v56 =	vld.idx.msk [tilespmem:v47+s17+$0x0], $0xffff  }
0x36b: {  	v8 =	vadd.f32 v9, v8;
	v58 =	vmul.f32 $8.000000000e+00, v35;
	v59 =	vor.u32 v7, v19;
	[tilespmem:s22+$0x50] =	vst v52;
	v53 =	vld.idx.msk [tilespmem:v45+s17+$0x0], $0xffff  }
0x36c: {  	v55 =	vor.u32 v7, v16;
	[tilespmem:s25+$0xFFFFFFE0] =	vst v37;
	v63 =	vmul.f32 $8.000000000e+00, v14;
	v54 =	vmul.f32 $8.000000000e+00, v39;
	v33 =	vld.idx.msk [tilespmem:v50+s17+$0x0], $0xffff  }
0x36d: {  	[tilespmem:s3+$0x60] =	vst v34;
	v37 =	vor.u32 v7, v12;
	v61 =	vmul.f32 $8.000000000e+00, v36;
	v18 =	vld.idx.msk [tilespmem:v51+s17+$0x0], $0xffff;
	v36 =	vadd.f32 v58, v17  }
0x36e: {  	[tilespmem:s6+$0x0] =	vst v8;
	v42 =	vor.u32 v7, v25;
	v62 =	vor.u32 v7, v20;
	v60 =	vadd.f32 v54, v15  }
0x36f: {  	v13 =	vld.idx.msk [tilespmem:v13+s17+$0x0], $0xffff;
	v57 =	vadd.f32 v21, v11;
	v11 =	vadd.f32 v63, v23;
	[tilespmem:s11+$0x60] =	vst v36;
	v41 =	vmul.f32 $8.000000000e+00, v56  }
0x370: {  	v32 =	vor.u32 v7, v32;
	v38 =	vadd.f32 v61, v24;
	v19 =	vld.idx.msk [tilespmem:v59+s17+$0x0], $0xffff;
	[tilespmem:s0+$0x60] =	vst v60;
	v40 =	vmul.f32 $8.000000000e+00, v53  }
0x371: {  	v45 =	vor.u32 v7, v26;
	[tilespmem:s24+$0xFFFFFFF0] =	vst v11;
	v16 =	vld.idx.msk [tilespmem:v55+s17+$0x0], $0xffff;
	v44 =	vmul.f32 $8.000000000e+00, v33;
	v14 =	vadd.f32 v41, v30  }
0x372: {  	v47 =	vor.u32 v7, v22;
	[tilespmem:s21+$0x60] =	vst v38;
	v12 =	vld.idx.msk [tilespmem:v37+s17+$0x0], $0xffff;
	v18 =	vmul.f32 $8.000000000e+00, v18;
	v43 =	vadd.f32 v40, v31  }
0x373: {  	v46 =	vld.idx.msk [tilespmem:v62+s17+$0x0], $0xffff;
	v48 =	vadd.f32 v44, v29;
	[tilespmem:s18+$0x60] =	vst v14  }
0x374: {  	v13 =	vmul.f32 $8.000000000e+00, v13;
	v18 =	vadd.f32 v18, v28;
	[tilespmem:s9+$0x60] =	vst v43;
	v14 =	vld.idx.msk [tilespmem:v42+s17+$0x0], $0xffff  }
0x375: {  	v52 =	vmul.f32 $8.000000000e+00, v19;
	[tilespmem:s22+$0x60] =	vst v48;
	v49 =	vld.idx.msk [tilespmem:v32+s17+$0x0], $0xffff  }
0x376: {  	v50 =	vadd.f32 v13, v10;
	[tilespmem:s25+$0xFFFFFFF0] =	vst v18;
	v51 =	vmul.f32 $8.000000000e+00, v16;
	v53 =	vld.idx.msk [tilespmem:v45+s17+$0x0], $0xffff  }
0x377: {  	[tilespmem:s1+$0x70] =	vst v57;
	v56 =	vmul.f32 $8.000000000e+00, v12;
	v55 =	vld.idx.msk [tilespmem:v47+s17+$0x0], $0xffff;
	v8 =	vadd.f32 v52, v17  }
0x378: {  	[tilespmem:s3+$0x70] =	vst v50;
	v11 =	vmul.f32 $8.000000000e+00, v46;
	v54 =	vadd.f32 v51, v15  }
0x379: {  	[tilespmem:s11+$0x70] =	vst v8;
	v8 =	vadd.f32 v56, v23;
	v59 =	vmul.f32 $8.000000000e+00, v14  }
0x37a: {  	v57 =	vadd.f32 v11, v24;
	[tilespmem:s0+$0x70] =	vst v54;
	v58 =	vmul.f32 $8.000000000e+00, v49  }
0x37b: {  	s15 =	sadd.s32 $0x1, s15;
	[tilespmem:s24+$0x0] =	vst v8;
	v61 =	vmul.f32 $8.000000000e+00, v53;
	v8 =	vadd.f32 v59, v30  }
0x37c: {  	p0 =	sne.s32 s15, $0x32;
	[tilespmem:s21+$0x70] =	vst v57;
	v62 =	vmul.f32 $8.000000000e+00, v55;
	v60 =	vadd.f32 v58, v31  }
.Ltmp13:
0x37d: {  	s29 =	sshll.u32 s5, $0x12;
	v63 =	vadd.f32 v61, v29;
	[tilespmem:s18+$0x70] =	vst v8;
	(pc) =	sbr.rel @p0 .LBB2_2-.Ltmp13, $4  }
0x37e: {  	s0 =	sor.u32 s7, s29;
	v8 =	vadd.f32 v62, v28;
	[tilespmem:s9+$0x70] =	vst v60  }
0x37f: {  	s0 =	sshrl.u32 s0, $0x3;
	[tilespmem:s22+$0x70] =	vst v63  }
0x380: {  	s10 =	sadd.s32 $0x100, s10;
	s30 =	simm.s32 $0x17600;
	s0 =	sadd.s32 s31, s0;
	[tilespmem:s25+$0x0] =	vst v8  }
0x381: {  	[hbm4b:s0+s19] =	stream.strided.scatter [tilespmem:s30], [sflag:$0x8], $0x2000, s20, s19, $0x38;
	[tilespmem:$0x19600] =	vst v63  }
0x382: {  	s0 =	simm.s32 $0x5  }
0x383: {  	_ =	swait.ge [sflag:s0], $0x2000  }
0x384: {  	[sflag:s0] =	ssyncset.done $0x0  }
0x385: {  	s28 =	simm.s32 $0x6;
	[sflag:s0] =	ssyncadd.s32 $0xFFFFE000  }
0x386: {  	_ =	swait.ge [sflag:s28], $0x2000  }
0x387: {  	[sflag:s28] =	ssyncset.done $0x0  }
0x388: {  	s29 =	simm.s32 $0x7;
	[sflag:s28] =	ssyncadd.s32 $0xFFFFE000  }
0x389: {  	_ =	swait.ge [sflag:s29], $0x2000  }
0x38a: {  	[sflag:s29] =	ssyncset.done $0x0  }
0x38b: {  	s1 =	simm.s32 $0x8;
	[sflag:s29] =	ssyncadd.s32 $0xFFFFE000  }
0x38c: {  	_ =	swait.ge [sflag:s1], $0x2000  }
0x38d: {  	s2 =	rddreg [dreg:$0x6]  }
0x38e: {  	s30 =	rddreg [dreg:$0x5];
	s2 =	sadd.s32 $0x1, s2  }
0x38f: {  	p0 =	sne.s32 s2, s30  }
.Ltmp14:
0x390: {  	_ = 	snop;
	(pc) =	sbr.rel @p0 .LBB2_1-.Ltmp14, $3  }
0x391: {  	_ =	sdelay $0x1  }
0x392: {  	[sflag:s1] =	ssyncset.done $0x0  }
0x393: {  	[sflag:s1] =	ssyncadd.s32 $0xFFFFE000  }
0x394: {  	_ =	sfence.sel $0x180000  }
0x395: {  	[bflag:$0x0] =	sbarrier.arrive $0xFFFF  }
0x396: {  	_ =	strace $0x90000047  }
0x397: {  	s0 =	stileid.u32;
	[bflag:$0x2] =	sbarrier.arrive $0xFFFF  }
0x398: {  	p0 =	sne.s32 s0, $0x0;
	s0 =	rddreg [dreg:$0x2]  }
0x399: {  	s0 =	sadd.s32 @!p0 $0x100000, s0  }
0x39a: {  	[sflag:s0] =	ssyncadd.tile.s32 @!p0 $0x1;
	_ =	shalt  }
.Lfunc_end2:
_tile_overlayer_lowered:
.L_overlay_start_2:
0x39b: {  	(tag) =	ssettag $0x2  }
0x39c: {  	s0 =	rddreg [dreg:$0x0];
	s2 =	stileid.u32  }
0x39d: {  	s1 =	rddreg [dreg:$0x1];
	p0 =	sne.s32 s2, $0x0  }
0x39e: {  	s3 =	rddreg [dreg:$0x2];
	[bflag:$0x3] =	sbarrier.arrive $0xFFFF;
	s2 =	simm.s32 @!p0 $0x1C09  }
0x39f: {  	[timem:s3], [sflag:s2] =	dma.local @!p0 [hbm:s0], s1  }
0x3a0: {  	s0 =	simm.s32 @!p0 $0x9  }
0x3a1: {  	_ =	swait.ge @!p0 [sflag:s0], s1  }
0x3a2: {  	s1 =	ssub.s32 @!p0 $0x0, s1;
	[sflag:s0] =	ssyncset.done @!p0 $0x0  }
0x3a3: {  	[sflag:s0] =	ssyncadd.s32 @!p0 s1  }
0x3a4: {  	[bflag:$0x3] =	sbarrier.arrive $0xFFFF  }
0x3a5: {  	_ =	shalt  }

</sc_bundles>
